<compile_context>
chip_gen: v7x
topology: tpu7x:2x2x1
jax: 0.10.2.dev20260603
libtpu: 0.0.44.dev20260713+nightly
codegen_flags: <defaults>
</compile_context>

<pallas_src>
import functools

import numpy as np
import jax
import jax.numpy as jnp
from jax import lax
from jax.experimental import pallas as pl
from jax.experimental.pallas import tpu as pltpu
from jax.experimental.pallas import tpu_sc as plsc

B, C, NTOK, DK, DV, P, NHEADS = 1024, 8, 1, 64, 64, 8192, 2
HD = DK // NHEADS
N = B * NTOK
EPS = 1e-5
PC = 2048
NJ = P // PC


def _ln(x, g, b):
    m = jnp.mean(x, axis=-1, keepdims=True)
    v = jnp.mean((x - m) ** 2, axis=-1, keepdims=True)
    return (x - m) / jnp.sqrt(v + EPS) * g + b


def _bf16(x):
    return x.astype(jnp.bfloat16).astype(jnp.float32)


def _attn_kernel(xt_ref, ln1g_ref, ln1b_ref, win_ref, bin_ref, wout_ref,
                 bout_ref, ln2g_ref, ln2b_ref, w1_ref, b1_ref, w2_ref,
                 b2_ref, wdec_ref, bdec_ref, f_ref):
    ln1g = ln1g_ref[...]
    ln1b = ln1b_ref[...]
    win = win_ref[...]
    bin_ = bin_ref[...]

    q = []
    k = []
    v = []
    flat = []
    for c in range(C):
        xc = xt_ref[:, c * DK:(c + 1) * DK]
        flat.append(xc)
        h = _ln(xc, ln1g, ln1b)
        qkv = jnp.dot(h, win, preferred_element_type=jnp.float32) + bin_
        q.append(_bf16(qkv[:, :DK]))
        k.append(_bf16(qkv[:, DK:2 * DK]))
        v.append(_bf16(qkv[:, 2 * DK:]))

    dd = lax.broadcasted_iota(jnp.int32, (C * DK, NHEADS * C), 0)
    cc = lax.broadcasted_iota(jnp.int32, (C * DK, NHEADS * C), 1)
    hsel = jnp.where((dd // DK == cc % C) & ((dd % DK) // HD == cc // C),
                     1.0, 0.0).astype(jnp.float32)

    wout = wout_ref[...]
    bout = bout_ref[...]
    ln2g = ln2g_ref[...]
    ln2b = ln2b_ref[...]
    w1 = w1_ref[...]
    b1 = b1_ref[...]
    w2 = w2_ref[...]
    b2 = b2_ref[...]
    wdec = wdec_ref[...]
    bdec = bdec_ref[...]

    for l in range(C):
        ql = q[l]
        prod = jnp.concatenate([ql * k[m] for m in range(C)], axis=1)
        s = jnp.dot(prod, hsel, preferred_element_type=jnp.float32,
                    precision=jax.lax.Precision.HIGHEST)
        s = s / np.sqrt(HD)
        o_heads = []
        for h in range(NHEADS):
            sh = s[:, h * C:(h + 1) * C]
            sh = sh - jnp.max(sh, axis=1, keepdims=True)
            e = jnp.exp(sh)
            a = _bf16(e / jnp.sum(e, axis=1, keepdims=True))
            acc = a[:, 0:1] * v[0][:, h * HD:(h + 1) * HD]
            for m in range(1, C):
                acc = acc + a[:, m:m + 1] * v[m][:, h * HD:(h + 1) * HD]
            o_heads.append(acc)
        o = jnp.concatenate(o_heads, axis=1)
        o = jnp.dot(o, wout, preferred_element_type=jnp.float32) + bout
        mha = o + flat[l]
        g = _ln(mha, ln2g, ln2b)
        g = jnp.dot(g, w1, preferred_element_type=jnp.float32) + b1
        g = 0.5 * g * (1.0 + lax.erf(g / np.sqrt(2.0)))
        g = jnp.dot(g, w2, preferred_element_type=jnp.float32) + b2
        g = g + mha
        f_ref[l] = jnp.dot(g, wdec, preferred_element_type=jnp.float32) + bdec


def _dist_kernel(f_ref, keys_ref, idx_ref, best_ref):
    c = pl.program_id(0)
    j = pl.program_id(1)
    f = f_ref[0]
    kb = keys_ref[0]
    mmt = lax.dot_general(kb, f, (((1,), (1,)), ((), ())),
                          preferred_element_type=jnp.float32)
    k2 = jnp.sum(kb * kb, axis=1, keepdims=True) * 0.25
    s = mmt - k2
    m = jnp.max(s, axis=0, keepdims=True)
    row = lax.broadcasted_iota(jnp.int32, (PC, N), 0)
    li = jnp.min(jnp.where(s == m, row, jnp.int32(2 ** 30)),
                 axis=0, keepdims=True)
    gi = li + (j * PC + c * P)

    @pl.when(j == 0)
    def _init():
        best_ref[...] = m
        idx_ref[0] = gi

    @pl.when(j > 0)
    def _update():
        upd = m > best_ref[...]
        best_ref[...] = jnp.where(upd, m, best_ref[...])
        idx_ref[0] = jnp.where(upd, gi, idx_ref[0])


def _compute_f(xt, params):
    ops = [
        params['ln1_g'].reshape(1, DK), params['ln1_b'].reshape(1, DK),
        params['in_proj_w'].T, params['in_proj_b'].reshape(1, 3 * DK),
        params['out_proj_w'].T, params['out_proj_b'].reshape(1, DK),
        params['ln2_g'].reshape(1, DK), params['ln2_b'].reshape(1, DK),
        params['ffn1_w'].T, params['ffn1_b'].reshape(1, DK),
        params['ffn2_w'].T, params['ffn2_b'].reshape(1, DK),
        params['dec_w'].T, params['dec_b'].reshape(1, DK),
    ]
    return pl.pallas_call(
        _attn_kernel,
        out_shape=jax.ShapeDtypeStruct((C, N, DK), jnp.float32),
    )(xt, *ops)


def _compute_idx(f, keys):
    return pl.pallas_call(
        _dist_kernel,
        grid=(C, NJ),
        in_specs=[
            pl.BlockSpec((1, N, DK), lambda c, j: (c, 0, 0)),
            pl.BlockSpec((1, PC, DK), lambda c, j: (c, j, 0)),
        ],
        out_specs=pl.BlockSpec((1, 1, N), lambda c, j: (c, 0, 0)),
        out_shape=jax.ShapeDtypeStruct((C, 1, N), jnp.int32),
        scratch_shapes=[pltpu.VMEM((1, N), jnp.float32)],
    )(f, keys * 2.0)


def _gather_values(table, gidx):
    info = plsc.get_sparse_core_info()
    nw = info.num_cores * info.num_subcores
    bpw = (C * N) // nw
    wpc = N // bpw
    mesh = plsc.VectorSubcoreMesh(core_axis_name="c", subcore_axis_name="s")

    @functools.partial(
        pl.kernel, mesh=mesh,
        compiler_params=pltpu.CompilerParams(use_tc_tiling_on_sc=False),
        out_type=jax.ShapeDtypeStruct((N, C, DV), jnp.float32),
        scratch_types=[
            pltpu.VMEM((bpw,), jnp.int32),
            pltpu.VMEM((bpw, DV), jnp.float32),
            pltpu.SemaphoreType.DMA,
        ],
    )
    def gk(table_hbm, idx_hbm, out_hbm, idx_v, rows_v, sem):
        wid = lax.axis_index("s") * info.num_cores + lax.axis_index("c")
        cb = wid // wpc
        b0 = (wid % wpc) * bpw
        pltpu.sync_copy(idx_hbm.at[pl.ds(wid * bpw, bpw)], idx_v)
        pltpu.async_copy(table_hbm.at[idx_v], rows_v, sem).wait()
        pltpu.sync_copy(rows_v, out_hbm.at[pl.ds(b0, bpw), cb])

    return gk(table, gidx)


def kernel(x, keys, values, params):
    xt = x.astype(jnp.float32).reshape(N, C * DK)
    f = _compute_f(xt, params)
    idx = _compute_idx(f, keys)
    gidx = idx.reshape(C * N)
    table = values.reshape(C * P, DV)
    rows = _gather_values(table, gidx)
    return rows.reshape(B, C, NTOK, DV)

# --- scband reference (transcript-rebuilt; emitter-appended) ---
"""Pipeline reference for scband-key-value-bottleneck-12343736008844 (READ-ONLY COPY).

The authoritative reference and input builder live on the scoring server;
editing this copy changes nothing except your own understanding.
"""

import jax, jax.numpy as jnp
import numpy as np

B, C, NTOK, DK, DV, P, NHEADS = 1024, 8, 1, 64, 64, 8192, 2
EPS = 1e-5


def _layernorm(x, g, b):
    m = jnp.mean(x, axis=-1, keepdims=True)
    v = jnp.mean((x - m) ** 2, axis=-1, keepdims=True)
    return (x - m) / jnp.sqrt(v + EPS) * g + b


def _attention(keys, flatten, p):
    # Faithful port of Attention module (eval mode: dropout = identity).
    # nn.MultiheadAttention default batch_first=False: axis 0 (num_codebooks)
    # is the sequence axis, axis 1 (pairs + tokens) is the batch axis.
    c = keys.shape[0]
    x = jnp.concatenate([keys, flatten], axis=1)  # [c, P+BN, DK]
    h = _layernorm(x, p['ln1_g'], p['ln1_b'])
    qkv = h @ p['in_proj_w'].T + p['in_proj_b']
    q, k, v = jnp.split(qkv, 3, axis=-1)
    hd = DK // NHEADS
    q = q.reshape(c, -1, NHEADS, hd)
    k = k.reshape(c, -1, NHEADS, hd)
    v = v.reshape(c, -1, NHEADS, hd)
    scores = jnp.einsum('lnhd,mnhd->nhlm', q, k) / np.sqrt(hd)
    a = jax.nn.softmax(scores, axis=-1)
    o = jnp.einsum('nhlm,mnhd->lnhd', a, v).reshape(c, -1, DK)
    o = o @ p['out_proj_w'].T + p['out_proj_b']
    mha_h = o[:, keys.shape[1]:, :] + flatten  # slice off the codebook-key rows
    f = _layernorm(mha_h, p['ln2_g'], p['ln2_b'])
    f = f @ p['ffn1_w'].T + p['ffn1_b']
    f = jax.nn.gelu(f, approximate=False)
    f = f @ p['ffn2_w'].T + p['ffn2_b']
    f = f + mha_h
    return f @ p['dec_w'].T + p['dec_b']


def setup_inputs(seed: int = 0):
    key = jax.random.key(seed)
    ks = jax.random.split(key, 16)
    s = 1.0 / np.sqrt(DK)
    x = jax.random.normal(ks[0], (B, C, NTOK, DK), dtype=jnp.float32)
    keys = jax.random.normal(ks[1], (C, P, DK), dtype=jnp.float32)   # buffer
    values = jax.random.normal(ks[2], (C, P, DV), dtype=jnp.float32)  # nn.Parameter
    params = {
        'ln1_g': jnp.ones((DK,), jnp.float32), 'ln1_b': jnp.zeros((DK,), jnp.float32),
        'in_proj_w': jax.random.normal(ks[3], (3 * DK, DK), jnp.float32) * s,
        'in_proj_b': jnp.zeros((3 * DK,), jnp.float32),
        'out_proj_w': jax.random.normal(ks[4], (DK, DK), jnp.float32) * s,
        'out_proj_b': jnp.zeros((DK,), jnp.float32),
        'ln2_g': jnp.ones((DK,), jnp.float32), 'ln2_b': jnp.zeros((DK,), jnp.float32),
        'ffn1_w': jax.random.normal(ks[5], (DK, DK), jnp.float32) * s,
        'ffn1_b': jnp.zeros((DK,), jnp.float32),
        'ffn2_w': jax.random.normal(ks[6], (DK, DK), jnp.float32) * s,
        'ffn2_b': jnp.zeros((DK,), jnp.float32),
        'dec_w': jax.random.normal(ks[7], (DK, DK), jnp.float32) * s,
        'dec_b': jnp.zeros((DK,), jnp.float32),
    }
    return {'x': x, 'keys': keys, 'values': values, 'params': params}


def reference(x, keys, values, params):
    b, c, n, dk = x.shape
    flatten = jnp.transpose(x.astype(jnp.float32), (1, 0, 2, 3)).reshape(c, b * n, dk)
    f = _attention(keys, flatten, params)
    # negative squared euclidean distance to every key in each codebook
    dist = -(jnp.sum(f * f, axis=-1)[..., None]
             - 2.0 * jnp.einsum('cid,cjd->cij', f, keys)
             + jnp.sum(keys * keys, axis=-1)[:, None, :])  # [c, b*n, P]
    # gumbel_sample with temperature=0, topk=1 -> plain argmax
    keys_ind = jnp.argmax(dist, axis=-1)  # [c, b*n]
    quantized_values = jnp.take_along_axis(values, keys_ind[:, :, None], axis=1)  # [c, b*n, DV]
    out = jnp.transpose(quantized_values.reshape(c, b, n, DV), (1, 0, 2, 3))  # [b, c, n, DV]
    return out

if __name__ == "__main__":
    import jax
    _d = setup_inputs()
    print(jax.jit(kernel)(*tuple(_d.values())))

</pallas_src>

<mosaic_0001>
#map = affine_map<(d0, d1) -> (0, 0)>
#map1 = affine_map<(d0, d1) -> (0)>
#map2 = affine_map<(d0, d1) -> (0, 0, 0)>
module attributes {stable_mosaic.version = 14 : i64} {
  func.func @gk(%arg0: i32, %arg1: i32, %arg2: memref<65536x64xf32, #tpu.memory_space<hbm>>, %arg3: memref<8192xi32, #tpu.memory_space<hbm>>, %arg4: memref<1024x8x64xf32, #tpu.memory_space<hbm>>, %arg5: memref<256xi32, #tpu.memory_space<vmem>>, %arg6: memref<256x64xf32, #tpu.memory_space<vmem>>, %arg7: memref<!tpu.dma_semaphore, #tpu.memory_space<semaphore_mem>>) attributes {dimension_semantics = [#tpu.dimension_semantics<core_parallel>, #tpu.dimension_semantics<subcore_parallel>], iteration_bounds = array<i64: 2, 16>, scalar_prefetch = 0 : i64, scratch_operands = 3 : i64, tpu.core_type = #tpu.core_type<sc_vector_subcore>, window_params = [{transform_indices = #map}, {transform_indices = #map1}, {transform_indices = #map2}]} {
    %mul3A = arith.constant 2 : i32
    %mul3A_0 = arith.muli %arg1, %mul3A : i32
    %add3A = arith.addi %mul3A_0, %arg0 : i32
    %jit3A = arith.constant 4 : i32
    %div3A = arith.divsi %add3A, %jit3A : i32
    %sign3A = arith.constant 0 : i32
    %sign3A_1 = arith.cmpi sgt, %add3A, %sign3A : i32
    %sign3A_2 = arith.extui %sign3A_1 : i1 to i32
    %sign3A_3 = arith.constant 0 : i32
    %sign3A_4 = arith.cmpi slt, %add3A, %sign3A_3 : i32
    %sign3A_5 = arith.extui %sign3A_4 : i1 to i32
    %sign3A_6 = arith.subi %sign3A_2, %sign3A_5 : i32
    %sign3A_7 = arith.constant 0 : i32
    %sign3A_8 = arith.cmpi sgt, %jit3A, %sign3A_7 : i32
    %sign3A_9 = arith.extui %sign3A_8 : i1 to i32
    %sign3A_10 = arith.constant 0 : i32
    %sign3A_11 = arith.cmpi slt, %jit3A, %sign3A_10 : i32
    %sign3A_12 = arith.extui %sign3A_11 : i1 to i32
    %sign3A_13 = arith.subi %sign3A_9, %sign3A_12 : i32
    %ne3A = arith.cmpi ne, %sign3A_6, %sign3A_13 : i32
    %rem3A = arith.remsi %add3A, %jit3A : i32
    %ne3A_14 = arith.constant 0 : i32
    %ne3A_15 = arith.cmpi ne, %rem3A, %ne3A_14 : i32
    %and3A = arith.andi %ne3A, %ne3A_15 : i1
    %sub3A = arith.constant 1 : i32
    %sub3A_16 = arith.subi %div3A, %sub3A : i32
    %select_n3A = arith.select %and3A, %sub3A_16, %div3A : i32
    %jit3A_17 = arith.constant 4 : i32
    %eq3A = arith.constant 0 : i32
    %eq3A_18 = arith.cmpi eq, %jit3A_17, %eq3A : i32
    %jit3A_19 = arith.constant 1 : i32
    %select_n3A_20 = arith.select %eq3A_18, %jit3A_19, %jit3A_17 : i32
    %rem3A_21 = arith.remsi %add3A, %select_n3A_20 : i32
    %ne3A_22 = arith.constant 0 : i32
    %ne3A_23 = arith.cmpi ne, %rem3A_21, %ne3A_22 : i32
    %lt3A = arith.constant 0 : i32
    %lt3A_24 = arith.cmpi slt, %rem3A_21, %lt3A : i32
    %lt3A_25 = arith.constant 0 : i32
    %lt3A_26 = arith.cmpi slt, %select_n3A_20, %lt3A_25 : i32
    %ne3A_27 = arith.xori %lt3A_24, %lt3A_26 : i1
    %and3A_28 = arith.andi %ne3A_27, %ne3A_23 : i1
    %add3A_29 = arith.addi %rem3A_21, %select_n3A_20 : i32
    %select_n3A_30 = arith.select %and3A_28, %add3A_29, %rem3A_21 : i32
    %mul3A_31 = arith.constant 256 : i32
    %mul3A_32 = arith.muli %select_n3A_30, %mul3A_31 : i32
    %mul3A_33 = arith.constant 256 : i32
    %mul3A_34 = arith.muli %add3A, %mul3A_33 : i32
    "tpu.region"() ({
      %run_scoped3A = tpu.sem_alloc : memref<!tpu.dma_semaphore, #tpu.memory_space<semaphore_mem>>
      %dma_start3A_39 = tpu.memref_slice %arg3[%mul3A_34] : memref<8192xi32, #tpu.memory_space<hbm>> -> memref<256xi32, #tpu.memory_space<hbm>>
      %dma_start3A_40 = tpu.memref_slice %arg3[%mul3A_34] : memref<8192xi32, #tpu.memory_space<hbm>> -> memref<256xi32, #tpu.memory_space<hbm>>
      tpu.enqueue_dma source(%dma_start3A_40 : memref<256xi32, #tpu.memory_space<hbm>>) target(%arg5 : memref<256xi32, #tpu.memory_space<vmem>>) target_semaphore(%run_scoped3A : memref<!tpu.dma_semaphore, #tpu.memory_space<semaphore_mem>>)
      %dma_wait3A_41 = tpu.memref_slice %arg3[%mul3A_34] : memref<8192xi32, #tpu.memory_space<hbm>> -> memref<256xi32, #tpu.memory_space<hbm>>
      %dma_wait3A_42 = tpu.memref_slice %arg3[%mul3A_34] : memref<8192xi32, #tpu.memory_space<hbm>> -> memref<256xi32, #tpu.memory_space<hbm>>
      tpu.wait_dma2 semaphore(%run_scoped3A : memref<!tpu.dma_semaphore, #tpu.memory_space<semaphore_mem>>) src(%dma_wait3A_42 : memref<256xi32, #tpu.memory_space<hbm>>) dst(%arg5 : memref<256xi32, #tpu.memory_space<vmem>>)
      tpu.yield
    }) : () -> ()
    %dma_start3A = arith.constant 0 : i32
    %dma_start3A_35 = arith.constant 0 : i32
    %dma_start3A_36 = tpu.memref_slice %arg2[%dma_start3A, %dma_start3A_35] : memref<65536x64xf32, #tpu.memory_space<hbm>> -> memref<65536x64xf32, #tpu.memory_space<hbm>>
    tpu.enqueue_indirect_dma source(%dma_start3A_36 : memref<65536x64xf32, #tpu.memory_space<hbm>>) target(%arg6 : memref<256x64xf32, #tpu.memory_space<vmem>>) offsets(%arg5 : memref<256xi32, #tpu.memory_space<vmem>>) semaphore(%arg7 : memref<!tpu.dma_semaphore, #tpu.memory_space<semaphore_mem>>)
    %dma_wait3A = arith.constant 0 : i32
    %dma_wait3A_37 = arith.constant 0 : i32
    %dma_wait3A_38 = tpu.memref_slice %arg2[%dma_wait3A, %dma_wait3A_37] : memref<65536x64xf32, #tpu.memory_space<hbm>> -> memref<65536x64xf32, #tpu.memory_space<hbm>>
    tpu.wait_indirect_dma semaphore(%arg7 : memref<!tpu.dma_semaphore, #tpu.memory_space<semaphore_mem>>) src(%dma_wait3A_38 : memref<65536x64xf32, #tpu.memory_space<hbm>>) dst(%arg6 : memref<256x64xf32, #tpu.memory_space<vmem>>)
    "tpu.region"() ({
      %run_scoped3A = tpu.sem_alloc : memref<!tpu.dma_semaphore, #tpu.memory_space<semaphore_mem>>
      %dma_start3A_39 = arith.constant 0 : i32
      %dma_start3A_40 = tpu.memref_slice %arg4[%mul3A_32, %select_n3A, %dma_start3A_39] : memref<1024x8x64xf32, #tpu.memory_space<hbm>> -> memref<256x1x64xf32, #tpu.memory_space<hbm>>
      %dma_start3A_41 = tpu.memref_squeeze %dma_start3A_40 : memref<256x1x64xf32, #tpu.memory_space<hbm>> -> memref<256x64xf32, #tpu.memory_space<hbm>>
      %dma_start3A_42 = arith.constant 0 : i32
      %dma_start3A_43 = tpu.memref_slice %arg4[%mul3A_32, %select_n3A, %dma_start3A_42] : memref<1024x8x64xf32, #tpu.memory_space<hbm>> -> memref<256x1x64xf32, #tpu.memory_space<hbm>>
      %dma_start3A_44 = tpu.memref_squeeze %dma_start3A_43 : memref<256x1x64xf32, #tpu.memory_space<hbm>> -> memref<256x64xf32, #tpu.memory_space<hbm>>
      tpu.enqueue_dma source(%arg6 : memref<256x64xf32, #tpu.memory_space<vmem>>) target(%dma_start3A_44 : memref<256x64xf32, #tpu.memory_space<hbm>>) target_semaphore(%run_scoped3A : memref<!tpu.dma_semaphore, #tpu.memory_space<semaphore_mem>>)
      %dma_wait3A_45 = arith.constant 0 : i32
      %dma_wait3A_46 = tpu.memref_slice %arg4[%mul3A_32, %select_n3A, %dma_wait3A_45] : memref<1024x8x64xf32, #tpu.memory_space<hbm>> -> memref<256x1x64xf32, #tpu.memory_space<hbm>>
      %dma_wait3A_47 = tpu.memref_squeeze %dma_wait3A_46 : memref<256x1x64xf32, #tpu.memory_space<hbm>> -> memref<256x64xf32, #tpu.memory_space<hbm>>
      %dma_wait3A_48 = arith.constant 0 : i32
      %dma_wait3A_49 = tpu.memref_slice %arg4[%mul3A_32, %select_n3A, %dma_wait3A_48] : memref<1024x8x64xf32, #tpu.memory_space<hbm>> -> memref<256x1x64xf32, #tpu.memory_space<hbm>>
      %dma_wait3A_50 = tpu.memref_squeeze %dma_wait3A_49 : memref<256x1x64xf32, #tpu.memory_space<hbm>> -> memref<256x64xf32, #tpu.memory_space<hbm>>
      tpu.wait_dma2 semaphore(%run_scoped3A : memref<!tpu.dma_semaphore, #tpu.memory_space<semaphore_mem>>) src(%arg6 : memref<256x64xf32, #tpu.memory_space<vmem>>) dst(%dma_wait3A_50 : memref<256x64xf32, #tpu.memory_space<hbm>>)
      tpu.yield
    }) : () -> ()
    return
  }
}

module attributes {stable_mosaic.version = 14 : i64} {
  func.func @_dist_kernel(%arg0: i32, %arg1: i32, %arg2: memref<1x1024x64xf32, #tpu.memory_space<vmem>>, %arg3: memref<1x2048x64xf32, #tpu.memory_space<vmem>>, %arg4: memref<1x1x1024xi32, #tpu.memory_space<vmem>>, %arg5: memref<1x1024xf32, #tpu.memory_space<vmem>>) attributes {dimension_semantics = [#tpu.dimension_semantics<arbitrary>, #tpu.dimension_semantics<arbitrary>], iteration_bounds = array<i64: 8, 4>, scalar_prefetch = 0 : i64, scratch_operands = 1 : i64, tpu.core_type = #tpu.core_type<tc>, window_params = [{transform_indices = @transform_0, window_bounds = array<i64: 1, 1024, 64>}, {transform_indices = @transform_1, window_bounds = array<i64: 1, 2048, 64>}, {transform_indices = @transform_2, window_bounds = array<i64: 1, 1, 1024>}]} {
    %get3A = arith.constant 0 : index
    %get3A_0 = arith.constant 0 : index
    %get3A_1 = arith.constant 0 : index
    %get3A_2 = vector.load %arg2[%get3A, %get3A_0, %get3A_1] : memref<1x1024x64xf32, #tpu.memory_space<vmem>>, vector<1x1024x64xf32>
    %get3A_3 = vector.shape_cast %get3A_2 : vector<1x1024x64xf32> to vector<1024x64xf32>
    %get3A_4 = arith.constant 0 : index
    %get3A_5 = arith.constant 0 : index
    %get3A_6 = arith.constant 0 : index
    %get3A_7 = vector.load %arg3[%get3A_4, %get3A_5, %get3A_6] : memref<1x2048x64xf32, #tpu.memory_space<vmem>>, vector<1x2048x64xf32>
    %get3A_8 = vector.shape_cast %get3A_7 : vector<1x2048x64xf32> to vector<2048x64xf32>
    %dot_general3A = arith.constant dense<0.000000e+00> : vector<2048x1024xf32>
    %dot_general3A_9 = tpu.matmul %get3A_8, %get3A_3, %dot_general3A {dimension_numbers = #tpu.dot_dimension_numbers<[1], [1], [0], [0], [0, 0, 1, 0], [], []>, transpose_lhs_hint = false} : vector<2048x64xf32>, vector<1024x64xf32>, vector<2048x1024xf32> -> vector<2048x1024xf32>
    %mul3A = arith.mulf %get3A_8, %get3A_8 : vector<2048x64xf32>
    %reduce_sum3A = arith.constant dense<0.000000e+00> : vector<2048xf32>
    %reduce_sum3A_10 = vector.multi_reduction <add>, %mul3A, %reduce_sum3A [1] : vector<2048x64xf32> to vector<2048xf32>
    %broadcast_in_dim3A = vector.shape_cast %reduce_sum3A_10 : vector<2048xf32> to vector<2048x1xf32>
    %mul3A_11 = arith.constant 2.500000e-01 : f32
    %mul3A_12 = vector.broadcast %mul3A_11 : f32 to vector<2048x1xf32>
    %mul3A_13 = arith.mulf %broadcast_in_dim3A, %mul3A_12 : vector<2048x1xf32>
    %sub3A = vector.broadcast %mul3A_13 : vector<2048x1xf32> to vector<2048x1024xf32>
    %sub3A_14 = arith.subf %dot_general3A_9, %sub3A : vector<2048x1024xf32>
    %reduce_max3A = arith.constant dense<0xFF800000> : vector<1024xf32>
    %reduce_max3A_15 = vector.multi_reduction <maximumf>, %sub3A_14, %reduce_max3A [0] : vector<2048x1024xf32> to vector<1024xf32>
    %broadcast_in_dim3A_16 = vector.shape_cast %reduce_max3A_15 : vector<1024xf32> to vector<1x1024xf32>
    %iota3A = tpu.iota {dimensions = array<i32: 0>} : vector<2048x1024xi32>
    %eq3A = vector.broadcast %broadcast_in_dim3A_16 : vector<1x1024xf32> to vector<2048x1024xf32>
    %eq3A_17 = arith.cmpf oeq, %sub3A_14, %eq3A : vector<2048x1024xf32>
    %jit3A = arith.constant 1073741824 : i32
    %broadcast_in_dim3A_18 = vector.broadcast %jit3A : i32 to vector<2048x1024xi32>
    %select_n3A = arith.select %eq3A_17, %iota3A, %broadcast_in_dim3A_18 : vector<2048x1024xi1>, vector<2048x1024xi32>
    %reduce_min3A = arith.constant dense<2147483647> : vector<1024xi32>
    %reduce_min3A_19 = vector.multi_reduction <minsi>, %select_n3A, %reduce_min3A [0] : vector<2048x1024xi32> to vector<1024xi32>
    %broadcast_in_dim3A_20 = vector.shape_cast %reduce_min3A_19 : vector<1024xi32> to vector<1x1024xi32>
    %mul3A_21 = arith.constant 2048 : i32
    %mul3A_22 = arith.muli %arg1, %mul3A_21 : i32
    %mul3A_23 = arith.constant 8192 : i32
    %mul3A_24 = arith.muli %arg0, %mul3A_23 : i32
    %add3A = arith.addi %mul3A_22, %mul3A_24 : i32
    %add3A_25 = vector.broadcast %add3A : i32 to vector<1x1024xi32>
    %add3A_26 = arith.addi %broadcast_in_dim3A_20, %add3A_25 : vector<1x1024xi32>
    %eq3A_27 = arith.constant 0 : i32
    %eq3A_28 = arith.cmpi eq, %arg1, %eq3A_27 : i32
    %convert_element_type3A = arith.extui %eq3A_28 : i1 to i32
    %cond3A = arith.constant 0 : i32
    %cond3A_29 = arith.cmpi ne, %convert_element_type3A, %cond3A : i32
    scf.if %cond3A_29 {
      %swap3A = arith.constant 0 : index
      %swap3A_34 = arith.constant 0 : index
      %swap3A_35 = vector.load %arg5[%swap3A, %swap3A_34] : memref<1x1024xf32, #tpu.memory_space<vmem>>, vector<1x1024xf32>
      tpu.vector_store %arg5[%swap3A, %swap3A_34], %broadcast_in_dim3A_16 {strides = array<i32>} : memref<1x1024xf32, #tpu.memory_space<vmem>>, vector<1x1024xf32>,
      %swap3A_36 = arith.constant 0 : index
      %swap3A_37 = arith.constant 0 : index
      %swap3A_38 = arith.constant 0 : index
      %swap3A_39 = vector.load %arg4[%swap3A_36, %swap3A_37, %swap3A_38] : memref<1x1x1024xi32, #tpu.memory_space<vmem>>, vector<1x1x1024xi32>
      %swap3A_40 = vector.shape_cast %swap3A_39 : vector<1x1x1024xi32> to vector<1x1024xi32>
      %swap3A_41 = vector.shape_cast %add3A_26 : vector<1x1024xi32> to vector<1x1x1024xi32>
      tpu.vector_store %arg4[%swap3A_36, %swap3A_37, %swap3A_38], %swap3A_41 {strides = array<i32>} : memref<1x1x1024xi32, #tpu.memory_space<vmem>>, vector<1x1x1024xi32>,
    } else {
    }
    %gt3A = arith.constant 0 : i32
    %gt3A_30 = arith.cmpi sgt, %arg1, %gt3A : i32
    %convert_element_type3A_31 = arith.extui %gt3A_30 : i1 to i32
    %cond3A_32 = arith.constant 0 : i32
    %cond3A_33 = arith.cmpi ne, %convert_element_type3A_31, %cond3A_32 : i32
    scf.if %cond3A_33 {
      %get3A_34 = arith.constant 0 : index
      %get3A_35 = arith.constant 0 : index
      %get3A_36 = vector.load %arg5[%get3A_34, %get3A_35] : memref<1x1024xf32, #tpu.memory_space<vmem>>, vector<1x1024xf32>
      %gt3A_37 = arith.cmpf ogt, %broadcast_in_dim3A_16, %get3A_36 : vector<1x1024xf32>
      %get3A_38 = arith.constant 0 : index
      %get3A_39 = arith.constant 0 : index
      %get3A_40 = vector.load %arg5[%get3A_38, %get3A_39] : memref<1x1024xf32, #tpu.memory_space<vmem>>, vector<1x1024xf32>
      %select_n3A_41 = arith.select %gt3A_37, %broadcast_in_dim3A_16, %get3A_40 : vector<1x1024xi1>, vector<1x1024xf32>
      %swap3A = arith.constant 0 : index
      %swap3A_42 = arith.constant 0 : index
      %swap3A_43 = vector.load %arg5[%swap3A, %swap3A_42] : memref<1x1024xf32, #tpu.memory_space<vmem>>, vector<1x1024xf32>
      tpu.vector_store %arg5[%swap3A, %swap3A_42], %select_n3A_41 {strides = array<i32>} : memref<1x1024xf32, #tpu.memory_space<vmem>>, vector<1x1024xf32>,
      %get3A_44 = arith.constant 0 : index
      %get3A_45 = arith.constant 0 : index
      %get3A_46 = arith.constant 0 : index
      %get3A_47 = vector.load %arg4[%get3A_44, %get3A_45, %get3A_46] : memref<1x1x1024xi32, #tpu.memory_space<vmem>>, vector<1x1x1024xi32>
      %get3A_48 = vector.shape_cast %get3A_47 : vector<1x1x1024xi32> to vector<1x1024xi32>
      %select_n3A_49 = arith.select %gt3A_37, %add3A_26, %get3A_48 : vector<1x1024xi1>, vector<1x1024xi32>
      %swap3A_50 = arith.constant 0 : index
      %swap3A_51 = arith.constant 0 : index
      %swap3A_52 = arith.constant 0 : index
      %swap3A_53 = vector.load %arg4[%swap3A_50, %swap3A_51, %swap3A_52] : memref<1x1x1024xi32, #tpu.memory_space<vmem>>, vector<1x1x1024xi32>
      %swap3A_54 = vector.shape_cast %swap3A_53 : vector<1x1x1024xi32> to vector<1x1024xi32>
      %swap3A_55 = vector.shape_cast %select_n3A_49 : vector<1x1024xi32> to vector<1x1x1024xi32>
      tpu.vector_store %arg4[%swap3A_50, %swap3A_51, %swap3A_52], %swap3A_55 {strides = array<i32>} : memref<1x1x1024xi32, #tpu.memory_space<vmem>>, vector<1x1x1024xi32>,
    } else {
    }
    return
  }
  func.func @transform_0(%arg0: i32, %arg1: i32) -> (i32, i32, i32) {
    %c0_i32 = arith.constant 0 : i32
    %c0_i32_0 = arith.constant 0 : i32
    %c0_i32_1 = arith.constant 0 : i32
    return %arg0, %c0_i32, %c0_i32_0 : i32, i32, i32
  }
  func.func @transform_1(%arg0: i32, %arg1: i32) -> (i32, i32, i32) {
    %c0_i32 = arith.constant 0 : i32
    %c0_i32_0 = arith.constant 0 : i32
    return %arg0, %arg1, %c0_i32 : i32, i32, i32
  }
  func.func @transform_2(%arg0: i32, %arg1: i32) -> (i32, i32, i32) {
    %c0_i32 = arith.constant 0 : i32
    %c0_i32_0 = arith.constant 0 : i32
    %c0_i32_1 = arith.constant 0 : i32
    return %arg0, %c0_i32, %c0_i32_0 : i32, i32, i32
  }
}

module attributes {stable_mosaic.version = 14 : i64} {
  func.func @_attn_kernel(%arg0: memref<1024x512xf32, #tpu.memory_space<vmem>>, %arg1: memref<1x64xf32, #tpu.memory_space<vmem>>, %arg2: memref<1x64xf32, #tpu.memory_space<vmem>>, %arg3: memref<64x192xf32, #tpu.memory_space<vmem>>, %arg4: memref<1x192xf32, #tpu.memory_space<vmem>>, %arg5: memref<64x64xf32, #tpu.memory_space<vmem>>, %arg6: memref<1x64xf32, #tpu.memory_space<vmem>>, %arg7: memref<1x64xf32, #tpu.memory_space<vmem>>, %arg8: memref<1x64xf32, #tpu.memory_space<vmem>>, %arg9: memref<64x64xf32, #tpu.memory_space<vmem>>, %arg10: memref<1x64xf32, #tpu.memory_space<vmem>>, %arg11: memref<64x64xf32, #tpu.memory_space<vmem>>, %arg12: memref<1x64xf32, #tpu.memory_space<vmem>>, %arg13: memref<64x64xf32, #tpu.memory_space<vmem>>, %arg14: memref<1x64xf32, #tpu.memory_space<vmem>>, %arg15: memref<8x1024x64xf32, #tpu.memory_space<vmem>>) attributes {dimension_semantics = [], scalar_prefetch = 0 : i64, scratch_operands = 0 : i64, tpu.core_type = #tpu.core_type<tc>} {
    %get3A = arith.constant 0 : index
    %get3A_0 = arith.constant 0 : index
    %get3A_1 = vector.load %arg1[%get3A, %get3A_0] : memref<1x64xf32, #tpu.memory_space<vmem>>, vector<1x64xf32>
    %get3A_2 = arith.constant 0 : index
    %get3A_3 = arith.constant 0 : index
    %get3A_4 = vector.load %arg2[%get3A_2, %get3A_3] : memref<1x64xf32, #tpu.memory_space<vmem>>, vector<1x64xf32>
    %get3A_5 = arith.constant 0 : index
    %get3A_6 = arith.constant 0 : index
    %get3A_7 = vector.load %arg3[%get3A_5, %get3A_6] : memref<64x192xf32, #tpu.memory_space<vmem>>, vector<64x192xf32>
    %get3A_8 = arith.constant 0 : index
    %get3A_9 = arith.constant 0 : index
    %get3A_10 = vector.load %arg4[%get3A_8, %get3A_9] : memref<1x192xf32, #tpu.memory_space<vmem>>, vector<1x192xf32>
    %get3A_11 = arith.constant 0 : index
    %get3A_12 = arith.constant 0 : index
    %get3A_13 = vector.load %arg0[%get3A_11, %get3A_12] : memref<1024x512xf32, #tpu.memory_space<vmem>>, vector<1024x64xf32>
    %reduce_sum3A = arith.constant dense<0.000000e+00> : vector<1024xf32>
    %reduce_sum3A_14 = vector.multi_reduction <add>, %get3A_13, %reduce_sum3A [1] : vector<1024x64xf32> to vector<1024xf32>
    %broadcast_in_dim3A = vector.shape_cast %reduce_sum3A_14 : vector<1024xf32> to vector<1024x1xf32>
    %div3A = arith.constant 6.400000e+01 : f32
    %div3A_15 = vector.broadcast %div3A : f32 to vector<1024x1xf32>
    %div3A_16 = arith.divf %broadcast_in_dim3A, %div3A_15 : vector<1024x1xf32>
    %sub3A = vector.broadcast %div3A_16 : vector<1024x1xf32> to vector<1024x64xf32>
    %sub3A_17 = arith.subf %get3A_13, %sub3A : vector<1024x64xf32>
    %integer_pow3A = arith.mulf %sub3A_17, %sub3A_17 : vector<1024x64xf32>
    %reduce_sum3A_18 = arith.constant dense<0.000000e+00> : vector<1024xf32>
    %reduce_sum3A_19 = vector.multi_reduction <add>, %integer_pow3A, %reduce_sum3A_18 [1] : vector<1024x64xf32> to vector<1024xf32>
    %broadcast_in_dim3A_20 = vector.shape_cast %reduce_sum3A_19 : vector<1024xf32> to vector<1024x1xf32>
    %div3A_21 = arith.constant 6.400000e+01 : f32
    %div3A_22 = vector.broadcast %div3A_21 : f32 to vector<1024x1xf32>
    %div3A_23 = arith.divf %broadcast_in_dim3A_20, %div3A_22 : vector<1024x1xf32>
    %sub3A_24 = vector.broadcast %div3A_16 : vector<1024x1xf32> to vector<1024x64xf32>
    %sub3A_25 = arith.subf %get3A_13, %sub3A_24 : vector<1024x64xf32>
    %add3A = arith.constant 9.99999974E-6 : f32
    %add3A_26 = vector.broadcast %add3A : f32 to vector<1024x1xf32>
    %add3A_27 = arith.addf %div3A_23, %add3A_26 : vector<1024x1xf32>
    %sqrt3A = math.sqrt %add3A_27 : vector<1024x1xf32>
    %div3A_28 = vector.broadcast %sqrt3A : vector<1024x1xf32> to vector<1024x64xf32>
    %div3A_29 = arith.divf %sub3A_25, %div3A_28 : vector<1024x64xf32>
    %mul3A = vector.broadcast %get3A_1 : vector<1x64xf32> to vector<1024x64xf32>
    %mul3A_30 = arith.mulf %div3A_29, %mul3A : vector<1024x64xf32>
    %add3A_31 = vector.broadcast %get3A_4 : vector<1x64xf32> to vector<1024x64xf32>
    %add3A_32 = arith.addf %mul3A_30, %add3A_31 : vector<1024x64xf32>
    %dot_general3A = arith.constant dense<0.000000e+00> : vector<1024x192xf32>
    %dot_general3A_33 = tpu.matmul %add3A_32, %get3A_7, %dot_general3A {dimension_numbers = #tpu.dot_dimension_numbers<[1], [0], [0], [1], [0, 0, 1, 1], [], []>, transpose_lhs_hint = false} : vector<1024x64xf32>, vector<64x192xf32>, vector<1024x192xf32> -> vector<1024x192xf32>
    %add3A_34 = vector.broadcast %get3A_10 : vector<1x192xf32> to vector<1024x192xf32>
    %add3A_35 = arith.addf %dot_general3A_33, %add3A_34 : vector<1024x192xf32>
    %slice3A = vector.extract_strided_slice %add3A_35 {offsets = [0, 0], sizes = [1024, 64], strides = [1, 1]} : vector<1024x192xf32> to vector<1024x64xf32>
    %convert_element_type3A = arith.truncf %slice3A : vector<1024x64xf32> to vector<1024x64xbf16>
    %convert_element_type3A_36 = arith.extf %convert_element_type3A : vector<1024x64xbf16> to vector<1024x64xf32>
    %slice3A_37 = vector.extract_strided_slice %add3A_35 {offsets = [0, 64], sizes = [1024, 64], strides = [1, 1]} : vector<1024x192xf32> to vector<1024x64xf32>
    %convert_element_type3A_38 = arith.truncf %slice3A_37 : vector<1024x64xf32> to vector<1024x64xbf16>
    %convert_element_type3A_39 = arith.extf %convert_element_type3A_38 : vector<1024x64xbf16> to vector<1024x64xf32>
    %slice3A_40 = vector.extract_strided_slice %add3A_35 {offsets = [0, 128], sizes = [1024, 64], strides = [1, 1]} : vector<1024x192xf32> to vector<1024x64xf32>
    %convert_element_type3A_41 = arith.truncf %slice3A_40 : vector<1024x64xf32> to vector<1024x64xbf16>
    %convert_element_type3A_42 = arith.extf %convert_element_type3A_41 : vector<1024x64xbf16> to vector<1024x64xf32>
    %get3A_43 = arith.constant 0 : index
    %get3A_44 = arith.constant 64 : index
    %get3A_45 = vector.load %arg0[%get3A_43, %get3A_44] : memref<1024x512xf32, #tpu.memory_space<vmem>>, vector<1024x64xf32>
    %reduce_sum3A_46 = arith.constant dense<0.000000e+00> : vector<1024xf32>
    %reduce_sum3A_47 = vector.multi_reduction <add>, %get3A_45, %reduce_sum3A_46 [1] : vector<1024x64xf32> to vector<1024xf32>
    %broadcast_in_dim3A_48 = vector.shape_cast %reduce_sum3A_47 : vector<1024xf32> to vector<1024x1xf32>
    %div3A_49 = arith.constant 6.400000e+01 : f32
    %div3A_50 = vector.broadcast %div3A_49 : f32 to vector<1024x1xf32>
    %div3A_51 = arith.divf %broadcast_in_dim3A_48, %div3A_50 : vector<1024x1xf32>
    %sub3A_52 = vector.broadcast %div3A_51 : vector<1024x1xf32> to vector<1024x64xf32>
    %sub3A_53 = arith.subf %get3A_45, %sub3A_52 : vector<1024x64xf32>
    %integer_pow3A_54 = arith.mulf %sub3A_53, %sub3A_53 : vector<1024x64xf32>
    %reduce_sum3A_55 = arith.constant dense<0.000000e+00> : vector<1024xf32>
    %reduce_sum3A_56 = vector.multi_reduction <add>, %integer_pow3A_54, %reduce_sum3A_55 [1] : vector<1024x64xf32> to vector<1024xf32>
    %broadcast_in_dim3A_57 = vector.shape_cast %reduce_sum3A_56 : vector<1024xf32> to vector<1024x1xf32>
    %div3A_58 = arith.constant 6.400000e+01 : f32
    %div3A_59 = vector.broadcast %div3A_58 : f32 to vector<1024x1xf32>
    %div3A_60 = arith.divf %broadcast_in_dim3A_57, %div3A_59 : vector<1024x1xf32>
    %sub3A_61 = vector.broadcast %div3A_51 : vector<1024x1xf32> to vector<1024x64xf32>
    %sub3A_62 = arith.subf %get3A_45, %sub3A_61 : vector<1024x64xf32>
    %add3A_63 = arith.constant 9.99999974E-6 : f32
    %add3A_64 = vector.broadcast %add3A_63 : f32 to vector<1024x1xf32>
    %add3A_65 = arith.addf %div3A_60, %add3A_64 : vector<1024x1xf32>
    %sqrt3A_66 = math.sqrt %add3A_65 : vector<1024x1xf32>
    %div3A_67 = vector.broadcast %sqrt3A_66 : vector<1024x1xf32> to vector<1024x64xf32>
    %div3A_68 = arith.divf %sub3A_62, %div3A_67 : vector<1024x64xf32>
    %mul3A_69 = vector.broadcast %get3A_1 : vector<1x64xf32> to vector<1024x64xf32>
    %mul3A_70 = arith.mulf %div3A_68, %mul3A_69 : vector<1024x64xf32>
    %add3A_71 = vector.broadcast %get3A_4 : vector<1x64xf32> to vector<1024x64xf32>
    %add3A_72 = arith.addf %mul3A_70, %add3A_71 : vector<1024x64xf32>
    %dot_general3A_73 = arith.constant dense<0.000000e+00> : vector<1024x192xf32>
    %dot_general3A_74 = tpu.matmul %add3A_72, %get3A_7, %dot_general3A_73 {dimension_numbers = #tpu.dot_dimension_numbers<[1], [0], [0], [1], [0, 0, 1, 1], [], []>, transpose_lhs_hint = false} : vector<1024x64xf32>, vector<64x192xf32>, vector<1024x192xf32> -> vector<1024x192xf32>
    %add3A_75 = vector.broadcast %get3A_10 : vector<1x192xf32> to vector<1024x192xf32>
    %add3A_76 = arith.addf %dot_general3A_74, %add3A_75 : vector<1024x192xf32>
    %slice3A_77 = vector.extract_strided_slice %add3A_76 {offsets = [0, 0], sizes = [1024, 64], strides = [1, 1]} : vector<1024x192xf32> to vector<1024x64xf32>
    %convert_element_type3A_78 = arith.truncf %slice3A_77 : vector<1024x64xf32> to vector<1024x64xbf16>
    %convert_element_type3A_79 = arith.extf %convert_element_type3A_78 : vector<1024x64xbf16> to vector<1024x64xf32>
    %slice3A_80 = vector.extract_strided_slice %add3A_76 {offsets = [0, 64], sizes = [1024, 64], strides = [1, 1]} : vector<1024x192xf32> to vector<1024x64xf32>
    %convert_element_type3A_81 = arith.truncf %slice3A_80 : vector<1024x64xf32> to vector<1024x64xbf16>
    %convert_element_type3A_82 = arith.extf %convert_element_type3A_81 : vector<1024x64xbf16> to vector<1024x64xf32>
    %slice3A_83 = vector.extract_strided_slice %add3A_76 {offsets = [0, 128], sizes = [1024, 64], strides = [1, 1]} : vector<1024x192xf32> to vector<1024x64xf32>
    %convert_element_type3A_84 = arith.truncf %slice3A_83 : vector<1024x64xf32> to vector<1024x64xbf16>
    %convert_element_type3A_85 = arith.extf %convert_element_type3A_84 : vector<1024x64xbf16> to vector<1024x64xf32>
    %get3A_86 = arith.constant 0 : index
    %get3A_87 = arith.constant 128 : index
    %get3A_88 = vector.load %arg0[%get3A_86, %get3A_87] : memref<1024x512xf32, #tpu.memory_space<vmem>>, vector<1024x64xf32>
    %reduce_sum3A_89 = arith.constant dense<0.000000e+00> : vector<1024xf32>
    %reduce_sum3A_90 = vector.multi_reduction <add>, %get3A_88, %reduce_sum3A_89 [1] : vector<1024x64xf32> to vector<1024xf32>
    %broadcast_in_dim3A_91 = vector.shape_cast %reduce_sum3A_90 : vector<1024xf32> to vector<1024x1xf32>
    %div3A_92 = arith.constant 6.400000e+01 : f32
    %div3A_93 = vector.broadcast %div3A_92 : f32 to vector<1024x1xf32>
    %div3A_94 = arith.divf %broadcast_in_dim3A_91, %div3A_93 : vector<1024x1xf32>
    %sub3A_95 = vector.broadcast %div3A_94 : vector<1024x1xf32> to vector<1024x64xf32>
    %sub3A_96 = arith.subf %get3A_88, %sub3A_95 : vector<1024x64xf32>
    %integer_pow3A_97 = arith.mulf %sub3A_96, %sub3A_96 : vector<1024x64xf32>
    %reduce_sum3A_98 = arith.constant dense<0.000000e+00> : vector<1024xf32>
    %reduce_sum3A_99 = vector.multi_reduction <add>, %integer_pow3A_97, %reduce_sum3A_98 [1] : vector<1024x64xf32> to vector<1024xf32>
    %broadcast_in_dim3A_100 = vector.shape_cast %reduce_sum3A_99 : vector<1024xf32> to vector<1024x1xf32>
    %div3A_101 = arith.constant 6.400000e+01 : f32
    %div3A_102 = vector.broadcast %div3A_101 : f32 to vector<1024x1xf32>
    %div3A_103 = arith.divf %broadcast_in_dim3A_100, %div3A_102 : vector<1024x1xf32>
    %sub3A_104 = vector.broadcast %div3A_94 : vector<1024x1xf32> to vector<1024x64xf32>
    %sub3A_105 = arith.subf %get3A_88, %sub3A_104 : vector<1024x64xf32>
    %add3A_106 = arith.constant 9.99999974E-6 : f32
    %add3A_107 = vector.broadcast %add3A_106 : f32 to vector<1024x1xf32>
    %add3A_108 = arith.addf %div3A_103, %add3A_107 : vector<1024x1xf32>
    %sqrt3A_109 = math.sqrt %add3A_108 : vector<1024x1xf32>
    %div3A_110 = vector.broadcast %sqrt3A_109 : vector<1024x1xf32> to vector<1024x64xf32>
    %div3A_111 = arith.divf %sub3A_105, %div3A_110 : vector<1024x64xf32>
    %mul3A_112 = vector.broadcast %get3A_1 : vector<1x64xf32> to vector<1024x64xf32>
    %mul3A_113 = arith.mulf %div3A_111, %mul3A_112 : vector<1024x64xf32>
    %add3A_114 = vector.broadcast %get3A_4 : vector<1x64xf32> to vector<1024x64xf32>
    %add3A_115 = arith.addf %mul3A_113, %add3A_114 : vector<1024x64xf32>
    %dot_general3A_116 = arith.constant dense<0.000000e+00> : vector<1024x192xf32>
    %dot_general3A_117 = tpu.matmul %add3A_115, %get3A_7, %dot_general3A_116 {dimension_numbers = #tpu.dot_dimension_numbers<[1], [0], [0], [1], [0, 0, 1, 1], [], []>, transpose_lhs_hint = false} : vector<1024x64xf32>, vector<64x192xf32>, vector<1024x192xf32> -> vector<1024x192xf32>
    %add3A_118 = vector.broadcast %get3A_10 : vector<1x192xf32> to vector<1024x192xf32>
    %add3A_119 = arith.addf %dot_general3A_117, %add3A_118 : vector<1024x192xf32>
    %slice3A_120 = vector.extract_strided_slice %add3A_119 {offsets = [0, 0], sizes = [1024, 64], strides = [1, 1]} : vector<1024x192xf32> to vector<1024x64xf32>
    %convert_element_type3A_121 = arith.truncf %slice3A_120 : vector<1024x64xf32> to vector<1024x64xbf16>
    %convert_element_type3A_122 = arith.extf %convert_element_type3A_121 : vector<1024x64xbf16> to vector<1024x64xf32>
    %slice3A_123 = vector.extract_strided_slice %add3A_119 {offsets = [0, 64], sizes = [1024, 64], strides = [1, 1]} : vector<1024x192xf32> to vector<1024x64xf32>
    %convert_element_type3A_124 = arith.truncf %slice3A_123 : vector<1024x64xf32> to vector<1024x64xbf16>
    %convert_element_type3A_125 = arith.extf %convert_element_type3A_124 : vector<1024x64xbf16> to vector<1024x64xf32>
    %slice3A_126 = vector.extract_strided_slice %add3A_119 {offsets = [0, 128], sizes = [1024, 64], strides = [1, 1]} : vector<1024x192xf32> to vector<1024x64xf32>
    %convert_element_type3A_127 = arith.truncf %slice3A_126 : vector<1024x64xf32> to vector<1024x64xbf16>
    %convert_element_type3A_128 = arith.extf %convert_element_type3A_127 : vector<1024x64xbf16> to vector<1024x64xf32>
    %get3A_129 = arith.constant 0 : index
    %get3A_130 = arith.constant 192 : index
    %get3A_131 = vector.load %arg0[%get3A_129, %get3A_130] : memref<1024x512xf32, #tpu.memory_space<vmem>>, vector<1024x64xf32>
    %reduce_sum3A_132 = arith.constant dense<0.000000e+00> : vector<1024xf32>
    %reduce_sum3A_133 = vector.multi_reduction <add>, %get3A_131, %reduce_sum3A_132 [1] : vector<1024x64xf32> to vector<1024xf32>
    %broadcast_in_dim3A_134 = vector.shape_cast %reduce_sum3A_133 : vector<1024xf32> to vector<1024x1xf32>
    %div3A_135 = arith.constant 6.400000e+01 : f32
    %div3A_136 = vector.broadcast %div3A_135 : f32 to vector<1024x1xf32>
    %div3A_137 = arith.divf %broadcast_in_dim3A_134, %div3A_136 : vector<1024x1xf32>
    %sub3A_138 = vector.broadcast %div3A_137 : vector<1024x1xf32> to vector<1024x64xf32>
    %sub3A_139 = arith.subf %get3A_131, %sub3A_138 : vector<1024x64xf32>
    %integer_pow3A_140 = arith.mulf %sub3A_139, %sub3A_139 : vector<1024x64xf32>
    %reduce_sum3A_141 = arith.constant dense<0.000000e+00> : vector<1024xf32>
    %reduce_sum3A_142 = vector.multi_reduction <add>, %integer_pow3A_140, %reduce_sum3A_141 [1] : vector<1024x64xf32> to vector<1024xf32>
    %broadcast_in_dim3A_143 = vector.shape_cast %reduce_sum3A_142 : vector<1024xf32> to vector<1024x1xf32>
    %div3A_144 = arith.constant 6.400000e+01 : f32
    %div3A_145 = vector.broadcast %div3A_144 : f32 to vector<1024x1xf32>
    %div3A_146 = arith.divf %broadcast_in_dim3A_143, %div3A_145 : vector<1024x1xf32>
    %sub3A_147 = vector.broadcast %div3A_137 : vector<1024x1xf32> to vector<1024x64xf32>
    %sub3A_148 = arith.subf %get3A_131, %sub3A_147 : vector<1024x64xf32>
    %add3A_149 = arith.constant 9.99999974E-6 : f32
    %add3A_150 = vector.broadcast %add3A_149 : f32 to vector<1024x1xf32>
    %add3A_151 = arith.addf %div3A_146, %add3A_150 : vector<1024x1xf32>
    %sqrt3A_152 = math.sqrt %add3A_151 : vector<1024x1xf32>
    %div3A_153 = vector.broadcast %sqrt3A_152 : vector<1024x1xf32> to vector<1024x64xf32>
    %div3A_154 = arith.divf %sub3A_148, %div3A_153 : vector<1024x64xf32>
    %mul3A_155 = vector.broadcast %get3A_1 : vector<1x64xf32> to vector<1024x64xf32>
    %mul3A_156 = arith.mulf %div3A_154, %mul3A_155 : vector<1024x64xf32>
    %add3A_157 = vector.broadcast %get3A_4 : vector<1x64xf32> to vector<1024x64xf32>
    %add3A_158 = arith.addf %mul3A_156, %add3A_157 : vector<1024x64xf32>
    %dot_general3A_159 = arith.constant dense<0.000000e+00> : vector<1024x192xf32>
    %dot_general3A_160 = tpu.matmul %add3A_158, %get3A_7, %dot_general3A_159 {dimension_numbers = #tpu.dot_dimension_numbers<[1], [0], [0], [1], [0, 0, 1, 1], [], []>, transpose_lhs_hint = false} : vector<1024x64xf32>, vector<64x192xf32>, vector<1024x192xf32> -> vector<1024x192xf32>
    %add3A_161 = vector.broadcast %get3A_10 : vector<1x192xf32> to vector<1024x192xf32>
    %add3A_162 = arith.addf %dot_general3A_160, %add3A_161 : vector<1024x192xf32>
    %slice3A_163 = vector.extract_strided_slice %add3A_162 {offsets = [0, 0], sizes = [1024, 64], strides = [1, 1]} : vector<1024x192xf32> to vector<1024x64xf32>
    %convert_element_type3A_164 = arith.truncf %slice3A_163 : vector<1024x64xf32> to vector<1024x64xbf16>
    %convert_element_type3A_165 = arith.extf %convert_element_type3A_164 : vector<1024x64xbf16> to vector<1024x64xf32>
    %slice3A_166 = vector.extract_strided_slice %add3A_162 {offsets = [0, 64], sizes = [1024, 64], strides = [1, 1]} : vector<1024x192xf32> to vector<1024x64xf32>
    %convert_element_type3A_167 = arith.truncf %slice3A_166 : vector<1024x64xf32> to vector<1024x64xbf16>
    %convert_element_type3A_168 = arith.extf %convert_element_type3A_167 : vector<1024x64xbf16> to vector<1024x64xf32>
    %slice3A_169 = vector.extract_strided_slice %add3A_162 {offsets = [0, 128], sizes = [1024, 64], strides = [1, 1]} : vector<1024x192xf32> to vector<1024x64xf32>
    %convert_element_type3A_170 = arith.truncf %slice3A_169 : vector<1024x64xf32> to vector<1024x64xbf16>
    %convert_element_type3A_171 = arith.extf %convert_element_type3A_170 : vector<1024x64xbf16> to vector<1024x64xf32>
    %get3A_172 = arith.constant 0 : index
    %get3A_173 = arith.constant 256 : index
    %get3A_174 = vector.load %arg0[%get3A_172, %get3A_173] : memref<1024x512xf32, #tpu.memory_space<vmem>>, vector<1024x64xf32>
    %reduce_sum3A_175 = arith.constant dense<0.000000e+00> : vector<1024xf32>
    %reduce_sum3A_176 = vector.multi_reduction <add>, %get3A_174, %reduce_sum3A_175 [1] : vector<1024x64xf32> to vector<1024xf32>
    %broadcast_in_dim3A_177 = vector.shape_cast %reduce_sum3A_176 : vector<1024xf32> to vector<1024x1xf32>
    %div3A_178 = arith.constant 6.400000e+01 : f32
    %div3A_179 = vector.broadcast %div3A_178 : f32 to vector<1024x1xf32>
    %div3A_180 = arith.divf %broadcast_in_dim3A_177, %div3A_179 : vector<1024x1xf32>
    %sub3A_181 = vector.broadcast %div3A_180 : vector<1024x1xf32> to vector<1024x64xf32>
    %sub3A_182 = arith.subf %get3A_174, %sub3A_181 : vector<1024x64xf32>
    %integer_pow3A_183 = arith.mulf %sub3A_182, %sub3A_182 : vector<1024x64xf32>
    %reduce_sum3A_184 = arith.constant dense<0.000000e+00> : vector<1024xf32>
    %reduce_sum3A_185 = vector.multi_reduction <add>, %integer_pow3A_183, %reduce_sum3A_184 [1] : vector<1024x64xf32> to vector<1024xf32>
    %broadcast_in_dim3A_186 = vector.shape_cast %reduce_sum3A_185 : vector<1024xf32> to vector<1024x1xf32>
    %div3A_187 = arith.constant 6.400000e+01 : f32
    %div3A_188 = vector.broadcast %div3A_187 : f32 to vector<1024x1xf32>
    %div3A_189 = arith.divf %broadcast_in_dim3A_186, %div3A_188 : vector<1024x1xf32>
    %sub3A_190 = vector.broadcast %div3A_180 : vector<1024x1xf32> to vector<1024x64xf32>
    %sub3A_191 = arith.subf %get3A_174, %sub3A_190 : vector<1024x64xf32>
    %add3A_192 = arith.constant 9.99999974E-6 : f32
    %add3A_193 = vector.broadcast %add3A_192 : f32 to vector<1024x1xf32>
    %add3A_194 = arith.addf %div3A_189, %add3A_193 : vector<1024x1xf32>
    %sqrt3A_195 = math.sqrt %add3A_194 : vector<1024x1xf32>
    %div3A_196 = vector.broadcast %sqrt3A_195 : vector<1024x1xf32> to vector<1024x64xf32>
    %div3A_197 = arith.divf %sub3A_191, %div3A_196 : vector<1024x64xf32>
    %mul3A_198 = vector.broadcast %get3A_1 : vector<1x64xf32> to vector<1024x64xf32>
    %mul3A_199 = arith.mulf %div3A_197, %mul3A_198 : vector<1024x64xf32>
    %add3A_200 = vector.broadcast %get3A_4 : vector<1x64xf32> to vector<1024x64xf32>
    %add3A_201 = arith.addf %mul3A_199, %add3A_200 : vector<1024x64xf32>
    %dot_general3A_202 = arith.constant dense<0.000000e+00> : vector<1024x192xf32>
    %dot_general3A_203 = tpu.matmul %add3A_201, %get3A_7, %dot_general3A_202 {dimension_numbers = #tpu.dot_dimension_numbers<[1], [0], [0], [1], [0, 0, 1, 1], [], []>, transpose_lhs_hint = false} : vector<1024x64xf32>, vector<64x192xf32>, vector<1024x192xf32> -> vector<1024x192xf32>
    %add3A_204 = vector.broadcast %get3A_10 : vector<1x192xf32> to vector<1024x192xf32>
    %add3A_205 = arith.addf %dot_general3A_203, %add3A_204 : vector<1024x192xf32>
    %slice3A_206 = vector.extract_strided_slice %add3A_205 {offsets = [0, 0], sizes = [1024, 64], strides = [1, 1]} : vector<1024x192xf32> to vector<1024x64xf32>
    %convert_element_type3A_207 = arith.truncf %slice3A_206 : vector<1024x64xf32> to vector<1024x64xbf16>
    %convert_element_type3A_208 = arith.extf %convert_element_type3A_207 : vector<1024x64xbf16> to vector<1024x64xf32>
    %slice3A_209 = vector.extract_strided_slice %add3A_205 {offsets = [0, 64], sizes = [1024, 64], strides = [1, 1]} : vector<1024x192xf32> to vector<1024x64xf32>
    %convert_element_type3A_210 = arith.truncf %slice3A_209 : vector<1024x64xf32> to vector<1024x64xbf16>
    %convert_element_type3A_211 = arith.extf %convert_element_type3A_210 : vector<1024x64xbf16> to vector<1024x64xf32>
    %slice3A_212 = vector.extract_strided_slice %add3A_205 {offsets = [0, 128], sizes = [1024, 64], strides = [1, 1]} : vector<1024x192xf32> to vector<1024x64xf32>
    %convert_element_type3A_213 = arith.truncf %slice3A_212 : vector<1024x64xf32> to vector<1024x64xbf16>
    %convert_element_type3A_214 = arith.extf %convert_element_type3A_213 : vector<1024x64xbf16> to vector<1024x64xf32>
    %get3A_215 = arith.constant 0 : index
    %get3A_216 = arith.constant 320 : index
    %get3A_217 = vector.load %arg0[%get3A_215, %get3A_216] : memref<1024x512xf32, #tpu.memory_space<vmem>>, vector<1024x64xf32>
    %reduce_sum3A_218 = arith.constant dense<0.000000e+00> : vector<1024xf32>
    %reduce_sum3A_219 = vector.multi_reduction <add>, %get3A_217, %reduce_sum3A_218 [1] : vector<1024x64xf32> to vector<1024xf32>
    %broadcast_in_dim3A_220 = vector.shape_cast %reduce_sum3A_219 : vector<1024xf32> to vector<1024x1xf32>
    %div3A_221 = arith.constant 6.400000e+01 : f32
    %div3A_222 = vector.broadcast %div3A_221 : f32 to vector<1024x1xf32>
    %div3A_223 = arith.divf %broadcast_in_dim3A_220, %div3A_222 : vector<1024x1xf32>
    %sub3A_224 = vector.broadcast %div3A_223 : vector<1024x1xf32> to vector<1024x64xf32>
    %sub3A_225 = arith.subf %get3A_217, %sub3A_224 : vector<1024x64xf32>
    %integer_pow3A_226 = arith.mulf %sub3A_225, %sub3A_225 : vector<1024x64xf32>
    %reduce_sum3A_227 = arith.constant dense<0.000000e+00> : vector<1024xf32>
    %reduce_sum3A_228 = vector.multi_reduction <add>, %integer_pow3A_226, %reduce_sum3A_227 [1] : vector<1024x64xf32> to vector<1024xf32>
    %broadcast_in_dim3A_229 = vector.shape_cast %reduce_sum3A_228 : vector<1024xf32> to vector<1024x1xf32>
    %div3A_230 = arith.constant 6.400000e+01 : f32
    %div3A_231 = vector.broadcast %div3A_230 : f32 to vector<1024x1xf32>
    %div3A_232 = arith.divf %broadcast_in_dim3A_229, %div3A_231 : vector<1024x1xf32>
    %sub3A_233 = vector.broadcast %div3A_223 : vector<1024x1xf32> to vector<1024x64xf32>
    %sub3A_234 = arith.subf %get3A_217, %sub3A_233 : vector<1024x64xf32>
    %add3A_235 = arith.constant 9.99999974E-6 : f32
    %add3A_236 = vector.broadcast %add3A_235 : f32 to vector<1024x1xf32>
    %add3A_237 = arith.addf %div3A_232, %add3A_236 : vector<1024x1xf32>
    %sqrt3A_238 = math.sqrt %add3A_237 : vector<1024x1xf32>
    %div3A_239 = vector.broadcast %sqrt3A_238 : vector<1024x1xf32> to vector<1024x64xf32>
    %div3A_240 = arith.divf %sub3A_234, %div3A_239 : vector<1024x64xf32>
    %mul3A_241 = vector.broadcast %get3A_1 : vector<1x64xf32> to vector<1024x64xf32>
    %mul3A_242 = arith.mulf %div3A_240, %mul3A_241 : vector<1024x64xf32>
    %add3A_243 = vector.broadcast %get3A_4 : vector<1x64xf32> to vector<1024x64xf32>
    %add3A_244 = arith.addf %mul3A_242, %add3A_243 : vector<1024x64xf32>
    %dot_general3A_245 = arith.constant dense<0.000000e+00> : vector<1024x192xf32>
    %dot_general3A_246 = tpu.matmul %add3A_244, %get3A_7, %dot_general3A_245 {dimension_numbers = #tpu.dot_dimension_numbers<[1], [0], [0], [1], [0, 0, 1, 1], [], []>, transpose_lhs_hint = false} : vector<1024x64xf32>, vector<64x192xf32>, vector<1024x192xf32> -> vector<1024x192xf32>
    %add3A_247 = vector.broadcast %get3A_10 : vector<1x192xf32> to vector<1024x192xf32>
    %add3A_248 = arith.addf %dot_general3A_246, %add3A_247 : vector<1024x192xf32>
    %slice3A_249 = vector.extract_strided_slice %add3A_248 {offsets = [0, 0], sizes = [1024, 64], strides = [1, 1]} : vector<1024x192xf32> to vector<1024x64xf32>
    %convert_element_type3A_250 = arith.truncf %slice3A_249 : vector<1024x64xf32> to vector<1024x64xbf16>
    %convert_element_type3A_251 = arith.extf %convert_element_type3A_250 : vector<1024x64xbf16> to vector<1024x64xf32>
    %slice3A_252 = vector.extract_strided_slice %add3A_248 {offsets = [0, 64], sizes = [1024, 64], strides = [1, 1]} : vector<1024x192xf32> to vector<1024x64xf32>
    %convert_element_type3A_253 = arith.truncf %slice3A_252 : vector<1024x64xf32> to vector<1024x64xbf16>
    %convert_element_type3A_254 = arith.extf %convert_element_type3A_253 : vector<1024x64xbf16> to vector<1024x64xf32>
    %slice3A_255 = vector.extract_strided_slice %add3A_248 {offsets = [0, 128], sizes = [1024, 64], strides = [1, 1]} : vector<1024x192xf32> to vector<1024x64xf32>
    %convert_element_type3A_256 = arith.truncf %slice3A_255 : vector<1024x64xf32> to vector<1024x64xbf16>
    %convert_element_type3A_257 = arith.extf %convert_element_type3A_256 : vector<1024x64xbf16> to vector<1024x64xf32>
    %get3A_258 = arith.constant 0 : index
    %get3A_259 = arith.constant 384 : index
    %get3A_260 = vector.load %arg0[%get3A_258, %get3A_259] : memref<1024x512xf32, #tpu.memory_space<vmem>>, vector<1024x64xf32>
    %reduce_sum3A_261 = arith.constant dense<0.000000e+00> : vector<1024xf32>
    %reduce_sum3A_262 = vector.multi_reduction <add>, %get3A_260, %reduce_sum3A_261 [1] : vector<1024x64xf32> to vector<1024xf32>
    %broadcast_in_dim3A_263 = vector.shape_cast %reduce_sum3A_262 : vector<1024xf32> to vector<1024x1xf32>
    %div3A_264 = arith.constant 6.400000e+01 : f32
    %div3A_265 = vector.broadcast %div3A_264 : f32 to vector<1024x1xf32>
    %div3A_266 = arith.divf %broadcast_in_dim3A_263, %div3A_265 : vector<1024x1xf32>
    %sub3A_267 = vector.broadcast %div3A_266 : vector<1024x1xf32> to vector<1024x64xf32>
    %sub3A_268 = arith.subf %get3A_260, %sub3A_267 : vector<1024x64xf32>
    %integer_pow3A_269 = arith.mulf %sub3A_268, %sub3A_268 : vector<1024x64xf32>
    %reduce_sum3A_270 = arith.constant dense<0.000000e+00> : vector<1024xf32>
    %reduce_sum3A_271 = vector.multi_reduction <add>, %integer_pow3A_269, %reduce_sum3A_270 [1] : vector<1024x64xf32> to vector<1024xf32>
    %broadcast_in_dim3A_272 = vector.shape_cast %reduce_sum3A_271 : vector<1024xf32> to vector<1024x1xf32>
    %div3A_273 = arith.constant 6.400000e+01 : f32
    %div3A_274 = vector.broadcast %div3A_273 : f32 to vector<1024x1xf32>
    %div3A_275 = arith.divf %broadcast_in_dim3A_272, %div3A_274 : vector<1024x1xf32>
    %sub3A_276 = vector.broadcast %div3A_266 : vector<1024x1xf32> to vector<1024x64xf32>
    %sub3A_277 = arith.subf %get3A_260, %sub3A_276 : vector<1024x64xf32>
    %add3A_278 = arith.constant 9.99999974E-6 : f32
    %add3A_279 = vector.broadcast %add3A_278 : f32 to vector<1024x1xf32>
    %add3A_280 = arith.addf %div3A_275, %add3A_279 : vector<1024x1xf32>
    %sqrt3A_281 = math.sqrt %add3A_280 : vector<1024x1xf32>
    %div3A_282 = vector.broadcast %sqrt3A_281 : vector<1024x1xf32> to vector<1024x64xf32>
    %div3A_283 = arith.divf %sub3A_277, %div3A_282 : vector<1024x64xf32>
    %mul3A_284 = vector.broadcast %get3A_1 : vector<1x64xf32> to vector<1024x64xf32>
    %mul3A_285 = arith.mulf %div3A_283, %mul3A_284 : vector<1024x64xf32>
    %add3A_286 = vector.broadcast %get3A_4 : vector<1x64xf32> to vector<1024x64xf32>
    %add3A_287 = arith.addf %mul3A_285, %add3A_286 : vector<1024x64xf32>
    %dot_general3A_288 = arith.constant dense<0.000000e+00> : vector<1024x192xf32>
    %dot_general3A_289 = tpu.matmul %add3A_287, %get3A_7, %dot_general3A_288 {dimension_numbers = #tpu.dot_dimension_numbers<[1], [0], [0], [1], [0, 0, 1, 1], [], []>, transpose_lhs_hint = false} : vector<1024x64xf32>, vector<64x192xf32>, vector<1024x192xf32> -> vector<1024x192xf32>
    %add3A_290 = vector.broadcast %get3A_10 : vector<1x192xf32> to vector<1024x192xf32>
    %add3A_291 = arith.addf %dot_general3A_289, %add3A_290 : vector<1024x192xf32>
    %slice3A_292 = vector.extract_strided_slice %add3A_291 {offsets = [0, 0], sizes = [1024, 64], strides = [1, 1]} : vector<1024x192xf32> to vector<1024x64xf32>
    %convert_element_type3A_293 = arith.truncf %slice3A_292 : vector<1024x64xf32> to vector<1024x64xbf16>
    %convert_element_type3A_294 = arith.extf %convert_element_type3A_293 : vector<1024x64xbf16> to vector<1024x64xf32>
    %slice3A_295 = vector.extract_strided_slice %add3A_291 {offsets = [0, 64], sizes = [1024, 64], strides = [1, 1]} : vector<1024x192xf32> to vector<1024x64xf32>
    %convert_element_type3A_296 = arith.truncf %slice3A_295 : vector<1024x64xf32> to vector<1024x64xbf16>
    %convert_element_type3A_297 = arith.extf %convert_element_type3A_296 : vector<1024x64xbf16> to vector<1024x64xf32>
    %slice3A_298 = vector.extract_strided_slice %add3A_291 {offsets = [0, 128], sizes = [1024, 64], strides = [1, 1]} : vector<1024x192xf32> to vector<1024x64xf32>
    %convert_element_type3A_299 = arith.truncf %slice3A_298 : vector<1024x64xf32> to vector<1024x64xbf16>
    %convert_element_type3A_300 = arith.extf %convert_element_type3A_299 : vector<1024x64xbf16> to vector<1024x64xf32>
    %get3A_301 = arith.constant 0 : index
    %get3A_302 = arith.constant 448 : index
    %get3A_303 = vector.load %arg0[%get3A_301, %get3A_302] : memref<1024x512xf32, #tpu.memory_space<vmem>>, vector<1024x64xf32>
    %reduce_sum3A_304 = arith.constant dense<0.000000e+00> : vector<1024xf32>
    %reduce_sum3A_305 = vector.multi_reduction <add>, %get3A_303, %reduce_sum3A_304 [1] : vector<1024x64xf32> to vector<1024xf32>
    %broadcast_in_dim3A_306 = vector.shape_cast %reduce_sum3A_305 : vector<1024xf32> to vector<1024x1xf32>
    %div3A_307 = arith.constant 6.400000e+01 : f32
    %div3A_308 = vector.broadcast %div3A_307 : f32 to vector<1024x1xf32>
    %div3A_309 = arith.divf %broadcast_in_dim3A_306, %div3A_308 : vector<1024x1xf32>
    %sub3A_310 = vector.broadcast %div3A_309 : vector<1024x1xf32> to vector<1024x64xf32>
    %sub3A_311 = arith.subf %get3A_303, %sub3A_310 : vector<1024x64xf32>
    %integer_pow3A_312 = arith.mulf %sub3A_311, %sub3A_311 : vector<1024x64xf32>
    %reduce_sum3A_313 = arith.constant dense<0.000000e+00> : vector<1024xf32>
    %reduce_sum3A_314 = vector.multi_reduction <add>, %integer_pow3A_312, %reduce_sum3A_313 [1] : vector<1024x64xf32> to vector<1024xf32>
    %broadcast_in_dim3A_315 = vector.shape_cast %reduce_sum3A_314 : vector<1024xf32> to vector<1024x1xf32>
    %div3A_316 = arith.constant 6.400000e+01 : f32
    %div3A_317 = vector.broadcast %div3A_316 : f32 to vector<1024x1xf32>
    %div3A_318 = arith.divf %broadcast_in_dim3A_315, %div3A_317 : vector<1024x1xf32>
    %sub3A_319 = vector.broadcast %div3A_309 : vector<1024x1xf32> to vector<1024x64xf32>
    %sub3A_320 = arith.subf %get3A_303, %sub3A_319 : vector<1024x64xf32>
    %add3A_321 = arith.constant 9.99999974E-6 : f32
    %add3A_322 = vector.broadcast %add3A_321 : f32 to vector<1024x1xf32>
    %add3A_323 = arith.addf %div3A_318, %add3A_322 : vector<1024x1xf32>
    %sqrt3A_324 = math.sqrt %add3A_323 : vector<1024x1xf32>
    %div3A_325 = vector.broadcast %sqrt3A_324 : vector<1024x1xf32> to vector<1024x64xf32>
    %div3A_326 = arith.divf %sub3A_320, %div3A_325 : vector<1024x64xf32>
    %mul3A_327 = vector.broadcast %get3A_1 : vector<1x64xf32> to vector<1024x64xf32>
    %mul3A_328 = arith.mulf %div3A_326, %mul3A_327 : vector<1024x64xf32>
    %add3A_329 = vector.broadcast %get3A_4 : vector<1x64xf32> to vector<1024x64xf32>
    %add3A_330 = arith.addf %mul3A_328, %add3A_329 : vector<1024x64xf32>
    %dot_general3A_331 = arith.constant dense<0.000000e+00> : vector<1024x192xf32>
    %dot_general3A_332 = tpu.matmul %add3A_330, %get3A_7, %dot_general3A_331 {dimension_numbers = #tpu.dot_dimension_numbers<[1], [0], [0], [1], [0, 0, 1, 1], [], []>, transpose_lhs_hint = false} : vector<1024x64xf32>, vector<64x192xf32>, vector<1024x192xf32> -> vector<1024x192xf32>
    %add3A_333 = vector.broadcast %get3A_10 : vector<1x192xf32> to vector<1024x192xf32>
    %add3A_334 = arith.addf %dot_general3A_332, %add3A_333 : vector<1024x192xf32>
    %slice3A_335 = vector.extract_strided_slice %add3A_334 {offsets = [0, 0], sizes = [1024, 64], strides = [1, 1]} : vector<1024x192xf32> to vector<1024x64xf32>
    %convert_element_type3A_336 = arith.truncf %slice3A_335 : vector<1024x64xf32> to vector<1024x64xbf16>
    %convert_element_type3A_337 = arith.extf %convert_element_type3A_336 : vector<1024x64xbf16> to vector<1024x64xf32>
    %slice3A_338 = vector.extract_strided_slice %add3A_334 {offsets = [0, 64], sizes = [1024, 64], strides = [1, 1]} : vector<1024x192xf32> to vector<1024x64xf32>
    %convert_element_type3A_339 = arith.truncf %slice3A_338 : vector<1024x64xf32> to vector<1024x64xbf16>
    %convert_element_type3A_340 = arith.extf %convert_element_type3A_339 : vector<1024x64xbf16> to vector<1024x64xf32>
    %slice3A_341 = vector.extract_strided_slice %add3A_334 {offsets = [0, 128], sizes = [1024, 64], strides = [1, 1]} : vector<1024x192xf32> to vector<1024x64xf32>
    %convert_element_type3A_342 = arith.truncf %slice3A_341 : vector<1024x64xf32> to vector<1024x64xbf16>
    %convert_element_type3A_343 = arith.extf %convert_element_type3A_342 : vector<1024x64xbf16> to vector<1024x64xf32>
    %iota3A = tpu.iota {dimensions = array<i32: 0>} : vector<512x16xi32>
    %iota3A_344 = tpu.iota {dimensions = array<i32: 1>} : vector<512x16xi32>
    %jit3A = arith.constant 64 : i32
    %div3A_345 = vector.broadcast %jit3A : i32 to vector<512x16xi32>
    %div3A_346 = arith.divsi %iota3A, %div3A_345 : vector<512x16xi32>
    %sign3A = arith.constant 0 : i32
    %sign3A_347 = vector.broadcast %sign3A : i32 to vector<512x16xi32>
    %sign3A_348 = arith.cmpi sgt, %iota3A, %sign3A_347 : vector<512x16xi32>
    %sign3A_349 = arith.extui %sign3A_348 : vector<512x16xi1> to vector<512x16xi32>
    %sign3A_350 = arith.constant 0 : i32
    %sign3A_351 = vector.broadcast %sign3A_350 : i32 to vector<512x16xi32>
    %sign3A_352 = arith.cmpi slt, %iota3A, %sign3A_351 : vector<512x16xi32>
    %sign3A_353 = arith.extui %sign3A_352 : vector<512x16xi1> to vector<512x16xi32>
    %sign3A_354 = arith.subi %sign3A_349, %sign3A_353 : vector<512x16xi32>
    %sign3A_355 = arith.constant 0 : i32
    %sign3A_356 = arith.cmpi sgt, %jit3A, %sign3A_355 : i32
    %sign3A_357 = arith.extui %sign3A_356 : i1 to i32
    %sign3A_358 = arith.constant 0 : i32
    %sign3A_359 = arith.cmpi slt, %jit3A, %sign3A_358 : i32
    %sign3A_360 = arith.extui %sign3A_359 : i1 to i32
    %sign3A_361 = arith.subi %sign3A_357, %sign3A_360 : i32
    %ne3A = vector.broadcast %sign3A_361 : i32 to vector<512x16xi32>
    %ne3A_362 = arith.cmpi ne, %sign3A_354, %ne3A : vector<512x16xi32>
    %rem3A = vector.broadcast %jit3A : i32 to vector<512x16xi32>
    %rem3A_363 = arith.remsi %iota3A, %rem3A : vector<512x16xi32>
    %ne3A_364 = arith.constant 0 : i32
    %ne3A_365 = vector.broadcast %ne3A_364 : i32 to vector<512x16xi32>
    %ne3A_366 = arith.cmpi ne, %rem3A_363, %ne3A_365 : vector<512x16xi32>
    %and3A = arith.andi %ne3A_362, %ne3A_366 : vector<512x16xi1>
    %sub3A_367 = arith.constant 1 : i32
    %sub3A_368 = vector.broadcast %sub3A_367 : i32 to vector<512x16xi32>
    %sub3A_369 = arith.subi %div3A_346, %sub3A_368 : vector<512x16xi32>
    %select_n3A = arith.select %and3A, %sub3A_369, %div3A_346 : vector<512x16xi1>, vector<512x16xi32>
    %jit3A_370 = arith.constant 8 : i32
    %eq3A = arith.constant 0 : i32
    %eq3A_371 = arith.cmpi eq, %jit3A_370, %eq3A : i32
    %jit3A_372 = arith.constant 1 : i32
    %select_n3A_373 = arith.select %eq3A_371, %jit3A_372, %jit3A_370 : i32
    %rem3A_374 = vector.broadcast %select_n3A_373 : i32 to vector<512x16xi32>
    %rem3A_375 = arith.remsi %iota3A_344, %rem3A_374 : vector<512x16xi32>
    %ne3A_376 = arith.constant 0 : i32
    %ne3A_377 = vector.broadcast %ne3A_376 : i32 to vector<512x16xi32>
    %ne3A_378 = arith.cmpi ne, %rem3A_375, %ne3A_377 : vector<512x16xi32>
    %lt3A = arith.constant 0 : i32
    %lt3A_379 = vector.broadcast %lt3A : i32 to vector<512x16xi32>
    %lt3A_380 = arith.cmpi slt, %rem3A_375, %lt3A_379 : vector<512x16xi32>
    %lt3A_381 = arith.constant 0 : i32
    %lt3A_382 = arith.cmpi slt, %select_n3A_373, %lt3A_381 : i32
    %ne3A_383 = vector.broadcast %lt3A_382 : i1 to vector<512x16xi1>
    %ne3A_384 = vector.broadcast %ne3A_383 : vector<512x16xi1> to vector<512x16xi1>
    %ne3A_385 = arith.xori %lt3A_380, %ne3A_384 : vector<512x16xi1>
    %and3A_386 = arith.andi %ne3A_385, %ne3A_378 : vector<512x16xi1>
    %add3A_387 = vector.broadcast %select_n3A_373 : i32 to vector<512x16xi32>
    %add3A_388 = arith.addi %rem3A_375, %add3A_387 : vector<512x16xi32>
    %select_n3A_389 = arith.select %and3A_386, %add3A_388, %rem3A_375 : vector<512x16xi1>, vector<512x16xi32>
    %eq3A_390 = arith.cmpi eq, %select_n3A, %select_n3A_389 : vector<512x16xi32>
    %jit3A_391 = arith.constant 64 : i32
    %eq3A_392 = arith.constant 0 : i32
    %eq3A_393 = arith.cmpi eq, %jit3A_391, %eq3A_392 : i32
    %jit3A_394 = arith.constant 1 : i32
    %select_n3A_395 = arith.select %eq3A_393, %jit3A_394, %jit3A_391 : i32
    %rem3A_396 = vector.broadcast %select_n3A_395 : i32 to vector<512x16xi32>
    %rem3A_397 = arith.remsi %iota3A, %rem3A_396 : vector<512x16xi32>
    %ne3A_398 = arith.constant 0 : i32
    %ne3A_399 = vector.broadcast %ne3A_398 : i32 to vector<512x16xi32>
    %ne3A_400 = arith.cmpi ne, %rem3A_397, %ne3A_399 : vector<512x16xi32>
    %lt3A_401 = arith.constant 0 : i32
    %lt3A_402 = vector.broadcast %lt3A_401 : i32 to vector<512x16xi32>
    %lt3A_403 = arith.cmpi slt, %rem3A_397, %lt3A_402 : vector<512x16xi32>
    %lt3A_404 = arith.constant 0 : i32
    %lt3A_405 = arith.cmpi slt, %select_n3A_395, %lt3A_404 : i32
    %ne3A_406 = vector.broadcast %lt3A_405 : i1 to vector<512x16xi1>
    %ne3A_407 = vector.broadcast %ne3A_406 : vector<512x16xi1> to vector<512x16xi1>
    %ne3A_408 = arith.xori %lt3A_403, %ne3A_407 : vector<512x16xi1>
    %and3A_409 = arith.andi %ne3A_408, %ne3A_400 : vector<512x16xi1>
    %add3A_410 = vector.broadcast %select_n3A_395 : i32 to vector<512x16xi32>
    %add3A_411 = arith.addi %rem3A_397, %add3A_410 : vector<512x16xi32>
    %select_n3A_412 = arith.select %and3A_409, %add3A_411, %rem3A_397 : vector<512x16xi1>, vector<512x16xi32>
    %jit3A_413 = arith.constant 32 : i32
    %div3A_414 = vector.broadcast %jit3A_413 : i32 to vector<512x16xi32>
    %div3A_415 = arith.divsi %select_n3A_412, %div3A_414 : vector<512x16xi32>
    %sign3A_416 = arith.constant 0 : i32
    %sign3A_417 = vector.broadcast %sign3A_416 : i32 to vector<512x16xi32>
    %sign3A_418 = arith.cmpi sgt, %select_n3A_412, %sign3A_417 : vector<512x16xi32>
    %sign3A_419 = arith.extui %sign3A_418 : vector<512x16xi1> to vector<512x16xi32>
    %sign3A_420 = arith.constant 0 : i32
    %sign3A_421 = vector.broadcast %sign3A_420 : i32 to vector<512x16xi32>
    %sign3A_422 = arith.cmpi slt, %select_n3A_412, %sign3A_421 : vector<512x16xi32>
    %sign3A_423 = arith.extui %sign3A_422 : vector<512x16xi1> to vector<512x16xi32>
    %sign3A_424 = arith.subi %sign3A_419, %sign3A_423 : vector<512x16xi32>
    %sign3A_425 = arith.constant 0 : i32
    %sign3A_426 = arith.cmpi sgt, %jit3A_413, %sign3A_425 : i32
    %sign3A_427 = arith.extui %sign3A_426 : i1 to i32
    %sign3A_428 = arith.constant 0 : i32
    %sign3A_429 = arith.cmpi slt, %jit3A_413, %sign3A_428 : i32
    %sign3A_430 = arith.extui %sign3A_429 : i1 to i32
    %sign3A_431 = arith.subi %sign3A_427, %sign3A_430 : i32
    %ne3A_432 = vector.broadcast %sign3A_431 : i32 to vector<512x16xi32>
    %ne3A_433 = arith.cmpi ne, %sign3A_424, %ne3A_432 : vector<512x16xi32>
    %rem3A_434 = vector.broadcast %jit3A_413 : i32 to vector<512x16xi32>
    %rem3A_435 = arith.remsi %select_n3A_412, %rem3A_434 : vector<512x16xi32>
    %ne3A_436 = arith.constant 0 : i32
    %ne3A_437 = vector.broadcast %ne3A_436 : i32 to vector<512x16xi32>
    %ne3A_438 = arith.cmpi ne, %rem3A_435, %ne3A_437 : vector<512x16xi32>
    %and3A_439 = arith.andi %ne3A_433, %ne3A_438 : vector<512x16xi1>
    %sub3A_440 = arith.constant 1 : i32
    %sub3A_441 = vector.broadcast %sub3A_440 : i32 to vector<512x16xi32>
    %sub3A_442 = arith.subi %div3A_415, %sub3A_441 : vector<512x16xi32>
    %select_n3A_443 = arith.select %and3A_439, %sub3A_442, %div3A_415 : vector<512x16xi1>, vector<512x16xi32>
    %jit3A_444 = arith.constant 8 : i32
    %div3A_445 = vector.broadcast %jit3A_444 : i32 to vector<512x16xi32>
    %div3A_446 = arith.divsi %iota3A_344, %div3A_445 : vector<512x16xi32>
    %sign3A_447 = arith.constant 0 : i32
    %sign3A_448 = vector.broadcast %sign3A_447 : i32 to vector<512x16xi32>
    %sign3A_449 = arith.cmpi sgt, %iota3A_344, %sign3A_448 : vector<512x16xi32>
    %sign3A_450 = arith.extui %sign3A_449 : vector<512x16xi1> to vector<512x16xi32>
    %sign3A_451 = arith.constant 0 : i32
    %sign3A_452 = vector.broadcast %sign3A_451 : i32 to vector<512x16xi32>
    %sign3A_453 = arith.cmpi slt, %iota3A_344, %sign3A_452 : vector<512x16xi32>
    %sign3A_454 = arith.extui %sign3A_453 : vector<512x16xi1> to vector<512x16xi32>
    %sign3A_455 = arith.subi %sign3A_450, %sign3A_454 : vector<512x16xi32>
    %sign3A_456 = arith.constant 0 : i32
    %sign3A_457 = arith.cmpi sgt, %jit3A_444, %sign3A_456 : i32
    %sign3A_458 = arith.extui %sign3A_457 : i1 to i32
    %sign3A_459 = arith.constant 0 : i32
    %sign3A_460 = arith.cmpi slt, %jit3A_444, %sign3A_459 : i32
    %sign3A_461 = arith.extui %sign3A_460 : i1 to i32
    %sign3A_462 = arith.subi %sign3A_458, %sign3A_461 : i32
    %ne3A_463 = vector.broadcast %sign3A_462 : i32 to vector<512x16xi32>
    %ne3A_464 = arith.cmpi ne, %sign3A_455, %ne3A_463 : vector<512x16xi32>
    %rem3A_465 = vector.broadcast %jit3A_444 : i32 to vector<512x16xi32>
    %rem3A_466 = arith.remsi %iota3A_344, %rem3A_465 : vector<512x16xi32>
    %ne3A_467 = arith.constant 0 : i32
    %ne3A_468 = vector.broadcast %ne3A_467 : i32 to vector<512x16xi32>
    %ne3A_469 = arith.cmpi ne, %rem3A_466, %ne3A_468 : vector<512x16xi32>
    %and3A_470 = arith.andi %ne3A_464, %ne3A_469 : vector<512x16xi1>
    %sub3A_471 = arith.constant 1 : i32
    %sub3A_472 = vector.broadcast %sub3A_471 : i32 to vector<512x16xi32>
    %sub3A_473 = arith.subi %div3A_446, %sub3A_472 : vector<512x16xi32>
    %select_n3A_474 = arith.select %and3A_470, %sub3A_473, %div3A_446 : vector<512x16xi1>, vector<512x16xi32>
    %eq3A_475 = arith.cmpi eq, %select_n3A_443, %select_n3A_474 : vector<512x16xi32>
    %and3A_476 = arith.andi %eq3A_390, %eq3A_475 : vector<512x16xi1>
    %jit3A_477 = arith.constant 1.000000e+00 : f32
    %jit3A_478 = arith.constant 0.000000e+00 : f32
    %broadcast_in_dim3A_479 = vector.broadcast %jit3A_477 : f32 to vector<512x16xf32>
    %broadcast_in_dim3A_480 = vector.broadcast %jit3A_478 : f32 to vector<512x16xf32>
    %select_n3A_481 = arith.select %and3A_476, %broadcast_in_dim3A_479, %broadcast_in_dim3A_480 : vector<512x16xi1>, vector<512x16xf32>
    %get3A_482 = arith.constant 0 : index
    %get3A_483 = arith.constant 0 : index
    %get3A_484 = vector.load %arg5[%get3A_482, %get3A_483] : memref<64x64xf32, #tpu.memory_space<vmem>>, vector<64x64xf32>
    %get3A_485 = arith.constant 0 : index
    %get3A_486 = arith.constant 0 : index
    %get3A_487 = vector.load %arg6[%get3A_485, %get3A_486] : memref<1x64xf32, #tpu.memory_space<vmem>>, vector<1x64xf32>
    %get3A_488 = arith.constant 0 : index
    %get3A_489 = arith.constant 0 : index
    %get3A_490 = vector.load %arg7[%get3A_488, %get3A_489] : memref<1x64xf32, #tpu.memory_space<vmem>>, vector<1x64xf32>
    %get3A_491 = arith.constant 0 : index
    %get3A_492 = arith.constant 0 : index
    %get3A_493 = vector.load %arg8[%get3A_491, %get3A_492] : memref<1x64xf32, #tpu.memory_space<vmem>>, vector<1x64xf32>
    %get3A_494 = arith.constant 0 : index
    %get3A_495 = arith.constant 0 : index
    %get3A_496 = vector.load %arg9[%get3A_494, %get3A_495] : memref<64x64xf32, #tpu.memory_space<vmem>>, vector<64x64xf32>
    %get3A_497 = arith.constant 0 : index
    %get3A_498 = arith.constant 0 : index
    %get3A_499 = vector.load %arg10[%get3A_497, %get3A_498] : memref<1x64xf32, #tpu.memory_space<vmem>>, vector<1x64xf32>
    %get3A_500 = arith.constant 0 : index
    %get3A_501 = arith.constant 0 : index
    %get3A_502 = vector.load %arg11[%get3A_500, %get3A_501] : memref<64x64xf32, #tpu.memory_space<vmem>>, vector<64x64xf32>
    %get3A_503 = arith.constant 0 : index
    %get3A_504 = arith.constant 0 : index
    %get3A_505 = vector.load %arg12[%get3A_503, %get3A_504] : memref<1x64xf32, #tpu.memory_space<vmem>>, vector<1x64xf32>
    %get3A_506 = arith.constant 0 : index
    %get3A_507 = arith.constant 0 : index
    %get3A_508 = vector.load %arg13[%get3A_506, %get3A_507] : memref<64x64xf32, #tpu.memory_space<vmem>>, vector<64x64xf32>
    %get3A_509 = arith.constant 0 : index
    %get3A_510 = arith.constant 0 : index
    %get3A_511 = vector.load %arg14[%get3A_509, %get3A_510] : memref<1x64xf32, #tpu.memory_space<vmem>>, vector<1x64xf32>
    %mul3A_512 = arith.mulf %convert_element_type3A_36, %convert_element_type3A_39 : vector<1024x64xf32>
    %mul3A_513 = arith.mulf %convert_element_type3A_36, %convert_element_type3A_82 : vector<1024x64xf32>
    %mul3A_514 = arith.mulf %convert_element_type3A_36, %convert_element_type3A_125 : vector<1024x64xf32>
    %mul3A_515 = arith.mulf %convert_element_type3A_36, %convert_element_type3A_168 : vector<1024x64xf32>
    %mul3A_516 = arith.mulf %convert_element_type3A_36, %convert_element_type3A_211 : vector<1024x64xf32>
    %mul3A_517 = arith.mulf %convert_element_type3A_36, %convert_element_type3A_254 : vector<1024x64xf32>
    %mul3A_518 = arith.mulf %convert_element_type3A_36, %convert_element_type3A_297 : vector<1024x64xf32>
    %mul3A_519 = arith.mulf %convert_element_type3A_36, %convert_element_type3A_340 : vector<1024x64xf32>
    %concatenate3A = tpu.concatenate %mul3A_512, %mul3A_513, %mul3A_514, %mul3A_515, %mul3A_516, %mul3A_517, %mul3A_518, %mul3A_519 in 1 : vector<1024x64xf32>, vector<1024x64xf32>, vector<1024x64xf32>, vector<1024x64xf32>, vector<1024x64xf32>, vector<1024x64xf32>, vector<1024x64xf32>, vector<1024x64xf32> -> vector<1024x512xf32>
    %dot_general3A_520 = arith.constant dense<0.000000e+00> : vector<1024x16xf32>
    %dot_general3A_521 = tpu.matmul %concatenate3A, %select_n3A_481, %dot_general3A_520 {dimension_numbers = #tpu.dot_dimension_numbers<[1], [0], [0], [1], [0, 0, 1, 1], [], []>, precision = #tpu.contract_precision<fp32>, transpose_lhs_hint = false} : vector<1024x512xf32>, vector<512x16xf32>, vector<1024x16xf32> -> vector<1024x16xf32>
    %div3A_522 = arith.constant 5.65685415 : f32
    %div3A_523 = vector.broadcast %div3A_522 : f32 to vector<1024x16xf32>
    %div3A_524 = arith.divf %dot_general3A_521, %div3A_523 : vector<1024x16xf32>
    %slice3A_525 = vector.extract_strided_slice %div3A_524 {offsets = [0, 0], sizes = [1024, 8], strides = [1, 1]} : vector<1024x16xf32> to vector<1024x8xf32>
    %reduce_max3A = arith.constant dense<0xFF800000> : vector<1024xf32>
    %reduce_max3A_526 = vector.multi_reduction <maximumf>, %slice3A_525, %reduce_max3A [1] : vector<1024x8xf32> to vector<1024xf32>
    %broadcast_in_dim3A_527 = vector.shape_cast %reduce_max3A_526 : vector<1024xf32> to vector<1024x1xf32>
    %sub3A_528 = vector.broadcast %broadcast_in_dim3A_527 : vector<1024x1xf32> to vector<1024x8xf32>
    %sub3A_529 = arith.subf %slice3A_525, %sub3A_528 : vector<1024x8xf32>
    %exp3A = math.exp %sub3A_529 : vector<1024x8xf32>
    %reduce_sum3A_530 = arith.constant dense<0.000000e+00> : vector<1024xf32>
    %reduce_sum3A_531 = vector.multi_reduction <add>, %exp3A, %reduce_sum3A_530 [1] : vector<1024x8xf32> to vector<1024xf32>
    %broadcast_in_dim3A_532 = vector.shape_cast %reduce_sum3A_531 : vector<1024xf32> to vector<1024x1xf32>
    %div3A_533 = vector.broadcast %broadcast_in_dim3A_532 : vector<1024x1xf32> to vector<1024x8xf32>
    %div3A_534 = arith.divf %exp3A, %div3A_533 : vector<1024x8xf32>
    %convert_element_type3A_535 = arith.truncf %div3A_534 : vector<1024x8xf32> to vector<1024x8xbf16>
    %convert_element_type3A_536 = arith.extf %convert_element_type3A_535 : vector<1024x8xbf16> to vector<1024x8xf32>
    %slice3A_537 = vector.extract_strided_slice %convert_element_type3A_536 {offsets = [0, 0], sizes = [1024, 1], strides = [1, 1]} : vector<1024x8xf32> to vector<1024x1xf32>
    %slice3A_538 = vector.extract_strided_slice %convert_element_type3A_42 {offsets = [0, 0], sizes = [1024, 32], strides = [1, 1]} : vector<1024x64xf32> to vector<1024x32xf32>
    %mul3A_539 = vector.broadcast %slice3A_537 : vector<1024x1xf32> to vector<1024x32xf32>
    %mul3A_540 = arith.mulf %mul3A_539, %slice3A_538 : vector<1024x32xf32>
    %slice3A_541 = vector.extract_strided_slice %convert_element_type3A_536 {offsets = [0, 1], sizes = [1024, 1], strides = [1, 1]} : vector<1024x8xf32> to vector<1024x1xf32>
    %slice3A_542 = vector.extract_strided_slice %convert_element_type3A_85 {offsets = [0, 0], sizes = [1024, 32], strides = [1, 1]} : vector<1024x64xf32> to vector<1024x32xf32>
    %mul3A_543 = vector.broadcast %slice3A_541 : vector<1024x1xf32> to vector<1024x32xf32>
    %mul3A_544 = arith.mulf %mul3A_543, %slice3A_542 : vector<1024x32xf32>
    %add3A_545 = arith.addf %mul3A_540, %mul3A_544 : vector<1024x32xf32>
    %slice3A_546 = vector.extract_strided_slice %convert_element_type3A_536 {offsets = [0, 2], sizes = [1024, 1], strides = [1, 1]} : vector<1024x8xf32> to vector<1024x1xf32>
    %slice3A_547 = vector.extract_strided_slice %convert_element_type3A_128 {offsets = [0, 0], sizes = [1024, 32], strides = [1, 1]} : vector<1024x64xf32> to vector<1024x32xf32>
    %mul3A_548 = vector.broadcast %slice3A_546 : vector<1024x1xf32> to vector<1024x32xf32>
    %mul3A_549 = arith.mulf %mul3A_548, %slice3A_547 : vector<1024x32xf32>
    %add3A_550 = arith.addf %add3A_545, %mul3A_549 : vector<1024x32xf32>
    %slice3A_551 = vector.extract_strided_slice %convert_element_type3A_536 {offsets = [0, 3], sizes = [1024, 1], strides = [1, 1]} : vector<1024x8xf32> to vector<1024x1xf32>
    %slice3A_552 = vector.extract_strided_slice %convert_element_type3A_171 {offsets = [0, 0], sizes = [1024, 32], strides = [1, 1]} : vector<1024x64xf32> to vector<1024x32xf32>
    %mul3A_553 = vector.broadcast %slice3A_551 : vector<1024x1xf32> to vector<1024x32xf32>
    %mul3A_554 = arith.mulf %mul3A_553, %slice3A_552 : vector<1024x32xf32>
    %add3A_555 = arith.addf %add3A_550, %mul3A_554 : vector<1024x32xf32>
    %slice3A_556 = vector.extract_strided_slice %convert_element_type3A_536 {offsets = [0, 4], sizes = [1024, 1], strides = [1, 1]} : vector<1024x8xf32> to vector<1024x1xf32>
    %slice3A_557 = vector.extract_strided_slice %convert_element_type3A_214 {offsets = [0, 0], sizes = [1024, 32], strides = [1, 1]} : vector<1024x64xf32> to vector<1024x32xf32>
    %mul3A_558 = vector.broadcast %slice3A_556 : vector<1024x1xf32> to vector<1024x32xf32>
    %mul3A_559 = arith.mulf %mul3A_558, %slice3A_557 : vector<1024x32xf32>
    %add3A_560 = arith.addf %add3A_555, %mul3A_559 : vector<1024x32xf32>
    %slice3A_561 = vector.extract_strided_slice %convert_element_type3A_536 {offsets = [0, 5], sizes = [1024, 1], strides = [1, 1]} : vector<1024x8xf32> to vector<1024x1xf32>
    %slice3A_562 = vector.extract_strided_slice %convert_element_type3A_257 {offsets = [0, 0], sizes = [1024, 32], strides = [1, 1]} : vector<1024x64xf32> to vector<1024x32xf32>
    %mul3A_563 = vector.broadcast %slice3A_561 : vector<1024x1xf32> to vector<1024x32xf32>
    %mul3A_564 = arith.mulf %mul3A_563, %slice3A_562 : vector<1024x32xf32>
    %add3A_565 = arith.addf %add3A_560, %mul3A_564 : vector<1024x32xf32>
    %slice3A_566 = vector.extract_strided_slice %convert_element_type3A_536 {offsets = [0, 6], sizes = [1024, 1], strides = [1, 1]} : vector<1024x8xf32> to vector<1024x1xf32>
    %slice3A_567 = vector.extract_strided_slice %convert_element_type3A_300 {offsets = [0, 0], sizes = [1024, 32], strides = [1, 1]} : vector<1024x64xf32> to vector<1024x32xf32>
    %mul3A_568 = vector.broadcast %slice3A_566 : vector<1024x1xf32> to vector<1024x32xf32>
    %mul3A_569 = arith.mulf %mul3A_568, %slice3A_567 : vector<1024x32xf32>
    %add3A_570 = arith.addf %add3A_565, %mul3A_569 : vector<1024x32xf32>
    %slice3A_571 = vector.extract_strided_slice %convert_element_type3A_536 {offsets = [0, 7], sizes = [1024, 1], strides = [1, 1]} : vector<1024x8xf32> to vector<1024x1xf32>
    %slice3A_572 = vector.extract_strided_slice %convert_element_type3A_343 {offsets = [0, 0], sizes = [1024, 32], strides = [1, 1]} : vector<1024x64xf32> to vector<1024x32xf32>
    %mul3A_573 = vector.broadcast %slice3A_571 : vector<1024x1xf32> to vector<1024x32xf32>
    %mul3A_574 = arith.mulf %mul3A_573, %slice3A_572 : vector<1024x32xf32>
    %add3A_575 = arith.addf %add3A_570, %mul3A_574 : vector<1024x32xf32>
    %slice3A_576 = vector.extract_strided_slice %div3A_524 {offsets = [0, 8], sizes = [1024, 8], strides = [1, 1]} : vector<1024x16xf32> to vector<1024x8xf32>
    %reduce_max3A_577 = arith.constant dense<0xFF800000> : vector<1024xf32>
    %reduce_max3A_578 = vector.multi_reduction <maximumf>, %slice3A_576, %reduce_max3A_577 [1] : vector<1024x8xf32> to vector<1024xf32>
    %broadcast_in_dim3A_579 = vector.shape_cast %reduce_max3A_578 : vector<1024xf32> to vector<1024x1xf32>
    %sub3A_580 = vector.broadcast %broadcast_in_dim3A_579 : vector<1024x1xf32> to vector<1024x8xf32>
    %sub3A_581 = arith.subf %slice3A_576, %sub3A_580 : vector<1024x8xf32>
    %exp3A_582 = math.exp %sub3A_581 : vector<1024x8xf32>
    %reduce_sum3A_583 = arith.constant dense<0.000000e+00> : vector<1024xf32>
    %reduce_sum3A_584 = vector.multi_reduction <add>, %exp3A_582, %reduce_sum3A_583 [1] : vector<1024x8xf32> to vector<1024xf32>
    %broadcast_in_dim3A_585 = vector.shape_cast %reduce_sum3A_584 : vector<1024xf32> to vector<1024x1xf32>
    %div3A_586 = vector.broadcast %broadcast_in_dim3A_585 : vector<1024x1xf32> to vector<1024x8xf32>
    %div3A_587 = arith.divf %exp3A_582, %div3A_586 : vector<1024x8xf32>
    %convert_element_type3A_588 = arith.truncf %div3A_587 : vector<1024x8xf32> to vector<1024x8xbf16>
    %convert_element_type3A_589 = arith.extf %convert_element_type3A_588 : vector<1024x8xbf16> to vector<1024x8xf32>
    %slice3A_590 = vector.extract_strided_slice %convert_element_type3A_589 {offsets = [0, 0], sizes = [1024, 1], strides = [1, 1]} : vector<1024x8xf32> to vector<1024x1xf32>
    %slice3A_591 = vector.extract_strided_slice %convert_element_type3A_42 {offsets = [0, 32], sizes = [1024, 32], strides = [1, 1]} : vector<1024x64xf32> to vector<1024x32xf32>
    %mul3A_592 = vector.broadcast %slice3A_590 : vector<1024x1xf32> to vector<1024x32xf32>
    %mul3A_593 = arith.mulf %mul3A_592, %slice3A_591 : vector<1024x32xf32>
    %slice3A_594 = vector.extract_strided_slice %convert_element_type3A_589 {offsets = [0, 1], sizes = [1024, 1], strides = [1, 1]} : vector<1024x8xf32> to vector<1024x1xf32>
    %slice3A_595 = vector.extract_strided_slice %convert_element_type3A_85 {offsets = [0, 32], sizes = [1024, 32], strides = [1, 1]} : vector<1024x64xf32> to vector<1024x32xf32>
    %mul3A_596 = vector.broadcast %slice3A_594 : vector<1024x1xf32> to vector<1024x32xf32>
    %mul3A_597 = arith.mulf %mul3A_596, %slice3A_595 : vector<1024x32xf32>
    %add3A_598 = arith.addf %mul3A_593, %mul3A_597 : vector<1024x32xf32>
    %slice3A_599 = vector.extract_strided_slice %convert_element_type3A_589 {offsets = [0, 2], sizes = [1024, 1], strides = [1, 1]} : vector<1024x8xf32> to vector<1024x1xf32>
    %slice3A_600 = vector.extract_strided_slice %convert_element_type3A_128 {offsets = [0, 32], sizes = [1024, 32], strides = [1, 1]} : vector<1024x64xf32> to vector<1024x32xf32>
    %mul3A_601 = vector.broadcast %slice3A_599 : vector<1024x1xf32> to vector<1024x32xf32>
    %mul3A_602 = arith.mulf %mul3A_601, %slice3A_600 : vector<1024x32xf32>
    %add3A_603 = arith.addf %add3A_598, %mul3A_602 : vector<1024x32xf32>
    %slice3A_604 = vector.extract_strided_slice %convert_element_type3A_589 {offsets = [0, 3], sizes = [1024, 1], strides = [1, 1]} : vector<1024x8xf32> to vector<1024x1xf32>
    %slice3A_605 = vector.extract_strided_slice %convert_element_type3A_171 {offsets = [0, 32], sizes = [1024, 32], strides = [1, 1]} : vector<1024x64xf32> to vector<1024x32xf32>
    %mul3A_606 = vector.broadcast %slice3A_604 : vector<1024x1xf32> to vector<1024x32xf32>
    %mul3A_607 = arith.mulf %mul3A_606, %slice3A_605 : vector<1024x32xf32>
    %add3A_608 = arith.addf %add3A_603, %mul3A_607 : vector<1024x32xf32>
    %slice3A_609 = vector.extract_strided_slice %convert_element_type3A_589 {offsets = [0, 4], sizes = [1024, 1], strides = [1, 1]} : vector<1024x8xf32> to vector<1024x1xf32>
    %slice3A_610 = vector.extract_strided_slice %convert_element_type3A_214 {offsets = [0, 32], sizes = [1024, 32], strides = [1, 1]} : vector<1024x64xf32> to vector<1024x32xf32>
    %mul3A_611 = vector.broadcast %slice3A_609 : vector<1024x1xf32> to vector<1024x32xf32>
    %mul3A_612 = arith.mulf %mul3A_611, %slice3A_610 : vector<1024x32xf32>
    %add3A_613 = arith.addf %add3A_608, %mul3A_612 : vector<1024x32xf32>
    %slice3A_614 = vector.extract_strided_slice %convert_element_type3A_589 {offsets = [0, 5], sizes = [1024, 1], strides = [1, 1]} : vector<1024x8xf32> to vector<1024x1xf32>
    %slice3A_615 = vector.extract_strided_slice %convert_element_type3A_257 {offsets = [0, 32], sizes = [1024, 32], strides = [1, 1]} : vector<1024x64xf32> to vector<1024x32xf32>
    %mul3A_616 = vector.broadcast %slice3A_614 : vector<1024x1xf32> to vector<1024x32xf32>
    %mul3A_617 = arith.mulf %mul3A_616, %slice3A_615 : vector<1024x32xf32>
    %add3A_618 = arith.addf %add3A_613, %mul3A_617 : vector<1024x32xf32>
    %slice3A_619 = vector.extract_strided_slice %convert_element_type3A_589 {offsets = [0, 6], sizes = [1024, 1], strides = [1, 1]} : vector<1024x8xf32> to vector<1024x1xf32>
    %slice3A_620 = vector.extract_strided_slice %convert_element_type3A_300 {offsets = [0, 32], sizes = [1024, 32], strides = [1, 1]} : vector<1024x64xf32> to vector<1024x32xf32>
    %mul3A_621 = vector.broadcast %slice3A_619 : vector<1024x1xf32> to vector<1024x32xf32>
    %mul3A_622 = arith.mulf %mul3A_621, %slice3A_620 : vector<1024x32xf32>
    %add3A_623 = arith.addf %add3A_618, %mul3A_622 : vector<1024x32xf32>
    %slice3A_624 = vector.extract_strided_slice %convert_element_type3A_589 {offsets = [0, 7], sizes = [1024, 1], strides = [1, 1]} : vector<1024x8xf32> to vector<1024x1xf32>
    %slice3A_625 = vector.extract_strided_slice %convert_element_type3A_343 {offsets = [0, 32], sizes = [1024, 32], strides = [1, 1]} : vector<1024x64xf32> to vector<1024x32xf32>
    %mul3A_626 = vector.broadcast %slice3A_624 : vector<1024x1xf32> to vector<1024x32xf32>
    %mul3A_627 = arith.mulf %mul3A_626, %slice3A_625 : vector<1024x32xf32>
    %add3A_628 = arith.addf %add3A_623, %mul3A_627 : vector<1024x32xf32>
    %concatenate3A_629 = tpu.concatenate %add3A_575, %add3A_628 in 1 : vector<1024x32xf32>, vector<1024x32xf32> -> vector<1024x64xf32>
    %dot_general3A_630 = arith.constant dense<0.000000e+00> : vector<1024x64xf32>
    %dot_general3A_631 = tpu.matmul %concatenate3A_629, %get3A_484, %dot_general3A_630 {dimension_numbers = #tpu.dot_dimension_numbers<[1], [0], [0], [1], [0, 0, 1, 1], [], []>, transpose_lhs_hint = false} : vector<1024x64xf32>, vector<64x64xf32>, vector<1024x64xf32> -> vector<1024x64xf32>
    %add3A_632 = vector.broadcast %get3A_487 : vector<1x64xf32> to vector<1024x64xf32>
    %add3A_633 = arith.addf %dot_general3A_631, %add3A_632 : vector<1024x64xf32>
    %add3A_634 = arith.addf %add3A_633, %get3A_13 : vector<1024x64xf32>
    %reduce_sum3A_635 = arith.constant dense<0.000000e+00> : vector<1024xf32>
    %reduce_sum3A_636 = vector.multi_reduction <add>, %add3A_634, %reduce_sum3A_635 [1] : vector<1024x64xf32> to vector<1024xf32>
    %broadcast_in_dim3A_637 = vector.shape_cast %reduce_sum3A_636 : vector<1024xf32> to vector<1024x1xf32>
    %div3A_638 = arith.constant 6.400000e+01 : f32
    %div3A_639 = vector.broadcast %div3A_638 : f32 to vector<1024x1xf32>
    %div3A_640 = arith.divf %broadcast_in_dim3A_637, %div3A_639 : vector<1024x1xf32>
    %sub3A_641 = vector.broadcast %div3A_640 : vector<1024x1xf32> to vector<1024x64xf32>
    %sub3A_642 = arith.subf %add3A_634, %sub3A_641 : vector<1024x64xf32>
    %integer_pow3A_643 = arith.mulf %sub3A_642, %sub3A_642 : vector<1024x64xf32>
    %reduce_sum3A_644 = arith.constant dense<0.000000e+00> : vector<1024xf32>
    %reduce_sum3A_645 = vector.multi_reduction <add>, %integer_pow3A_643, %reduce_sum3A_644 [1] : vector<1024x64xf32> to vector<1024xf32>
    %broadcast_in_dim3A_646 = vector.shape_cast %reduce_sum3A_645 : vector<1024xf32> to vector<1024x1xf32>
    %div3A_647 = arith.constant 6.400000e+01 : f32
    %div3A_648 = vector.broadcast %div3A_647 : f32 to vector<1024x1xf32>
    %div3A_649 = arith.divf %broadcast_in_dim3A_646, %div3A_648 : vector<1024x1xf32>
    %sub3A_650 = vector.broadcast %div3A_640 : vector<1024x1xf32> to vector<1024x64xf32>
    %sub3A_651 = arith.subf %add3A_634, %sub3A_650 : vector<1024x64xf32>
    %add3A_652 = arith.constant 9.99999974E-6 : f32
    %add3A_653 = vector.broadcast %add3A_652 : f32 to vector<1024x1xf32>
    %add3A_654 = arith.addf %div3A_649, %add3A_653 : vector<1024x1xf32>
    %sqrt3A_655 = math.sqrt %add3A_654 : vector<1024x1xf32>
    %div3A_656 = vector.broadcast %sqrt3A_655 : vector<1024x1xf32> to vector<1024x64xf32>
    %div3A_657 = arith.divf %sub3A_651, %div3A_656 : vector<1024x64xf32>
    %mul3A_658 = vector.broadcast %get3A_490 : vector<1x64xf32> to vector<1024x64xf32>
    %mul3A_659 = arith.mulf %div3A_657, %mul3A_658 : vector<1024x64xf32>
    %add3A_660 = vector.broadcast %get3A_493 : vector<1x64xf32> to vector<1024x64xf32>
    %add3A_661 = arith.addf %mul3A_659, %add3A_660 : vector<1024x64xf32>
    %dot_general3A_662 = arith.constant dense<0.000000e+00> : vector<1024x64xf32>
    %dot_general3A_663 = tpu.matmul %add3A_661, %get3A_496, %dot_general3A_662 {dimension_numbers = #tpu.dot_dimension_numbers<[1], [0], [0], [1], [0, 0, 1, 1], [], []>, transpose_lhs_hint = false} : vector<1024x64xf32>, vector<64x64xf32>, vector<1024x64xf32> -> vector<1024x64xf32>
    %add3A_664 = vector.broadcast %get3A_499 : vector<1x64xf32> to vector<1024x64xf32>
    %add3A_665 = arith.addf %dot_general3A_663, %add3A_664 : vector<1024x64xf32>
    %mul3A_666 = arith.constant 5.000000e-01 : f32
    %mul3A_667 = vector.broadcast %mul3A_666 : f32 to vector<1024x64xf32>
    %mul3A_668 = arith.mulf %mul3A_667, %add3A_665 : vector<1024x64xf32>
    %div3A_669 = arith.constant 1.41421354 : f32
    %div3A_670 = vector.broadcast %div3A_669 : f32 to vector<1024x64xf32>
    %div3A_671 = arith.divf %add3A_665, %div3A_670 : vector<1024x64xf32>
    %erf3A = math.erf %div3A_671 : vector<1024x64xf32>
    %add3A_672 = arith.constant 1.000000e+00 : f32
    %add3A_673 = vector.broadcast %add3A_672 : f32 to vector<1024x64xf32>
    %add3A_674 = arith.addf %add3A_673, %erf3A : vector<1024x64xf32>
    %mul3A_675 = arith.mulf %mul3A_668, %add3A_674 : vector<1024x64xf32>
    %dot_general3A_676 = arith.constant dense<0.000000e+00> : vector<1024x64xf32>
    %dot_general3A_677 = tpu.matmul %mul3A_675, %get3A_502, %dot_general3A_676 {dimension_numbers = #tpu.dot_dimension_numbers<[1], [0], [0], [1], [0, 0, 1, 1], [], []>, transpose_lhs_hint = false} : vector<1024x64xf32>, vector<64x64xf32>, vector<1024x64xf32> -> vector<1024x64xf32>
    %add3A_678 = vector.broadcast %get3A_505 : vector<1x64xf32> to vector<1024x64xf32>
    %add3A_679 = arith.addf %dot_general3A_677, %add3A_678 : vector<1024x64xf32>
    %add3A_680 = arith.addf %add3A_679, %add3A_634 : vector<1024x64xf32>
    %dot_general3A_681 = arith.constant dense<0.000000e+00> : vector<1024x64xf32>
    %dot_general3A_682 = tpu.matmul %add3A_680, %get3A_508, %dot_general3A_681 {dimension_numbers = #tpu.dot_dimension_numbers<[1], [0], [0], [1], [0, 0, 1, 1], [], []>, transpose_lhs_hint = false} : vector<1024x64xf32>, vector<64x64xf32>, vector<1024x64xf32> -> vector<1024x64xf32>
    %add3A_683 = vector.broadcast %get3A_511 : vector<1x64xf32> to vector<1024x64xf32>
    %add3A_684 = arith.addf %dot_general3A_682, %add3A_683 : vector<1024x64xf32>
    %swap3A = arith.constant 0 : index
    %swap3A_685 = arith.constant 0 : index
    %swap3A_686 = arith.constant 0 : index
    %swap3A_687 = vector.load %arg15[%swap3A, %swap3A_685, %swap3A_686] : memref<8x1024x64xf32, #tpu.memory_space<vmem>>, vector<1x1024x64xf32>
    %swap3A_688 = vector.shape_cast %swap3A_687 : vector<1x1024x64xf32> to vector<1024x64xf32>
    %swap3A_689 = vector.shape_cast %add3A_684 : vector<1024x64xf32> to vector<1x1024x64xf32>
    tpu.vector_store %arg15[%swap3A, %swap3A_685, %swap3A_686], %swap3A_689 {strides = array<i32>} : memref<8x1024x64xf32, #tpu.memory_space<vmem>>, vector<1x1024x64xf32>,
    %mul3A_690 = arith.mulf %convert_element_type3A_79, %convert_element_type3A_39 : vector<1024x64xf32>
    %mul3A_691 = arith.mulf %convert_element_type3A_79, %convert_element_type3A_82 : vector<1024x64xf32>
    %mul3A_692 = arith.mulf %convert_element_type3A_79, %convert_element_type3A_125 : vector<1024x64xf32>
    %mul3A_693 = arith.mulf %convert_element_type3A_79, %convert_element_type3A_168 : vector<1024x64xf32>
    %mul3A_694 = arith.mulf %convert_element_type3A_79, %convert_element_type3A_211 : vector<1024x64xf32>
    %mul3A_695 = arith.mulf %convert_element_type3A_79, %convert_element_type3A_254 : vector<1024x64xf32>
    %mul3A_696 = arith.mulf %convert_element_type3A_79, %convert_element_type3A_297 : vector<1024x64xf32>
    %mul3A_697 = arith.mulf %convert_element_type3A_79, %convert_element_type3A_340 : vector<1024x64xf32>
    %concatenate3A_698 = tpu.concatenate %mul3A_690, %mul3A_691, %mul3A_692, %mul3A_693, %mul3A_694, %mul3A_695, %mul3A_696, %mul3A_697 in 1 : vector<1024x64xf32>, vector<1024x64xf32>, vector<1024x64xf32>, vector<1024x64xf32>, vector<1024x64xf32>, vector<1024x64xf32>, vector<1024x64xf32>, vector<1024x64xf32> -> vector<1024x512xf32>
    %dot_general3A_699 = arith.constant dense<0.000000e+00> : vector<1024x16xf32>
    %dot_general3A_700 = tpu.matmul %concatenate3A_698, %select_n3A_481, %dot_general3A_699 {dimension_numbers = #tpu.dot_dimension_numbers<[1], [0], [0], [1], [0, 0, 1, 1], [], []>, precision = #tpu.contract_precision<fp32>, transpose_lhs_hint = false} : vector<1024x512xf32>, vector<512x16xf32>, vector<1024x16xf32> -> vector<1024x16xf32>
    %div3A_701 = arith.constant 5.65685415 : f32
    %div3A_702 = vector.broadcast %div3A_701 : f32 to vector<1024x16xf32>
    %div3A_703 = arith.divf %dot_general3A_700, %div3A_702 : vector<1024x16xf32>
    %slice3A_704 = vector.extract_strided_slice %div3A_703 {offsets = [0, 0], sizes = [1024, 8], strides = [1, 1]} : vector<1024x16xf32> to vector<1024x8xf32>
    %reduce_max3A_705 = arith.constant dense<0xFF800000> : vector<1024xf32>
    %reduce_max3A_706 = vector.multi_reduction <maximumf>, %slice3A_704, %reduce_max3A_705 [1] : vector<1024x8xf32> to vector<1024xf32>
    %broadcast_in_dim3A_707 = vector.shape_cast %reduce_max3A_706 : vector<1024xf32> to vector<1024x1xf32>
    %sub3A_708 = vector.broadcast %broadcast_in_dim3A_707 : vector<1024x1xf32> to vector<1024x8xf32>
    %sub3A_709 = arith.subf %slice3A_704, %sub3A_708 : vector<1024x8xf32>
    %exp3A_710 = math.exp %sub3A_709 : vector<1024x8xf32>
    %reduce_sum3A_711 = arith.constant dense<0.000000e+00> : vector<1024xf32>
    %reduce_sum3A_712 = vector.multi_reduction <add>, %exp3A_710, %reduce_sum3A_711 [1] : vector<1024x8xf32> to vector<1024xf32>
    %broadcast_in_dim3A_713 = vector.shape_cast %reduce_sum3A_712 : vector<1024xf32> to vector<1024x1xf32>
    %div3A_714 = vector.broadcast %broadcast_in_dim3A_713 : vector<1024x1xf32> to vector<1024x8xf32>
    %div3A_715 = arith.divf %exp3A_710, %div3A_714 : vector<1024x8xf32>
    %convert_element_type3A_716 = arith.truncf %div3A_715 : vector<1024x8xf32> to vector<1024x8xbf16>
    %convert_element_type3A_717 = arith.extf %convert_element_type3A_716 : vector<1024x8xbf16> to vector<1024x8xf32>
    %slice3A_718 = vector.extract_strided_slice %convert_element_type3A_717 {offsets = [0, 0], sizes = [1024, 1], strides = [1, 1]} : vector<1024x8xf32> to vector<1024x1xf32>
    %slice3A_719 = vector.extract_strided_slice %convert_element_type3A_42 {offsets = [0, 0], sizes = [1024, 32], strides = [1, 1]} : vector<1024x64xf32> to vector<1024x32xf32>
    %mul3A_720 = vector.broadcast %slice3A_718 : vector<1024x1xf32> to vector<1024x32xf32>
    %mul3A_721 = arith.mulf %mul3A_720, %slice3A_719 : vector<1024x32xf32>
    %slice3A_722 = vector.extract_strided_slice %convert_element_type3A_717 {offsets = [0, 1], sizes = [1024, 1], strides = [1, 1]} : vector<1024x8xf32> to vector<1024x1xf32>
    %slice3A_723 = vector.extract_strided_slice %convert_element_type3A_85 {offsets = [0, 0], sizes = [1024, 32], strides = [1, 1]} : vector<1024x64xf32> to vector<1024x32xf32>
    %mul3A_724 = vector.broadcast %slice3A_722 : vector<1024x1xf32> to vector<1024x32xf32>
    %mul3A_725 = arith.mulf %mul3A_724, %slice3A_723 : vector<1024x32xf32>
    %add3A_726 = arith.addf %mul3A_721, %mul3A_725 : vector<1024x32xf32>
    %slice3A_727 = vector.extract_strided_slice %convert_element_type3A_717 {offsets = [0, 2], sizes = [1024, 1], strides = [1, 1]} : vector<1024x8xf32> to vector<1024x1xf32>
    %slice3A_728 = vector.extract_strided_slice %convert_element_type3A_128 {offsets = [0, 0], sizes = [1024, 32], strides = [1, 1]} : vector<1024x64xf32> to vector<1024x32xf32>
    %mul3A_729 = vector.broadcast %slice3A_727 : vector<1024x1xf32> to vector<1024x32xf32>
    %mul3A_730 = arith.mulf %mul3A_729, %slice3A_728 : vector<1024x32xf32>
    %add3A_731 = arith.addf %add3A_726, %mul3A_730 : vector<1024x32xf32>
    %slice3A_732 = vector.extract_strided_slice %convert_element_type3A_717 {offsets = [0, 3], sizes = [1024, 1], strides = [1, 1]} : vector<1024x8xf32> to vector<1024x1xf32>
    %slice3A_733 = vector.extract_strided_slice %convert_element_type3A_171 {offsets = [0, 0], sizes = [1024, 32], strides = [1, 1]} : vector<1024x64xf32> to vector<1024x32xf32>
    %mul3A_734 = vector.broadcast %slice3A_732 : vector<1024x1xf32> to vector<1024x32xf32>
    %mul3A_735 = arith.mulf %mul3A_734, %slice3A_733 : vector<1024x32xf32>
    %add3A_736 = arith.addf %add3A_731, %mul3A_735 : vector<1024x32xf32>
    %slice3A_737 = vector.extract_strided_slice %convert_element_type3A_717 {offsets = [0, 4], sizes = [1024, 1], strides = [1, 1]} : vector<1024x8xf32> to vector<1024x1xf32>
    %slice3A_738 = vector.extract_strided_slice %convert_element_type3A_214 {offsets = [0, 0], sizes = [1024, 32], strides = [1, 1]} : vector<1024x64xf32> to vector<1024x32xf32>
    %mul3A_739 = vector.broadcast %slice3A_737 : vector<1024x1xf32> to vector<1024x32xf32>
    %mul3A_740 = arith.mulf %mul3A_739, %slice3A_738 : vector<1024x32xf32>
    %add3A_741 = arith.addf %add3A_736, %mul3A_740 : vector<1024x32xf32>
    %slice3A_742 = vector.extract_strided_slice %convert_element_type3A_717 {offsets = [0, 5], sizes = [1024, 1], strides = [1, 1]} : vector<1024x8xf32> to vector<1024x1xf32>
    %slice3A_743 = vector.extract_strided_slice %convert_element_type3A_257 {offsets = [0, 0], sizes = [1024, 32], strides = [1, 1]} : vector<1024x64xf32> to vector<1024x32xf32>
    %mul3A_744 = vector.broadcast %slice3A_742 : vector<1024x1xf32> to vector<1024x32xf32>
    %mul3A_745 = arith.mulf %mul3A_744, %slice3A_743 : vector<1024x32xf32>
    %add3A_746 = arith.addf %add3A_741, %mul3A_745 : vector<1024x32xf32>
    %slice3A_747 = vector.extract_strided_slice %convert_element_type3A_717 {offsets = [0, 6], sizes = [1024, 1], strides = [1, 1]} : vector<1024x8xf32> to vector<1024x1xf32>
    %slice3A_748 = vector.extract_strided_slice %convert_element_type3A_300 {offsets = [0, 0], sizes = [1024, 32], strides = [1, 1]} : vector<1024x64xf32> to vector<1024x32xf32>
    %mul3A_749 = vector.broadcast %slice3A_747 : vector<1024x1xf32> to vector<1024x32xf32>
    %mul3A_750 = arith.mulf %mul3A_749, %slice3A_748 : vector<1024x32xf32>
    %add3A_751 = arith.addf %add3A_746, %mul3A_750 : vector<1024x32xf32>
    %slice3A_752 = vector.extract_strided_slice %convert_element_type3A_717 {offsets = [0, 7], sizes = [1024, 1], strides = [1, 1]} : vector<1024x8xf32> to vector<1024x1xf32>
    %slice3A_753 = vector.extract_strided_slice %convert_element_type3A_343 {offsets = [0, 0], sizes = [1024, 32], strides = [1, 1]} : vector<1024x64xf32> to vector<1024x32xf32>
    %mul3A_754 = vector.broadcast %slice3A_752 : vector<1024x1xf32> to vector<1024x32xf32>
    %mul3A_755 = arith.mulf %mul3A_754, %slice3A_753 : vector<1024x32xf32>
    %add3A_756 = arith.addf %add3A_751, %mul3A_755 : vector<1024x32xf32>
    %slice3A_757 = vector.extract_strided_slice %div3A_703 {offsets = [0, 8], sizes = [1024, 8], strides = [1, 1]} : vector<1024x16xf32> to vector<1024x8xf32>
    %reduce_max3A_758 = arith.constant dense<0xFF800000> : vector<1024xf32>
    %reduce_max3A_759 = vector.multi_reduction <maximumf>, %slice3A_757, %reduce_max3A_758 [1] : vector<1024x8xf32> to vector<1024xf32>
    %broadcast_in_dim3A_760 = vector.shape_cast %reduce_max3A_759 : vector<1024xf32> to vector<1024x1xf32>
    %sub3A_761 = vector.broadcast %broadcast_in_dim3A_760 : vector<1024x1xf32> to vector<1024x8xf32>
    %sub3A_762 = arith.subf %slice3A_757, %sub3A_761 : vector<1024x8xf32>
    %exp3A_763 = math.exp %sub3A_762 : vector<1024x8xf32>
    %reduce_sum3A_764 = arith.constant dense<0.000000e+00> : vector<1024xf32>
    %reduce_sum3A_765 = vector.multi_reduction <add>, %exp3A_763, %reduce_sum3A_764 [1] : vector<1024x8xf32> to vector<1024xf32>
    %broadcast_in_dim3A_766 = vector.shape_cast %reduce_sum3A_765 : vector<1024xf32> to vector<1024x1xf32>
    %div3A_767 = vector.broadcast %broadcast_in_dim3A_766 : vector<1024x1xf32> to vector<1024x8xf32>
    %div3A_768 = arith.divf %exp3A_763, %div3A_767 : vector<1024x8xf32>
    %convert_element_type3A_769 = arith.truncf %div3A_768 : vector<1024x8xf32> to vector<1024x8xbf16>
    %convert_element_type3A_770 = arith.extf %convert_element_type3A_769 : vector<1024x8xbf16> to vector<1024x8xf32>
    %slice3A_771 = vector.extract_strided_slice %convert_element_type3A_770 {offsets = [0, 0], sizes = [1024, 1], strides = [1, 1]} : vector<1024x8xf32> to vector<1024x1xf32>
    %slice3A_772 = vector.extract_strided_slice %convert_element_type3A_42 {offsets = [0, 32], sizes = [1024, 32], strides = [1, 1]} : vector<1024x64xf32> to vector<1024x32xf32>
    %mul3A_773 = vector.broadcast %slice3A_771 : vector<1024x1xf32> to vector<1024x32xf32>
    %mul3A_774 = arith.mulf %mul3A_773, %slice3A_772 : vector<1024x32xf32>
    %slice3A_775 = vector.extract_strided_slice %convert_element_type3A_770 {offsets = [0, 1], sizes = [1024, 1], strides = [1, 1]} : vector<1024x8xf32> to vector<1024x1xf32>
    %slice3A_776 = vector.extract_strided_slice %convert_element_type3A_85 {offsets = [0, 32], sizes = [1024, 32], strides = [1, 1]} : vector<1024x64xf32> to vector<1024x32xf32>
    %mul3A_777 = vector.broadcast %slice3A_775 : vector<1024x1xf32> to vector<1024x32xf32>
    %mul3A_778 = arith.mulf %mul3A_777, %slice3A_776 : vector<1024x32xf32>
    %add3A_779 = arith.addf %mul3A_774, %mul3A_778 : vector<1024x32xf32>
    %slice3A_780 = vector.extract_strided_slice %convert_element_type3A_770 {offsets = [0, 2], sizes = [1024, 1], strides = [1, 1]} : vector<1024x8xf32> to vector<1024x1xf32>
    %slice3A_781 = vector.extract_strided_slice %convert_element_type3A_128 {offsets = [0, 32], sizes = [1024, 32], strides = [1, 1]} : vector<1024x64xf32> to vector<1024x32xf32>
    %mul3A_782 = vector.broadcast %slice3A_780 : vector<1024x1xf32> to vector<1024x32xf32>
    %mul3A_783 = arith.mulf %mul3A_782, %slice3A_781 : vector<1024x32xf32>
    %add3A_784 = arith.addf %add3A_779, %mul3A_783 : vector<1024x32xf32>
    %slice3A_785 = vector.extract_strided_slice %convert_element_type3A_770 {offsets = [0, 3], sizes = [1024, 1], strides = [1, 1]} : vector<1024x8xf32> to vector<1024x1xf32>
    %slice3A_786 = vector.extract_strided_slice %convert_element_type3A_171 {offsets = [0, 32], sizes = [1024, 32], strides = [1, 1]} : vector<1024x64xf32> to vector<1024x32xf32>
    %mul3A_787 = vector.broadcast %slice3A_785 : vector<1024x1xf32> to vector<1024x32xf32>
    %mul3A_788 = arith.mulf %mul3A_787, %slice3A_786 : vector<1024x32xf32>
    %add3A_789 = arith.addf %add3A_784, %mul3A_788 : vector<1024x32xf32>
    %slice3A_790 = vector.extract_strided_slice %convert_element_type3A_770 {offsets = [0, 4], sizes = [1024, 1], strides = [1, 1]} : vector<1024x8xf32> to vector<1024x1xf32>
    %slice3A_791 = vector.extract_strided_slice %convert_element_type3A_214 {offsets = [0, 32], sizes = [1024, 32], strides = [1, 1]} : vector<1024x64xf32> to vector<1024x32xf32>
    %mul3A_792 = vector.broadcast %slice3A_790 : vector<1024x1xf32> to vector<1024x32xf32>
    %mul3A_793 = arith.mulf %mul3A_792, %slice3A_791 : vector<1024x32xf32>
    %add3A_794 = arith.addf %add3A_789, %mul3A_793 : vector<1024x32xf32>
    %slice3A_795 = vector.extract_strided_slice %convert_element_type3A_770 {offsets = [0, 5], sizes = [1024, 1], strides = [1, 1]} : vector<1024x8xf32> to vector<1024x1xf32>
    %slice3A_796 = vector.extract_strided_slice %convert_element_type3A_257 {offsets = [0, 32], sizes = [1024, 32], strides = [1, 1]} : vector<1024x64xf32> to vector<1024x32xf32>
    %mul3A_797 = vector.broadcast %slice3A_795 : vector<1024x1xf32> to vector<1024x32xf32>
    %mul3A_798 = arith.mulf %mul3A_797, %slice3A_796 : vector<1024x32xf32>
    %add3A_799 = arith.addf %add3A_794, %mul3A_798 : vector<1024x32xf32>
    %slice3A_800 = vector.extract_strided_slice %convert_element_type3A_770 {offsets = [0, 6], sizes = [1024, 1], strides = [1, 1]} : vector<1024x8xf32> to vector<1024x1xf32>
    %slice3A_801 = vector.extract_strided_slice %convert_element_type3A_300 {offsets = [0, 32], sizes = [1024, 32], strides = [1, 1]} : vector<1024x64xf32> to vector<1024x32xf32>
    %mul3A_802 = vector.broadcast %slice3A_800 : vector<1024x1xf32> to vector<1024x32xf32>
    %mul3A_803 = arith.mulf %mul3A_802, %slice3A_801 : vector<1024x32xf32>
    %add3A_804 = arith.addf %add3A_799, %mul3A_803 : vector<1024x32xf32>
    %slice3A_805 = vector.extract_strided_slice %convert_element_type3A_770 {offsets = [0, 7], sizes = [1024, 1], strides = [1, 1]} : vector<1024x8xf32> to vector<1024x1xf32>
    %slice3A_806 = vector.extract_strided_slice %convert_element_type3A_343 {offsets = [0, 32], sizes = [1024, 32], strides = [1, 1]} : vector<1024x64xf32> to vector<1024x32xf32>
    %mul3A_807 = vector.broadcast %slice3A_805 : vector<1024x1xf32> to vector<1024x32xf32>
    %mul3A_808 = arith.mulf %mul3A_807, %slice3A_806 : vector<1024x32xf32>
    %add3A_809 = arith.addf %add3A_804, %mul3A_808 : vector<1024x32xf32>
    %concatenate3A_810 = tpu.concatenate %add3A_756, %add3A_809 in 1 : vector<1024x32xf32>, vector<1024x32xf32> -> vector<1024x64xf32>
    %dot_general3A_811 = arith.constant dense<0.000000e+00> : vector<1024x64xf32>
    %dot_general3A_812 = tpu.matmul %concatenate3A_810, %get3A_484, %dot_general3A_811 {dimension_numbers = #tpu.dot_dimension_numbers<[1], [0], [0], [1], [0, 0, 1, 1], [], []>, transpose_lhs_hint = false} : vector<1024x64xf32>, vector<64x64xf32>, vector<1024x64xf32> -> vector<1024x64xf32>
    %add3A_813 = vector.broadcast %get3A_487 : vector<1x64xf32> to vector<1024x64xf32>
    %add3A_814 = arith.addf %dot_general3A_812, %add3A_813 : vector<1024x64xf32>
    %add3A_815 = arith.addf %add3A_814, %get3A_45 : vector<1024x64xf32>
    %reduce_sum3A_816 = arith.constant dense<0.000000e+00> : vector<1024xf32>
    %reduce_sum3A_817 = vector.multi_reduction <add>, %add3A_815, %reduce_sum3A_816 [1] : vector<1024x64xf32> to vector<1024xf32>
    %broadcast_in_dim3A_818 = vector.shape_cast %reduce_sum3A_817 : vector<1024xf32> to vector<1024x1xf32>
    %div3A_819 = arith.constant 6.400000e+01 : f32
    %div3A_820 = vector.broadcast %div3A_819 : f32 to vector<1024x1xf32>
    %div3A_821 = arith.divf %broadcast_in_dim3A_818, %div3A_820 : vector<1024x1xf32>
    %sub3A_822 = vector.broadcast %div3A_821 : vector<1024x1xf32> to vector<1024x64xf32>
    %sub3A_823 = arith.subf %add3A_815, %sub3A_822 : vector<1024x64xf32>
    %integer_pow3A_824 = arith.mulf %sub3A_823, %sub3A_823 : vector<1024x64xf32>
    %reduce_sum3A_825 = arith.constant dense<0.000000e+00> : vector<1024xf32>
    %reduce_sum3A_826 = vector.multi_reduction <add>, %integer_pow3A_824, %reduce_sum3A_825 [1] : vector<1024x64xf32> to vector<1024xf32>
    %broadcast_in_dim3A_827 = vector.shape_cast %reduce_sum3A_826 : vector<1024xf32> to vector<1024x1xf32>
    %div3A_828 = arith.constant 6.400000e+01 : f32
    %div3A_829 = vector.broadcast %div3A_828 : f32 to vector<1024x1xf32>
    %div3A_830 = arith.divf %broadcast_in_dim3A_827, %div3A_829 : vector<1024x1xf32>
    %sub3A_831 = vector.broadcast %div3A_821 : vector<1024x1xf32> to vector<1024x64xf32>
    %sub3A_832 = arith.subf %add3A_815, %sub3A_831 : vector<1024x64xf32>
    %add3A_833 = arith.constant 9.99999974E-6 : f32
    %add3A_834 = vector.broadcast %add3A_833 : f32 to vector<1024x1xf32>
    %add3A_835 = arith.addf %div3A_830, %add3A_834 : vector<1024x1xf32>
    %sqrt3A_836 = math.sqrt %add3A_835 : vector<1024x1xf32>
    %div3A_837 = vector.broadcast %sqrt3A_836 : vector<1024x1xf32> to vector<1024x64xf32>
    %div3A_838 = arith.divf %sub3A_832, %div3A_837 : vector<1024x64xf32>
    %mul3A_839 = vector.broadcast %get3A_490 : vector<1x64xf32> to vector<1024x64xf32>
    %mul3A_840 = arith.mulf %div3A_838, %mul3A_839 : vector<1024x64xf32>
    %add3A_841 = vector.broadcast %get3A_493 : vector<1x64xf32> to vector<1024x64xf32>
    %add3A_842 = arith.addf %mul3A_840, %add3A_841 : vector<1024x64xf32>
    %dot_general3A_843 = arith.constant dense<0.000000e+00> : vector<1024x64xf32>
    %dot_general3A_844 = tpu.matmul %add3A_842, %get3A_496, %dot_general3A_843 {dimension_numbers = #tpu.dot_dimension_numbers<[1], [0], [0], [1], [0, 0, 1, 1], [], []>, transpose_lhs_hint = false} : vector<1024x64xf32>, vector<64x64xf32>, vector<1024x64xf32> -> vector<1024x64xf32>
    %add3A_845 = vector.broadcast %get3A_499 : vector<1x64xf32> to vector<1024x64xf32>
    %add3A_846 = arith.addf %dot_general3A_844, %add3A_845 : vector<1024x64xf32>
    %mul3A_847 = arith.constant 5.000000e-01 : f32
    %mul3A_848 = vector.broadcast %mul3A_847 : f32 to vector<1024x64xf32>
    %mul3A_849 = arith.mulf %mul3A_848, %add3A_846 : vector<1024x64xf32>
    %div3A_850 = arith.constant 1.41421354 : f32
    %div3A_851 = vector.broadcast %div3A_850 : f32 to vector<1024x64xf32>
    %div3A_852 = arith.divf %add3A_846, %div3A_851 : vector<1024x64xf32>
    %erf3A_853 = math.erf %div3A_852 : vector<1024x64xf32>
    %add3A_854 = arith.constant 1.000000e+00 : f32
    %add3A_855 = vector.broadcast %add3A_854 : f32 to vector<1024x64xf32>
    %add3A_856 = arith.addf %add3A_855, %erf3A_853 : vector<1024x64xf32>
    %mul3A_857 = arith.mulf %mul3A_849, %add3A_856 : vector<1024x64xf32>
    %dot_general3A_858 = arith.constant dense<0.000000e+00> : vector<1024x64xf32>
    %dot_general3A_859 = tpu.matmul %mul3A_857, %get3A_502, %dot_general3A_858 {dimension_numbers = #tpu.dot_dimension_numbers<[1], [0], [0], [1], [0, 0, 1, 1], [], []>, transpose_lhs_hint = false} : vector<1024x64xf32>, vector<64x64xf32>, vector<1024x64xf32> -> vector<1024x64xf32>
    %add3A_860 = vector.broadcast %get3A_505 : vector<1x64xf32> to vector<1024x64xf32>
    %add3A_861 = arith.addf %dot_general3A_859, %add3A_860 : vector<1024x64xf32>
    %add3A_862 = arith.addf %add3A_861, %add3A_815 : vector<1024x64xf32>
    %dot_general3A_863 = arith.constant dense<0.000000e+00> : vector<1024x64xf32>
    %dot_general3A_864 = tpu.matmul %add3A_862, %get3A_508, %dot_general3A_863 {dimension_numbers = #tpu.dot_dimension_numbers<[1], [0], [0], [1], [0, 0, 1, 1], [], []>, transpose_lhs_hint = false} : vector<1024x64xf32>, vector<64x64xf32>, vector<1024x64xf32> -> vector<1024x64xf32>
    %add3A_865 = vector.broadcast %get3A_511 : vector<1x64xf32> to vector<1024x64xf32>
    %add3A_866 = arith.addf %dot_general3A_864, %add3A_865 : vector<1024x64xf32>
    %swap3A_867 = arith.constant 1 : index
    %swap3A_868 = arith.constant 0 : index
    %swap3A_869 = arith.constant 0 : index
    %swap3A_870 = vector.load %arg15[%swap3A_867, %swap3A_868, %swap3A_869] : memref<8x1024x64xf32, #tpu.memory_space<vmem>>, vector<1x1024x64xf32>
    %swap3A_871 = vector.shape_cast %swap3A_870 : vector<1x1024x64xf32> to vector<1024x64xf32>
    %swap3A_872 = vector.shape_cast %add3A_866 : vector<1024x64xf32> to vector<1x1024x64xf32>
    tpu.vector_store %arg15[%swap3A_867, %swap3A_868, %swap3A_869], %swap3A_872 {strides = array<i32>} : memref<8x1024x64xf32, #tpu.memory_space<vmem>>, vector<1x1024x64xf32>,
    %mul3A_873 = arith.mulf %convert_element_type3A_122, %convert_element_type3A_39 : vector<1024x64xf32>
    %mul3A_874 = arith.mulf %convert_element_type3A_122, %convert_element_type3A_82 : vector<1024x64xf32>
    %mul3A_875 = arith.mulf %convert_element_type3A_122, %convert_element_type3A_125 : vector<1024x64xf32>
    %mul3A_876 = arith.mulf %convert_element_type3A_122, %convert_element_type3A_168 : vector<1024x64xf32>
    %mul3A_877 = arith.mulf %convert_element_type3A_122, %convert_element_type3A_211 : vector<1024x64xf32>
    %mul3A_878 = arith.mulf %convert_element_type3A_122, %convert_element_type3A_254 : vector<1024x64xf32>
    %mul3A_879 = arith.mulf %convert_element_type3A_122, %convert_element_type3A_297 : vector<1024x64xf32>
    %mul3A_880 = arith.mulf %convert_element_type3A_122, %convert_element_type3A_340 : vector<1024x64xf32>
    %concatenate3A_881 = tpu.concatenate %mul3A_873, %mul3A_874, %mul3A_875, %mul3A_876, %mul3A_877, %mul3A_878, %mul3A_879, %mul3A_880 in 1 : vector<1024x64xf32>, vector<1024x64xf32>, vector<1024x64xf32>, vector<1024x64xf32>, vector<1024x64xf32>, vector<1024x64xf32>, vector<1024x64xf32>, vector<1024x64xf32> -> vector<1024x512xf32>
    %dot_general3A_882 = arith.constant dense<0.000000e+00> : vector<1024x16xf32>
    %dot_general3A_883 = tpu.matmul %concatenate3A_881, %select_n3A_481, %dot_general3A_882 {dimension_numbers = #tpu.dot_dimension_numbers<[1], [0], [0], [1], [0, 0, 1, 1], [], []>, precision = #tpu.contract_precision<fp32>, transpose_lhs_hint = false} : vector<1024x512xf32>, vector<512x16xf32>, vector<1024x16xf32> -> vector<1024x16xf32>
    %div3A_884 = arith.constant 5.65685415 : f32
    %div3A_885 = vector.broadcast %div3A_884 : f32 to vector<1024x16xf32>
    %div3A_886 = arith.divf %dot_general3A_883, %div3A_885 : vector<1024x16xf32>
    %slice3A_887 = vector.extract_strided_slice %div3A_886 {offsets = [0, 0], sizes = [1024, 8], strides = [1, 1]} : vector<1024x16xf32> to vector<1024x8xf32>
    %reduce_max3A_888 = arith.constant dense<0xFF800000> : vector<1024xf32>
    %reduce_max3A_889 = vector.multi_reduction <maximumf>, %slice3A_887, %reduce_max3A_888 [1] : vector<1024x8xf32> to vector<1024xf32>
    %broadcast_in_dim3A_890 = vector.shape_cast %reduce_max3A_889 : vector<1024xf32> to vector<1024x1xf32>
    %sub3A_891 = vector.broadcast %broadcast_in_dim3A_890 : vector<1024x1xf32> to vector<1024x8xf32>
    %sub3A_892 = arith.subf %slice3A_887, %sub3A_891 : vector<1024x8xf32>
    %exp3A_893 = math.exp %sub3A_892 : vector<1024x8xf32>
    %reduce_sum3A_894 = arith.constant dense<0.000000e+00> : vector<1024xf32>
    %reduce_sum3A_895 = vector.multi_reduction <add>, %exp3A_893, %reduce_sum3A_894 [1] : vector<1024x8xf32> to vector<1024xf32>
    %broadcast_in_dim3A_896 = vector.shape_cast %reduce_sum3A_895 : vector<1024xf32> to vector<1024x1xf32>
    %div3A_897 = vector.broadcast %broadcast_in_dim3A_896 : vector<1024x1xf32> to vector<1024x8xf32>
    %div3A_898 = arith.divf %exp3A_893, %div3A_897 : vector<1024x8xf32>
    %convert_element_type3A_899 = arith.truncf %div3A_898 : vector<1024x8xf32> to vector<1024x8xbf16>
    %convert_element_type3A_900 = arith.extf %convert_element_type3A_899 : vector<1024x8xbf16> to vector<1024x8xf32>
    %slice3A_901 = vector.extract_strided_slice %convert_element_type3A_900 {offsets = [0, 0], sizes = [1024, 1], strides = [1, 1]} : vector<1024x8xf32> to vector<1024x1xf32>
    %slice3A_902 = vector.extract_strided_slice %convert_element_type3A_42 {offsets = [0, 0], sizes = [1024, 32], strides = [1, 1]} : vector<1024x64xf32> to vector<1024x32xf32>
    %mul3A_903 = vector.broadcast %slice3A_901 : vector<1024x1xf32> to vector<1024x32xf32>
    %mul3A_904 = arith.mulf %mul3A_903, %slice3A_902 : vector<1024x32xf32>
    %slice3A_905 = vector.extract_strided_slice %convert_element_type3A_900 {offsets = [0, 1], sizes = [1024, 1], strides = [1, 1]} : vector<1024x8xf32> to vector<1024x1xf32>
    %slice3A_906 = vector.extract_strided_slice %convert_element_type3A_85 {offsets = [0, 0], sizes = [1024, 32], strides = [1, 1]} : vector<1024x64xf32> to vector<1024x32xf32>
    %mul3A_907 = vector.broadcast %slice3A_905 : vector<1024x1xf32> to vector<1024x32xf32>
    %mul3A_908 = arith.mulf %mul3A_907, %slice3A_906 : vector<1024x32xf32>
    %add3A_909 = arith.addf %mul3A_904, %mul3A_908 : vector<1024x32xf32>
    %slice3A_910 = vector.extract_strided_slice %convert_element_type3A_900 {offsets = [0, 2], sizes = [1024, 1], strides = [1, 1]} : vector<1024x8xf32> to vector<1024x1xf32>
    %slice3A_911 = vector.extract_strided_slice %convert_element_type3A_128 {offsets = [0, 0], sizes = [1024, 32], strides = [1, 1]} : vector<1024x64xf32> to vector<1024x32xf32>
    %mul3A_912 = vector.broadcast %slice3A_910 : vector<1024x1xf32> to vector<1024x32xf32>
    %mul3A_913 = arith.mulf %mul3A_912, %slice3A_911 : vector<1024x32xf32>
    %add3A_914 = arith.addf %add3A_909, %mul3A_913 : vector<1024x32xf32>
    %slice3A_915 = vector.extract_strided_slice %convert_element_type3A_900 {offsets = [0, 3], sizes = [1024, 1], strides = [1, 1]} : vector<1024x8xf32> to vector<1024x1xf32>
    %slice3A_916 = vector.extract_strided_slice %convert_element_type3A_171 {offsets = [0, 0], sizes = [1024, 32], strides = [1, 1]} : vector<1024x64xf32> to vector<1024x32xf32>
    %mul3A_917 = vector.broadcast %slice3A_915 : vector<1024x1xf32> to vector<1024x32xf32>
    %mul3A_918 = arith.mulf %mul3A_917, %slice3A_916 : vector<1024x32xf32>
    %add3A_919 = arith.addf %add3A_914, %mul3A_918 : vector<1024x32xf32>
    %slice3A_920 = vector.extract_strided_slice %convert_element_type3A_900 {offsets = [0, 4], sizes = [1024, 1], strides = [1, 1]} : vector<1024x8xf32> to vector<1024x1xf32>
    %slice3A_921 = vector.extract_strided_slice %convert_element_type3A_214 {offsets = [0, 0], sizes = [1024, 32], strides = [1, 1]} : vector<1024x64xf32> to vector<1024x32xf32>
    %mul3A_922 = vector.broadcast %slice3A_920 : vector<1024x1xf32> to vector<1024x32xf32>
    %mul3A_923 = arith.mulf %mul3A_922, %slice3A_921 : vector<1024x32xf32>
    %add3A_924 = arith.addf %add3A_919, %mul3A_923 : vector<1024x32xf32>
    %slice3A_925 = vector.extract_strided_slice %convert_element_type3A_900 {offsets = [0, 5], sizes = [1024, 1], strides = [1, 1]} : vector<1024x8xf32> to vector<1024x1xf32>
    %slice3A_926 = vector.extract_strided_slice %convert_element_type3A_257 {offsets = [0, 0], sizes = [1024, 32], strides = [1, 1]} : vector<1024x64xf32> to vector<1024x32xf32>
    %mul3A_927 = vector.broadcast %slice3A_925 : vector<1024x1xf32> to vector<1024x32xf32>
    %mul3A_928 = arith.mulf %mul3A_927, %slice3A_926 : vector<1024x32xf32>
    %add3A_929 = arith.addf %add3A_924, %mul3A_928 : vector<1024x32xf32>
    %slice3A_930 = vector.extract_strided_slice %convert_element_type3A_900 {offsets = [0, 6], sizes = [1024, 1], strides = [1, 1]} : vector<1024x8xf32> to vector<1024x1xf32>
    %slice3A_931 = vector.extract_strided_slice %convert_element_type3A_300 {offsets = [0, 0], sizes = [1024, 32], strides = [1, 1]} : vector<1024x64xf32> to vector<1024x32xf32>
    %mul3A_932 = vector.broadcast %slice3A_930 : vector<1024x1xf32> to vector<1024x32xf32>
    %mul3A_933 = arith.mulf %mul3A_932, %slice3A_931 : vector<1024x32xf32>
    %add3A_934 = arith.addf %add3A_929, %mul3A_933 : vector<1024x32xf32>
    %slice3A_935 = vector.extract_strided_slice %convert_element_type3A_900 {offsets = [0, 7], sizes = [1024, 1], strides = [1, 1]} : vector<1024x8xf32> to vector<1024x1xf32>
    %slice3A_936 = vector.extract_strided_slice %convert_element_type3A_343 {offsets = [0, 0], sizes = [1024, 32], strides = [1, 1]} : vector<1024x64xf32> to vector<1024x32xf32>
    %mul3A_937 = vector.broadcast %slice3A_935 : vector<1024x1xf32> to vector<1024x32xf32>
    %mul3A_938 = arith.mulf %mul3A_937, %slice3A_936 : vector<1024x32xf32>
    %add3A_939 = arith.addf %add3A_934, %mul3A_938 : vector<1024x32xf32>
    %slice3A_940 = vector.extract_strided_slice %div3A_886 {offsets = [0, 8], sizes = [1024, 8], strides = [1, 1]} : vector<1024x16xf32> to vector<1024x8xf32>
    %reduce_max3A_941 = arith.constant dense<0xFF800000> : vector<1024xf32>
    %reduce_max3A_942 = vector.multi_reduction <maximumf>, %slice3A_940, %reduce_max3A_941 [1] : vector<1024x8xf32> to vector<1024xf32>
    %broadcast_in_dim3A_943 = vector.shape_cast %reduce_max3A_942 : vector<1024xf32> to vector<1024x1xf32>
    %sub3A_944 = vector.broadcast %broadcast_in_dim3A_943 : vector<1024x1xf32> to vector<1024x8xf32>
    %sub3A_945 = arith.subf %slice3A_940, %sub3A_944 : vector<1024x8xf32>
    %exp3A_946 = math.exp %sub3A_945 : vector<1024x8xf32>
    %reduce_sum3A_947 = arith.constant dense<0.000000e+00> : vector<1024xf32>
    %reduce_sum3A_948 = vector.multi_reduction <add>, %exp3A_946, %reduce_sum3A_947 [1] : vector<1024x8xf32> to vector<1024xf32>
    %broadcast_in_dim3A_949 = vector.shape_cast %reduce_sum3A_948 : vector<1024xf32> to vector<1024x1xf32>
    %div3A_950 = vector.broadcast %broadcast_in_dim3A_949 : vector<1024x1xf32> to vector<1024x8xf32>
    %div3A_951 = arith.divf %exp3A_946, %div3A_950 : vector<1024x8xf32>
    %convert_element_type3A_952 = arith.truncf %div3A_951 : vector<1024x8xf32> to vector<1024x8xbf16>
    %convert_element_type3A_953 = arith.extf %convert_element_type3A_952 : vector<1024x8xbf16> to vector<1024x8xf32>
    %slice3A_954 = vector.extract_strided_slice %convert_element_type3A_953 {offsets = [0, 0], sizes = [1024, 1], strides = [1, 1]} : vector<1024x8xf32> to vector<1024x1xf32>
    %slice3A_955 = vector.extract_strided_slice %convert_element_type3A_42 {offsets = [0, 32], sizes = [1024, 32], strides = [1, 1]} : vector<1024x64xf32> to vector<1024x32xf32>
    %mul3A_956 = vector.broadcast %slice3A_954 : vector<1024x1xf32> to vector<1024x32xf32>
    %mul3A_957 = arith.mulf %mul3A_956, %slice3A_955 : vector<1024x32xf32>
    %slice3A_958 = vector.extract_strided_slice %convert_element_type3A_953 {offsets = [0, 1], sizes = [1024, 1], strides = [1, 1]} : vector<1024x8xf32> to vector<1024x1xf32>
    %slice3A_959 = vector.extract_strided_slice %convert_element_type3A_85 {offsets = [0, 32], sizes = [1024, 32], strides = [1, 1]} : vector<1024x64xf32> to vector<1024x32xf32>
    %mul3A_960 = vector.broadcast %slice3A_958 : vector<1024x1xf32> to vector<1024x32xf32>
    %mul3A_961 = arith.mulf %mul3A_960, %slice3A_959 : vector<1024x32xf32>
    %add3A_962 = arith.addf %mul3A_957, %mul3A_961 : vector<1024x32xf32>
    %slice3A_963 = vector.extract_strided_slice %convert_element_type3A_953 {offsets = [0, 2], sizes = [1024, 1], strides = [1, 1]} : vector<1024x8xf32> to vector<1024x1xf32>
    %slice3A_964 = vector.extract_strided_slice %convert_element_type3A_128 {offsets = [0, 32], sizes = [1024, 32], strides = [1, 1]} : vector<1024x64xf32> to vector<1024x32xf32>
    %mul3A_965 = vector.broadcast %slice3A_963 : vector<1024x1xf32> to vector<1024x32xf32>
    %mul3A_966 = arith.mulf %mul3A_965, %slice3A_964 : vector<1024x32xf32>
    %add3A_967 = arith.addf %add3A_962, %mul3A_966 : vector<1024x32xf32>
    %slice3A_968 = vector.extract_strided_slice %convert_element_type3A_953 {offsets = [0, 3], sizes = [1024, 1], strides = [1, 1]} : vector<1024x8xf32> to vector<1024x1xf32>
    %slice3A_969 = vector.extract_strided_slice %convert_element_type3A_171 {offsets = [0, 32], sizes = [1024, 32], strides = [1, 1]} : vector<1024x64xf32> to vector<1024x32xf32>
    %mul3A_970 = vector.broadcast %slice3A_968 : vector<1024x1xf32> to vector<1024x32xf32>
    %mul3A_971 = arith.mulf %mul3A_970, %slice3A_969 : vector<1024x32xf32>
    %add3A_972 = arith.addf %add3A_967, %mul3A_971 : vector<1024x32xf32>
    %slice3A_973 = vector.extract_strided_slice %convert_element_type3A_953 {offsets = [0, 4], sizes = [1024, 1], strides = [1, 1]} : vector<1024x8xf32> to vector<1024x1xf32>
    %slice3A_974 = vector.extract_strided_slice %convert_element_type3A_214 {offsets = [0, 32], sizes = [1024, 32], strides = [1, 1]} : vector<1024x64xf32> to vector<1024x32xf32>
    %mul3A_975 = vector.broadcast %slice3A_973 : vector<1024x1xf32> to vector<1024x32xf32>
    %mul3A_976 = arith.mulf %mul3A_975, %slice3A_974 : vector<1024x32xf32>
    %add3A_977 = arith.addf %add3A_972, %mul3A_976 : vector<1024x32xf32>
    %slice3A_978 = vector.extract_strided_slice %convert_element_type3A_953 {offsets = [0, 5], sizes = [1024, 1], strides = [1, 1]} : vector<1024x8xf32> to vector<1024x1xf32>
    %slice3A_979 = vector.extract_strided_slice %convert_element_type3A_257 {offsets = [0, 32], sizes = [1024, 32], strides = [1, 1]} : vector<1024x64xf32> to vector<1024x32xf32>
    %mul3A_980 = vector.broadcast %slice3A_978 : vector<1024x1xf32> to vector<1024x32xf32>
    %mul3A_981 = arith.mulf %mul3A_980, %slice3A_979 : vector<1024x32xf32>
    %add3A_982 = arith.addf %add3A_977, %mul3A_981 : vector<1024x32xf32>
    %slice3A_983 = vector.extract_strided_slice %convert_element_type3A_953 {offsets = [0, 6], sizes = [1024, 1], strides = [1, 1]} : vector<1024x8xf32> to vector<1024x1xf32>
    %slice3A_984 = vector.extract_strided_slice %convert_element_type3A_300 {offsets = [0, 32], sizes = [1024, 32], strides = [1, 1]} : vector<1024x64xf32> to vector<1024x32xf32>
    %mul3A_985 = vector.broadcast %slice3A_983 : vector<1024x1xf32> to vector<1024x32xf32>
    %mul3A_986 = arith.mulf %mul3A_985, %slice3A_984 : vector<1024x32xf32>
    %add3A_987 = arith.addf %add3A_982, %mul3A_986 : vector<1024x32xf32>
    %slice3A_988 = vector.extract_strided_slice %convert_element_type3A_953 {offsets = [0, 7], sizes = [1024, 1], strides = [1, 1]} : vector<1024x8xf32> to vector<1024x1xf32>
    %slice3A_989 = vector.extract_strided_slice %convert_element_type3A_343 {offsets = [0, 32], sizes = [1024, 32], strides = [1, 1]} : vector<1024x64xf32> to vector<1024x32xf32>
    %mul3A_990 = vector.broadcast %slice3A_988 : vector<1024x1xf32> to vector<1024x32xf32>
    %mul3A_991 = arith.mulf %mul3A_990, %slice3A_989 : vector<1024x32xf32>
    %add3A_992 = arith.addf %add3A_987, %mul3A_991 : vector<1024x32xf32>
    %concatenate3A_993 = tpu.concatenate %add3A_939, %add3A_992 in 1 : vector<1024x32xf32>, vector<1024x32xf32> -> vector<1024x64xf32>
    %dot_general3A_994 = arith.constant dense<0.000000e+00> : vector<1024x64xf32>
    %dot_general3A_995 = tpu.matmul %concatenate3A_993, %get3A_484, %dot_general3A_994 {dimension_numbers = #tpu.dot_dimension_numbers<[1], [0], [0], [1], [0, 0, 1, 1], [], []>, transpose_lhs_hint = false} : vector<1024x64xf32>, vector<64x64xf32>, vector<1024x64xf32> -> vector<1024x64xf32>
    %add3A_996 = vector.broadcast %get3A_487 : vector<1x64xf32> to vector<1024x64xf32>
    %add3A_997 = arith.addf %dot_general3A_995, %add3A_996 : vector<1024x64xf32>
    %add3A_998 = arith.addf %add3A_997, %get3A_88 : vector<1024x64xf32>
    %reduce_sum3A_999 = arith.constant dense<0.000000e+00> : vector<1024xf32>
    %reduce_sum3A_1000 = vector.multi_reduction <add>, %add3A_998, %reduce_sum3A_999 [1] : vector<1024x64xf32> to vector<1024xf32>
    %broadcast_in_dim3A_1001 = vector.shape_cast %reduce_sum3A_1000 : vector<1024xf32> to vector<1024x1xf32>
    %div3A_1002 = arith.constant 6.400000e+01 : f32
    %div3A_1003 = vector.broadcast %div3A_1002 : f32 to vector<1024x1xf32>
    %div3A_1004 = arith.divf %broadcast_in_dim3A_1001, %div3A_1003 : vector<1024x1xf32>
    %sub3A_1005 = vector.broadcast %div3A_1004 : vector<1024x1xf32> to vector<1024x64xf32>
    %sub3A_1006 = arith.subf %add3A_998, %sub3A_1005 : vector<1024x64xf32>
    %integer_pow3A_1007 = arith.mulf %sub3A_1006, %sub3A_1006 : vector<1024x64xf32>
    %reduce_sum3A_1008 = arith.constant dense<0.000000e+00> : vector<1024xf32>
    %reduce_sum3A_1009 = vector.multi_reduction <add>, %integer_pow3A_1007, %reduce_sum3A_1008 [1] : vector<1024x64xf32> to vector<1024xf32>
    %broadcast_in_dim3A_1010 = vector.shape_cast %reduce_sum3A_1009 : vector<1024xf32> to vector<1024x1xf32>
    %div3A_1011 = arith.constant 6.400000e+01 : f32
    %div3A_1012 = vector.broadcast %div3A_1011 : f32 to vector<1024x1xf32>
    %div3A_1013 = arith.divf %broadcast_in_dim3A_1010, %div3A_1012 : vector<1024x1xf32>
    %sub3A_1014 = vector.broadcast %div3A_1004 : vector<1024x1xf32> to vector<1024x64xf32>
    %sub3A_1015 = arith.subf %add3A_998, %sub3A_1014 : vector<1024x64xf32>
    %add3A_1016 = arith.constant 9.99999974E-6 : f32
    %add3A_1017 = vector.broadcast %add3A_1016 : f32 to vector<1024x1xf32>
    %add3A_1018 = arith.addf %div3A_1013, %add3A_1017 : vector<1024x1xf32>
    %sqrt3A_1019 = math.sqrt %add3A_1018 : vector<1024x1xf32>
    %div3A_1020 = vector.broadcast %sqrt3A_1019 : vector<1024x1xf32> to vector<1024x64xf32>
    %div3A_1021 = arith.divf %sub3A_1015, %div3A_1020 : vector<1024x64xf32>
    %mul3A_1022 = vector.broadcast %get3A_490 : vector<1x64xf32> to vector<1024x64xf32>
    %mul3A_1023 = arith.mulf %div3A_1021, %mul3A_1022 : vector<1024x64xf32>
    %add3A_1024 = vector.broadcast %get3A_493 : vector<1x64xf32> to vector<1024x64xf32>
    %add3A_1025 = arith.addf %mul3A_1023, %add3A_1024 : vector<1024x64xf32>
    %dot_general3A_1026 = arith.constant dense<0.000000e+00> : vector<1024x64xf32>
    %dot_general3A_1027 = tpu.matmul %add3A_1025, %get3A_496, %dot_general3A_1026 {dimension_numbers = #tpu.dot_dimension_numbers<[1], [0], [0], [1], [0, 0, 1, 1], [], []>, transpose_lhs_hint = false} : vector<1024x64xf32>, vector<64x64xf32>, vector<1024x64xf32> -> vector<1024x64xf32>
    %add3A_1028 = vector.broadcast %get3A_499 : vector<1x64xf32> to vector<1024x64xf32>
    %add3A_1029 = arith.addf %dot_general3A_1027, %add3A_1028 : vector<1024x64xf32>
    %mul3A_1030 = arith.constant 5.000000e-01 : f32
    %mul3A_1031 = vector.broadcast %mul3A_1030 : f32 to vector<1024x64xf32>
    %mul3A_1032 = arith.mulf %mul3A_1031, %add3A_1029 : vector<1024x64xf32>
    %div3A_1033 = arith.constant 1.41421354 : f32
    %div3A_1034 = vector.broadcast %div3A_1033 : f32 to vector<1024x64xf32>
    %div3A_1035 = arith.divf %add3A_1029, %div3A_1034 : vector<1024x64xf32>
    %erf3A_1036 = math.erf %div3A_1035 : vector<1024x64xf32>
    %add3A_1037 = arith.constant 1.000000e+00 : f32
    %add3A_1038 = vector.broadcast %add3A_1037 : f32 to vector<1024x64xf32>
    %add3A_1039 = arith.addf %add3A_1038, %erf3A_1036 : vector<1024x64xf32>
    %mul3A_1040 = arith.mulf %mul3A_1032, %add3A_1039 : vector<1024x64xf32>
    %dot_general3A_1041 = arith.constant dense<0.000000e+00> : vector<1024x64xf32>
    %dot_general3A_1042 = tpu.matmul %mul3A_1040, %get3A_502, %dot_general3A_1041 {dimension_numbers = #tpu.dot_dimension_numbers<[1], [0], [0], [1], [0, 0, 1, 1], [], []>, transpose_lhs_hint = false} : vector<1024x64xf32>, vector<64x64xf32>, vector<1024x64xf32> -> vector<1024x64xf32>
    %add3A_1043 = vector.broadcast %get3A_505 : vector<1x64xf32> to vector<1024x64xf32>
    %add3A_1044 = arith.addf %dot_general3A_1042, %add3A_1043 : vector<1024x64xf32>
    %add3A_1045 = arith.addf %add3A_1044, %add3A_998 : vector<1024x64xf32>
    %dot_general3A_1046 = arith.constant dense<0.000000e+00> : vector<1024x64xf32>
    %dot_general3A_1047 = tpu.matmul %add3A_1045, %get3A_508, %dot_general3A_1046 {dimension_numbers = #tpu.dot_dimension_numbers<[1], [0], [0], [1], [0, 0, 1, 1], [], []>, transpose_lhs_hint = false} : vector<1024x64xf32>, vector<64x64xf32>, vector<1024x64xf32> -> vector<1024x64xf32>
    %add3A_1048 = vector.broadcast %get3A_511 : vector<1x64xf32> to vector<1024x64xf32>
    %add3A_1049 = arith.addf %dot_general3A_1047, %add3A_1048 : vector<1024x64xf32>
    %swap3A_1050 = arith.constant 2 : index
    %swap3A_1051 = arith.constant 0 : index
    %swap3A_1052 = arith.constant 0 : index
    %swap3A_1053 = vector.load %arg15[%swap3A_1050, %swap3A_1051, %swap3A_1052] : memref<8x1024x64xf32, #tpu.memory_space<vmem>>, vector<1x1024x64xf32>
    %swap3A_1054 = vector.shape_cast %swap3A_1053 : vector<1x1024x64xf32> to vector<1024x64xf32>
    %swap3A_1055 = vector.shape_cast %add3A_1049 : vector<1024x64xf32> to vector<1x1024x64xf32>
    tpu.vector_store %arg15[%swap3A_1050, %swap3A_1051, %swap3A_1052], %swap3A_1055 {strides = array<i32>} : memref<8x1024x64xf32, #tpu.memory_space<vmem>>, vector<1x1024x64xf32>,
    %mul3A_1056 = arith.mulf %convert_element_type3A_165, %convert_element_type3A_39 : vector<1024x64xf32>
    %mul3A_1057 = arith.mulf %convert_element_type3A_165, %convert_element_type3A_82 : vector<1024x64xf32>
    %mul3A_1058 = arith.mulf %convert_element_type3A_165, %convert_element_type3A_125 : vector<1024x64xf32>
    %mul3A_1059 = arith.mulf %convert_element_type3A_165, %convert_element_type3A_168 : vector<1024x64xf32>
    %mul3A_1060 = arith.mulf %convert_element_type3A_165, %convert_element_type3A_211 : vector<1024x64xf32>
    %mul3A_1061 = arith.mulf %convert_element_type3A_165, %convert_element_type3A_254 : vector<1024x64xf32>
    %mul3A_1062 = arith.mulf %convert_element_type3A_165, %convert_element_type3A_297 : vector<1024x64xf32>
    %mul3A_1063 = arith.mulf %convert_element_type3A_165, %convert_element_type3A_340 : vector<1024x64xf32>
    %concatenate3A_1064 = tpu.concatenate %mul3A_1056, %mul3A_1057, %mul3A_1058, %mul3A_1059, %mul3A_1060, %mul3A_1061, %mul3A_1062, %mul3A_1063 in 1 : vector<1024x64xf32>, vector<1024x64xf32>, vector<1024x64xf32>, vector<1024x64xf32>, vector<1024x64xf32>, vector<1024x64xf32>, vector<1024x64xf32>, vector<1024x64xf32> -> vector<1024x512xf32>
    %dot_general3A_1065 = arith.constant dense<0.000000e+00> : vector<1024x16xf32>
    %dot_general3A_1066 = tpu.matmul %concatenate3A_1064, %select_n3A_481, %dot_general3A_1065 {dimension_numbers = #tpu.dot_dimension_numbers<[1], [0], [0], [1], [0, 0, 1, 1], [], []>, precision = #tpu.contract_precision<fp32>, transpose_lhs_hint = false} : vector<1024x512xf32>, vector<512x16xf32>, vector<1024x16xf32> -> vector<1024x16xf32>
    %div3A_1067 = arith.constant 5.65685415 : f32
    %div3A_1068 = vector.broadcast %div3A_1067 : f32 to vector<1024x16xf32>
    %div3A_1069 = arith.divf %dot_general3A_1066, %div3A_1068 : vector<1024x16xf32>
    %slice3A_1070 = vector.extract_strided_slice %div3A_1069 {offsets = [0, 0], sizes = [1024, 8], strides = [1, 1]} : vector<1024x16xf32> to vector<1024x8xf32>
    %reduce_max3A_1071 = arith.constant dense<0xFF800000> : vector<1024xf32>
    %reduce_max3A_1072 = vector.multi_reduction <maximumf>, %slice3A_1070, %reduce_max3A_1071 [1] : vector<1024x8xf32> to vector<1024xf32>
    %broadcast_in_dim3A_1073 = vector.shape_cast %reduce_max3A_1072 : vector<1024xf32> to vector<1024x1xf32>
    %sub3A_1074 = vector.broadcast %broadcast_in_dim3A_1073 : vector<1024x1xf32> to vector<1024x8xf32>
    %sub3A_1075 = arith.subf %slice3A_1070, %sub3A_1074 : vector<1024x8xf32>
    %exp3A_1076 = math.exp %sub3A_1075 : vector<1024x8xf32>
    %reduce_sum3A_1077 = arith.constant dense<0.000000e+00> : vector<1024xf32>
    %reduce_sum3A_1078 = vector.multi_reduction <add>, %exp3A_1076, %reduce_sum3A_1077 [1] : vector<1024x8xf32> to vector<1024xf32>
    %broadcast_in_dim3A_1079 = vector.shape_cast %reduce_sum3A_1078 : vector<1024xf32> to vector<1024x1xf32>
    %div3A_1080 = vector.broadcast %broadcast_in_dim3A_1079 : vector<1024x1xf32> to vector<1024x8xf32>
    %div3A_1081 = arith.divf %exp3A_1076, %div3A_1080 : vector<1024x8xf32>
    %convert_element_type3A_1082 = arith.truncf %div3A_1081 : vector<1024x8xf32> to vector<1024x8xbf16>
    %convert_element_type3A_1083 = arith.extf %convert_element_type3A_1082 : vector<1024x8xbf16> to vector<1024x8xf32>
    %slice3A_1084 = vector.extract_strided_slice %convert_element_type3A_1083 {offsets = [0, 0], sizes = [1024, 1], strides = [1, 1]} : vector<1024x8xf32> to vector<1024x1xf32>
    %slice3A_1085 = vector.extract_strided_slice %convert_element_type3A_42 {offsets = [0, 0], sizes = [1024, 32], strides = [1, 1]} : vector<1024x64xf32> to vector<1024x32xf32>
    %mul3A_1086 = vector.broadcast %slice3A_1084 : vector<1024x1xf32> to vector<1024x32xf32>
    %mul3A_1087 = arith.mulf %mul3A_1086, %slice3A_1085 : vector<1024x32xf32>
    %slice3A_1088 = vector.extract_strided_slice %convert_element_type3A_1083 {offsets = [0, 1], sizes = [1024, 1], strides = [1, 1]} : vector<1024x8xf32> to vector<1024x1xf32>
    %slice3A_1089 = vector.extract_strided_slice %convert_element_type3A_85 {offsets = [0, 0], sizes = [1024, 32], strides = [1, 1]} : vector<1024x64xf32> to vector<1024x32xf32>
    %mul3A_1090 = vector.broadcast %slice3A_1088 : vector<1024x1xf32> to vector<1024x32xf32>
    %mul3A_1091 = arith.mulf %mul3A_1090, %slice3A_1089 : vector<1024x32xf32>
    %add3A_1092 = arith.addf %mul3A_1087, %mul3A_1091 : vector<1024x32xf32>
    %slice3A_1093 = vector.extract_strided_slice %convert_element_type3A_1083 {offsets = [0, 2], sizes = [1024, 1], strides = [1, 1]} : vector<1024x8xf32> to vector<1024x1xf32>
    %slice3A_1094 = vector.extract_strided_slice %convert_element_type3A_128 {offsets = [0, 0], sizes = [1024, 32], strides = [1, 1]} : vector<1024x64xf32> to vector<1024x32xf32>
    %mul3A_1095 = vector.broadcast %slice3A_1093 : vector<1024x1xf32> to vector<1024x32xf32>
    %mul3A_1096 = arith.mulf %mul3A_1095, %slice3A_1094 : vector<1024x32xf32>
    %add3A_1097 = arith.addf %add3A_1092, %mul3A_1096 : vector<1024x32xf32>
    %slice3A_1098 = vector.extract_strided_slice %convert_element_type3A_1083 {offsets = [0, 3], sizes = [1024, 1], strides = [1, 1]} : vector<1024x8xf32> to vector<1024x1xf32>
    %slice3A_1099 = vector.extract_strided_slice %convert_element_type3A_171 {offsets = [0, 0], sizes = [1024, 32], strides = [1, 1]} : vector<1024x64xf32> to vector<1024x32xf32>
    %mul3A_1100 = vector.broadcast %slice3A_1098 : vector<1024x1xf32> to vector<1024x32xf32>
    %mul3A_1101 = arith.mulf %mul3A_1100, %slice3A_1099 : vector<1024x32xf32>
    %add3A_1102 = arith.addf %add3A_1097, %mul3A_1101 : vector<1024x32xf32>
    %slice3A_1103 = vector.extract_strided_slice %convert_element_type3A_1083 {offsets = [0, 4], sizes = [1024, 1], strides = [1, 1]} : vector<1024x8xf32> to vector<1024x1xf32>
    %slice3A_1104 = vector.extract_strided_slice %convert_element_type3A_214 {offsets = [0, 0], sizes = [1024, 32], strides = [1, 1]} : vector<1024x64xf32> to vector<1024x32xf32>
    %mul3A_1105 = vector.broadcast %slice3A_1103 : vector<1024x1xf32> to vector<1024x32xf32>
    %mul3A_1106 = arith.mulf %mul3A_1105, %slice3A_1104 : vector<1024x32xf32>
    %add3A_1107 = arith.addf %add3A_1102, %mul3A_1106 : vector<1024x32xf32>
    %slice3A_1108 = vector.extract_strided_slice %convert_element_type3A_1083 {offsets = [0, 5], sizes = [1024, 1], strides = [1, 1]} : vector<1024x8xf32> to vector<1024x1xf32>
    %slice3A_1109 = vector.extract_strided_slice %convert_element_type3A_257 {offsets = [0, 0], sizes = [1024, 32], strides = [1, 1]} : vector<1024x64xf32> to vector<1024x32xf32>
    %mul3A_1110 = vector.broadcast %slice3A_1108 : vector<1024x1xf32> to vector<1024x32xf32>
    %mul3A_1111 = arith.mulf %mul3A_1110, %slice3A_1109 : vector<1024x32xf32>
    %add3A_1112 = arith.addf %add3A_1107, %mul3A_1111 : vector<1024x32xf32>
    %slice3A_1113 = vector.extract_strided_slice %convert_element_type3A_1083 {offsets = [0, 6], sizes = [1024, 1], strides = [1, 1]} : vector<1024x8xf32> to vector<1024x1xf32>
    %slice3A_1114 = vector.extract_strided_slice %convert_element_type3A_300 {offsets = [0, 0], sizes = [1024, 32], strides = [1, 1]} : vector<1024x64xf32> to vector<1024x32xf32>
    %mul3A_1115 = vector.broadcast %slice3A_1113 : vector<1024x1xf32> to vector<1024x32xf32>
    %mul3A_1116 = arith.mulf %mul3A_1115, %slice3A_1114 : vector<1024x32xf32>
    %add3A_1117 = arith.addf %add3A_1112, %mul3A_1116 : vector<1024x32xf32>
    %slice3A_1118 = vector.extract_strided_slice %convert_element_type3A_1083 {offsets = [0, 7], sizes = [1024, 1], strides = [1, 1]} : vector<1024x8xf32> to vector<1024x1xf32>
    %slice3A_1119 = vector.extract_strided_slice %convert_element_type3A_343 {offsets = [0, 0], sizes = [1024, 32], strides = [1, 1]} : vector<1024x64xf32> to vector<1024x32xf32>
    %mul3A_1120 = vector.broadcast %slice3A_1118 : vector<1024x1xf32> to vector<1024x32xf32>
    %mul3A_1121 = arith.mulf %mul3A_1120, %slice3A_1119 : vector<1024x32xf32>
    %add3A_1122 = arith.addf %add3A_1117, %mul3A_1121 : vector<1024x32xf32>
    %slice3A_1123 = vector.extract_strided_slice %div3A_1069 {offsets = [0, 8], sizes = [1024, 8], strides = [1, 1]} : vector<1024x16xf32> to vector<1024x8xf32>
    %reduce_max3A_1124 = arith.constant dense<0xFF800000> : vector<1024xf32>
    %reduce_max3A_1125 = vector.multi_reduction <maximumf>, %slice3A_1123, %reduce_max3A_1124 [1] : vector<1024x8xf32> to vector<1024xf32>
    %broadcast_in_dim3A_1126 = vector.shape_cast %reduce_max3A_1125 : vector<1024xf32> to vector<1024x1xf32>
    %sub3A_1127 = vector.broadcast %broadcast_in_dim3A_1126 : vector<1024x1xf32> to vector<1024x8xf32>
    %sub3A_1128 = arith.subf %slice3A_1123, %sub3A_1127 : vector<1024x8xf32>
    %exp3A_1129 = math.exp %sub3A_1128 : vector<1024x8xf32>
    %reduce_sum3A_1130 = arith.constant dense<0.000000e+00> : vector<1024xf32>
    %reduce_sum3A_1131 = vector.multi_reduction <add>, %exp3A_1129, %reduce_sum3A_1130 [1] : vector<1024x8xf32> to vector<1024xf32>
    %broadcast_in_dim3A_1132 = vector.shape_cast %reduce_sum3A_1131 : vector<1024xf32> to vector<1024x1xf32>
    %div3A_1133 = vector.broadcast %broadcast_in_dim3A_1132 : vector<1024x1xf32> to vector<1024x8xf32>
    %div3A_1134 = arith.divf %exp3A_1129, %div3A_1133 : vector<1024x8xf32>
    %convert_element_type3A_1135 = arith.truncf %div3A_1134 : vector<1024x8xf32> to vector<1024x8xbf16>
    %convert_element_type3A_1136 = arith.extf %convert_element_type3A_1135 : vector<1024x8xbf16> to vector<1024x8xf32>
    %slice3A_1137 = vector.extract_strided_slice %convert_element_type3A_1136 {offsets = [0, 0], sizes = [1024, 1], strides = [1, 1]} : vector<1024x8xf32> to vector<1024x1xf32>
    %slice3A_1138 = vector.extract_strided_slice %convert_element_type3A_42 {offsets = [0, 32], sizes = [1024, 32], strides = [1, 1]} : vector<1024x64xf32> to vector<1024x32xf32>
    %mul3A_1139 = vector.broadcast %slice3A_1137 : vector<1024x1xf32> to vector<1024x32xf32>
    %mul3A_1140 = arith.mulf %mul3A_1139, %slice3A_1138 : vector<1024x32xf32>
    %slice3A_1141 = vector.extract_strided_slice %convert_element_type3A_1136 {offsets = [0, 1], sizes = [1024, 1], strides = [1, 1]} : vector<1024x8xf32> to vector<1024x1xf32>
    %slice3A_1142 = vector.extract_strided_slice %convert_element_type3A_85 {offsets = [0, 32], sizes = [1024, 32], strides = [1, 1]} : vector<1024x64xf32> to vector<1024x32xf32>
    %mul3A_1143 = vector.broadcast %slice3A_1141 : vector<1024x1xf32> to vector<1024x32xf32>
    %mul3A_1144 = arith.mulf %mul3A_1143, %slice3A_1142 : vector<1024x32xf32>
    %add3A_1145 = arith.addf %mul3A_1140, %mul3A_1144 : vector<1024x32xf32>
    %slice3A_1146 = vector.extract_strided_slice %convert_element_type3A_1136 {offsets = [0, 2], sizes = [1024, 1], strides = [1, 1]} : vector<1024x8xf32> to vector<1024x1xf32>
    %slice3A_1147 = vector.extract_strided_slice %convert_element_type3A_128 {offsets = [0, 32], sizes = [1024, 32], strides = [1, 1]} : vector<1024x64xf32> to vector<1024x32xf32>
    %mul3A_1148 = vector.broadcast %slice3A_1146 : vector<1024x1xf32> to vector<1024x32xf32>
    %mul3A_1149 = arith.mulf %mul3A_1148, %slice3A_1147 : vector<1024x32xf32>
    %add3A_1150 = arith.addf %add3A_1145, %mul3A_1149 : vector<1024x32xf32>
    %slice3A_1151 = vector.extract_strided_slice %convert_element_type3A_1136 {offsets = [0, 3], sizes = [1024, 1], strides = [1, 1]} : vector<1024x8xf32> to vector<1024x1xf32>
    %slice3A_1152 = vector.extract_strided_slice %convert_element_type3A_171 {offsets = [0, 32], sizes = [1024, 32], strides = [1, 1]} : vector<1024x64xf32> to vector<1024x32xf32>
    %mul3A_1153 = vector.broadcast %slice3A_1151 : vector<1024x1xf32> to vector<1024x32xf32>
    %mul3A_1154 = arith.mulf %mul3A_1153, %slice3A_1152 : vector<1024x32xf32>
    %add3A_1155 = arith.addf %add3A_1150, %mul3A_1154 : vector<1024x32xf32>
    %slice3A_1156 = vector.extract_strided_slice %convert_element_type3A_1136 {offsets = [0, 4], sizes = [1024, 1], strides = [1, 1]} : vector<1024x8xf32> to vector<1024x1xf32>
    %slice3A_1157 = vector.extract_strided_slice %convert_element_type3A_214 {offsets = [0, 32], sizes = [1024, 32], strides = [1, 1]} : vector<1024x64xf32> to vector<1024x32xf32>
    %mul3A_1158 = vector.broadcast %slice3A_1156 : vector<1024x1xf32> to vector<1024x32xf32>
    %mul3A_1159 = arith.mulf %mul3A_1158, %slice3A_1157 : vector<1024x32xf32>
    %add3A_1160 = arith.addf %add3A_1155, %mul3A_1159 : vector<1024x32xf32>
    %slice3A_1161 = vector.extract_strided_slice %convert_element_type3A_1136 {offsets = [0, 5], sizes = [1024, 1], strides = [1, 1]} : vector<1024x8xf32> to vector<1024x1xf32>
    %slice3A_1162 = vector.extract_strided_slice %convert_element_type3A_257 {offsets = [0, 32], sizes = [1024, 32], strides = [1, 1]} : vector<1024x64xf32> to vector<1024x32xf32>
    %mul3A_1163 = vector.broadcast %slice3A_1161 : vector<1024x1xf32> to vector<1024x32xf32>
    %mul3A_1164 = arith.mulf %mul3A_1163, %slice3A_1162 : vector<1024x32xf32>
    %add3A_1165 = arith.addf %add3A_1160, %mul3A_1164 : vector<1024x32xf32>
    %slice3A_1166 = vector.extract_strided_slice %convert_element_type3A_1136 {offsets = [0, 6], sizes = [1024, 1], strides = [1, 1]} : vector<1024x8xf32> to vector<1024x1xf32>
    %slice3A_1167 = vector.extract_strided_slice %convert_element_type3A_300 {offsets = [0, 32], sizes = [1024, 32], strides = [1, 1]} : vector<1024x64xf32> to vector<1024x32xf32>
    %mul3A_1168 = vector.broadcast %slice3A_1166 : vector<1024x1xf32> to vector<1024x32xf32>
    %mul3A_1169 = arith.mulf %mul3A_1168, %slice3A_1167 : vector<1024x32xf32>
    %add3A_1170 = arith.addf %add3A_1165, %mul3A_1169 : vector<1024x32xf32>
    %slice3A_1171 = vector.extract_strided_slice %convert_element_type3A_1136 {offsets = [0, 7], sizes = [1024, 1], strides = [1, 1]} : vector<1024x8xf32> to vector<1024x1xf32>
    %slice3A_1172 = vector.extract_strided_slice %convert_element_type3A_343 {offsets = [0, 32], sizes = [1024, 32], strides = [1, 1]} : vector<1024x64xf32> to vector<1024x32xf32>
    %mul3A_1173 = vector.broadcast %slice3A_1171 : vector<1024x1xf32> to vector<1024x32xf32>
    %mul3A_1174 = arith.mulf %mul3A_1173, %slice3A_1172 : vector<1024x32xf32>
    %add3A_1175 = arith.addf %add3A_1170, %mul3A_1174 : vector<1024x32xf32>
    %concatenate3A_1176 = tpu.concatenate %add3A_1122, %add3A_1175 in 1 : vector<1024x32xf32>, vector<1024x32xf32> -> vector<1024x64xf32>
    %dot_general3A_1177 = arith.constant dense<0.000000e+00> : vector<1024x64xf32>
    %dot_general3A_1178 = tpu.matmul %concatenate3A_1176, %get3A_484, %dot_general3A_1177 {dimension_numbers = #tpu.dot_dimension_numbers<[1], [0], [0], [1], [0, 0, 1, 1], [], []>, transpose_lhs_hint = false} : vector<1024x64xf32>, vector<64x64xf32>, vector<1024x64xf32> -> vector<1024x64xf32>
    %add3A_1179 = vector.broadcast %get3A_487 : vector<1x64xf32> to vector<1024x64xf32>
    %add3A_1180 = arith.addf %dot_general3A_1178, %add3A_1179 : vector<1024x64xf32>
    %add3A_1181 = arith.addf %add3A_1180, %get3A_131 : vector<1024x64xf32>
    %reduce_sum3A_1182 = arith.constant dense<0.000000e+00> : vector<1024xf32>
    %reduce_sum3A_1183 = vector.multi_reduction <add>, %add3A_1181, %reduce_sum3A_1182 [1] : vector<1024x64xf32> to vector<1024xf32>
    %broadcast_in_dim3A_1184 = vector.shape_cast %reduce_sum3A_1183 : vector<1024xf32> to vector<1024x1xf32>
    %div3A_1185 = arith.constant 6.400000e+01 : f32
    %div3A_1186 = vector.broadcast %div3A_1185 : f32 to vector<1024x1xf32>
    %div3A_1187 = arith.divf %broadcast_in_dim3A_1184, %div3A_1186 : vector<1024x1xf32>
    %sub3A_1188 = vector.broadcast %div3A_1187 : vector<1024x1xf32> to vector<1024x64xf32>
    %sub3A_1189 = arith.subf %add3A_1181, %sub3A_1188 : vector<1024x64xf32>
    %integer_pow3A_1190 = arith.mulf %sub3A_1189, %sub3A_1189 : vector<1024x64xf32>
    %reduce_sum3A_1191 = arith.constant dense<0.000000e+00> : vector<1024xf32>
    %reduce_sum3A_1192 = vector.multi_reduction <add>, %integer_pow3A_1190, %reduce_sum3A_1191 [1] : vector<1024x64xf32> to vector<1024xf32>
    %broadcast_in_dim3A_1193 = vector.shape_cast %reduce_sum3A_1192 : vector<1024xf32> to vector<1024x1xf32>
    %div3A_1194 = arith.constant 6.400000e+01 : f32
    %div3A_1195 = vector.broadcast %div3A_1194 : f32 to vector<1024x1xf32>
    %div3A_1196 = arith.divf %broadcast_in_dim3A_1193, %div3A_1195 : vector<1024x1xf32>
    %sub3A_1197 = vector.broadcast %div3A_1187 : vector<1024x1xf32> to vector<1024x64xf32>
    %sub3A_1198 = arith.subf %add3A_1181, %sub3A_1197 : vector<1024x64xf32>
    %add3A_1199 = arith.constant 9.99999974E-6 : f32
    %add3A_1200 = vector.broadcast %add3A_1199 : f32 to vector<1024x1xf32>
    %add3A_1201 = arith.addf %div3A_1196, %add3A_1200 : vector<1024x1xf32>
    %sqrt3A_1202 = math.sqrt %add3A_1201 : vector<1024x1xf32>
    %div3A_1203 = vector.broadcast %sqrt3A_1202 : vector<1024x1xf32> to vector<1024x64xf32>
    %div3A_1204 = arith.divf %sub3A_1198, %div3A_1203 : vector<1024x64xf32>
    %mul3A_1205 = vector.broadcast %get3A_490 : vector<1x64xf32> to vector<1024x64xf32>
    %mul3A_1206 = arith.mulf %div3A_1204, %mul3A_1205 : vector<1024x64xf32>
    %add3A_1207 = vector.broadcast %get3A_493 : vector<1x64xf32> to vector<1024x64xf32>
    %add3A_1208 = arith.addf %mul3A_1206, %add3A_1207 : vector<1024x64xf32>
    %dot_general3A_1209 = arith.constant dense<0.000000e+00> : vector<1024x64xf32>
    %dot_general3A_1210 = tpu.matmul %add3A_1208, %get3A_496, %dot_general3A_1209 {dimension_numbers = #tpu.dot_dimension_numbers<[1], [0], [0], [1], [0, 0, 1, 1], [], []>, transpose_lhs_hint = false} : vector<1024x64xf32>, vector<64x64xf32>, vector<1024x64xf32> -> vector<1024x64xf32>
    %add3A_1211 = vector.broadcast %get3A_499 : vector<1x64xf32> to vector<1024x64xf32>
    %add3A_1212 = arith.addf %dot_general3A_1210, %add3A_1211 : vector<1024x64xf32>
    %mul3A_1213 = arith.constant 5.000000e-01 : f32
    %mul3A_1214 = vector.broadcast %mul3A_1213 : f32 to vector<1024x64xf32>
    %mul3A_1215 = arith.mulf %mul3A_1214, %add3A_1212 : vector<1024x64xf32>
    %div3A_1216 = arith.constant 1.41421354 : f32
    %div3A_1217 = vector.broadcast %div3A_1216 : f32 to vector<1024x64xf32>
    %div3A_1218 = arith.divf %add3A_1212, %div3A_1217 : vector<1024x64xf32>
    %erf3A_1219 = math.erf %div3A_1218 : vector<1024x64xf32>
    %add3A_1220 = arith.constant 1.000000e+00 : f32
    %add3A_1221 = vector.broadcast %add3A_1220 : f32 to vector<1024x64xf32>
    %add3A_1222 = arith.addf %add3A_1221, %erf3A_1219 : vector<1024x64xf32>
    %mul3A_1223 = arith.mulf %mul3A_1215, %add3A_1222 : vector<1024x64xf32>
    %dot_general3A_1224 = arith.constant dense<0.000000e+00> : vector<1024x64xf32>
    %dot_general3A_1225 = tpu.matmul %mul3A_1223, %get3A_502, %dot_general3A_1224 {dimension_numbers = #tpu.dot_dimension_numbers<[1], [0], [0], [1], [0, 0, 1, 1], [], []>, transpose_lhs_hint = false} : vector<1024x64xf32>, vector<64x64xf32>, vector<1024x64xf32> -> vector<1024x64xf32>
    %add3A_1226 = vector.broadcast %get3A_505 : vector<1x64xf32> to vector<1024x64xf32>
    %add3A_1227 = arith.addf %dot_general3A_1225, %add3A_1226 : vector<1024x64xf32>
    %add3A_1228 = arith.addf %add3A_1227, %add3A_1181 : vector<1024x64xf32>
    %dot_general3A_1229 = arith.constant dense<0.000000e+00> : vector<1024x64xf32>
    %dot_general3A_1230 = tpu.matmul %add3A_1228, %get3A_508, %dot_general3A_1229 {dimension_numbers = #tpu.dot_dimension_numbers<[1], [0], [0], [1], [0, 0, 1, 1], [], []>, transpose_lhs_hint = false} : vector<1024x64xf32>, vector<64x64xf32>, vector<1024x64xf32> -> vector<1024x64xf32>
    %add3A_1231 = vector.broadcast %get3A_511 : vector<1x64xf32> to vector<1024x64xf32>
    %add3A_1232 = arith.addf %dot_general3A_1230, %add3A_1231 : vector<1024x64xf32>
    %swap3A_1233 = arith.constant 3 : index
    %swap3A_1234 = arith.constant 0 : index
    %swap3A_1235 = arith.constant 0 : index
    %swap3A_1236 = vector.load %arg15[%swap3A_1233, %swap3A_1234, %swap3A_1235] : memref<8x1024x64xf32, #tpu.memory_space<vmem>>, vector<1x1024x64xf32>
    %swap3A_1237 = vector.shape_cast %swap3A_1236 : vector<1x1024x64xf32> to vector<1024x64xf32>
    %swap3A_1238 = vector.shape_cast %add3A_1232 : vector<1024x64xf32> to vector<1x1024x64xf32>
    tpu.vector_store %arg15[%swap3A_1233, %swap3A_1234, %swap3A_1235], %swap3A_1238 {strides = array<i32>} : memref<8x1024x64xf32, #tpu.memory_space<vmem>>, vector<1x1024x64xf32>,
    %mul3A_1239 = arith.mulf %convert_element_type3A_208, %convert_element_type3A_39 : vector<1024x64xf32>
    %mul3A_1240 = arith.mulf %convert_element_type3A_208, %convert_element_type3A_82 : vector<1024x64xf32>
    %mul3A_1241 = arith.mulf %convert_element_type3A_208, %convert_element_type3A_125 : vector<1024x64xf32>
    %mul3A_1242 = arith.mulf %convert_element_type3A_208, %convert_element_type3A_168 : vector<1024x64xf32>
    %mul3A_1243 = arith.mulf %convert_element_type3A_208, %convert_element_type3A_211 : vector<1024x64xf32>
    %mul3A_1244 = arith.mulf %convert_element_type3A_208, %convert_element_type3A_254 : vector<1024x64xf32>
    %mul3A_1245 = arith.mulf %convert_element_type3A_208, %convert_element_type3A_297 : vector<1024x64xf32>
    %mul3A_1246 = arith.mulf %convert_element_type3A_208, %convert_element_type3A_340 : vector<1024x64xf32>
    %concatenate3A_1247 = tpu.concatenate %mul3A_1239, %mul3A_1240, %mul3A_1241, %mul3A_1242, %mul3A_1243, %mul3A_1244, %mul3A_1245, %mul3A_1246 in 1 : vector<1024x64xf32>, vector<1024x64xf32>, vector<1024x64xf32>, vector<1024x64xf32>, vector<1024x64xf32>, vector<1024x64xf32>, vector<1024x64xf32>, vector<1024x64xf32> -> vector<1024x512xf32>
    %dot_general3A_1248 = arith.constant dense<0.000000e+00> : vector<1024x16xf32>
    %dot_general3A_1249 = tpu.matmul %concatenate3A_1247, %select_n3A_481, %dot_general3A_1248 {dimension_numbers = #tpu.dot_dimension_numbers<[1], [0], [0], [1], [0, 0, 1, 1], [], []>, precision = #tpu.contract_precision<fp32>, transpose_lhs_hint = false} : vector<1024x512xf32>, vector<512x16xf32>, vector<1024x16xf32> -> vector<1024x16xf32>
    %div3A_1250 = arith.constant 5.65685415 : f32
    %div3A_1251 = vector.broadcast %div3A_1250 : f32 to vector<1024x16xf32>
    %div3A_1252 = arith.divf %dot_general3A_1249, %div3A_1251 : vector<1024x16xf32>
    %slice3A_1253 = vector.extract_strided_slice %div3A_1252 {offsets = [0, 0], sizes = [1024, 8], strides = [1, 1]} : vector<1024x16xf32> to vector<1024x8xf32>
    %reduce_max3A_1254 = arith.constant dense<0xFF800000> : vector<1024xf32>
    %reduce_max3A_1255 = vector.multi_reduction <maximumf>, %slice3A_1253, %reduce_max3A_1254 [1] : vector<1024x8xf32> to vector<1024xf32>
    %broadcast_in_dim3A_1256 = vector.shape_cast %reduce_max3A_1255 : vector<1024xf32> to vector<1024x1xf32>
    %sub3A_1257 = vector.broadcast %broadcast_in_dim3A_1256 : vector<1024x1xf32> to vector<1024x8xf32>
    %sub3A_1258 = arith.subf %slice3A_1253, %sub3A_1257 : vector<1024x8xf32>
    %exp3A_1259 = math.exp %sub3A_1258 : vector<1024x8xf32>
    %reduce_sum3A_1260 = arith.constant dense<0.000000e+00> : vector<1024xf32>
    %reduce_sum3A_1261 = vector.multi_reduction <add>, %exp3A_1259, %reduce_sum3A_1260 [1] : vector<1024x8xf32> to vector<1024xf32>
    %broadcast_in_dim3A_1262 = vector.shape_cast %reduce_sum3A_1261 : vector<1024xf32> to vector<1024x1xf32>
    %div3A_1263 = vector.broadcast %broadcast_in_dim3A_1262 : vector<1024x1xf32> to vector<1024x8xf32>
    %div3A_1264 = arith.divf %exp3A_1259, %div3A_1263 : vector<1024x8xf32>
    %convert_element_type3A_1265 = arith.truncf %div3A_1264 : vector<1024x8xf32> to vector<1024x8xbf16>
    %convert_element_type3A_1266 = arith.extf %convert_element_type3A_1265 : vector<1024x8xbf16> to vector<1024x8xf32>
    %slice3A_1267 = vector.extract_strided_slice %convert_element_type3A_1266 {offsets = [0, 0], sizes = [1024, 1], strides = [1, 1]} : vector<1024x8xf32> to vector<1024x1xf32>
    %slice3A_1268 = vector.extract_strided_slice %convert_element_type3A_42 {offsets = [0, 0], sizes = [1024, 32], strides = [1, 1]} : vector<1024x64xf32> to vector<1024x32xf32>
    %mul3A_1269 = vector.broadcast %slice3A_1267 : vector<1024x1xf32> to vector<1024x32xf32>
    %mul3A_1270 = arith.mulf %mul3A_1269, %slice3A_1268 : vector<1024x32xf32>
    %slice3A_1271 = vector.extract_strided_slice %convert_element_type3A_1266 {offsets = [0, 1], sizes = [1024, 1], strides = [1, 1]} : vector<1024x8xf32> to vector<1024x1xf32>
    %slice3A_1272 = vector.extract_strided_slice %convert_element_type3A_85 {offsets = [0, 0], sizes = [1024, 32], strides = [1, 1]} : vector<1024x64xf32> to vector<1024x32xf32>
    %mul3A_1273 = vector.broadcast %slice3A_1271 : vector<1024x1xf32> to vector<1024x32xf32>
    %mul3A_1274 = arith.mulf %mul3A_1273, %slice3A_1272 : vector<1024x32xf32>
    %add3A_1275 = arith.addf %mul3A_1270, %mul3A_1274 : vector<1024x32xf32>
    %slice3A_1276 = vector.extract_strided_slice %convert_element_type3A_1266 {offsets = [0, 2], sizes = [1024, 1], strides = [1, 1]} : vector<1024x8xf32> to vector<1024x1xf32>
    %slice3A_1277 = vector.extract_strided_slice %convert_element_type3A_128 {offsets = [0, 0], sizes = [1024, 32], strides = [1, 1]} : vector<1024x64xf32> to vector<1024x32xf32>
    %mul3A_1278 = vector.broadcast %slice3A_1276 : vector<1024x1xf32> to vector<1024x32xf32>
    %mul3A_1279 = arith.mulf %mul3A_1278, %slice3A_1277 : vector<1024x32xf32>
    %add3A_1280 = arith.addf %add3A_1275, %mul3A_1279 : vector<1024x32xf32>
    %slice3A_1281 = vector.extract_strided_slice %convert_element_type3A_1266 {offsets = [0, 3], sizes = [1024, 1], strides = [1, 1]} : vector<1024x8xf32> to vector<1024x1xf32>
    %slice3A_1282 = vector.extract_strided_slice %convert_element_type3A_171 {offsets = [0, 0], sizes = [1024, 32], strides = [1, 1]} : vector<1024x64xf32> to vector<1024x32xf32>
    %mul3A_1283 = vector.broadcast %slice3A_1281 : vector<1024x1xf32> to vector<1024x32xf32>
    %mul3A_1284 = arith.mulf %mul3A_1283, %slice3A_1282 : vector<1024x32xf32>
    %add3A_1285 = arith.addf %add3A_1280, %mul3A_1284 : vector<1024x32xf32>
    %slice3A_1286 = vector.extract_strided_slice %convert_element_type3A_1266 {offsets = [0, 4], sizes = [1024, 1], strides = [1, 1]} : vector<1024x8xf32> to vector<1024x1xf32>
    %slice3A_1287 = vector.extract_strided_slice %convert_element_type3A_214 {offsets = [0, 0], sizes = [1024, 32], strides = [1, 1]} : vector<1024x64xf32> to vector<1024x32xf32>
    %mul3A_1288 = vector.broadcast %slice3A_1286 : vector<1024x1xf32> to vector<1024x32xf32>
    %mul3A_1289 = arith.mulf %mul3A_1288, %slice3A_1287 : vector<1024x32xf32>
    %add3A_1290 = arith.addf %add3A_1285, %mul3A_1289 : vector<1024x32xf32>
    %slice3A_1291 = vector.extract_strided_slice %convert_element_type3A_1266 {offsets = [0, 5], sizes = [1024, 1], strides = [1, 1]} : vector<1024x8xf32> to vector<1024x1xf32>
    %slice3A_1292 = vector.extract_strided_slice %convert_element_type3A_257 {offsets = [0, 0], sizes = [1024, 32], strides = [1, 1]} : vector<1024x64xf32> to vector<1024x32xf32>
    %mul3A_1293 = vector.broadcast %slice3A_1291 : vector<1024x1xf32> to vector<1024x32xf32>
    %mul3A_1294 = arith.mulf %mul3A_1293, %slice3A_1292 : vector<1024x32xf32>
    %add3A_1295 = arith.addf %add3A_1290, %mul3A_1294 : vector<1024x32xf32>
    %slice3A_1296 = vector.extract_strided_slice %convert_element_type3A_1266 {offsets = [0, 6], sizes = [1024, 1], strides = [1, 1]} : vector<1024x8xf32> to vector<1024x1xf32>
    %slice3A_1297 = vector.extract_strided_slice %convert_element_type3A_300 {offsets = [0, 0], sizes = [1024, 32], strides = [1, 1]} : vector<1024x64xf32> to vector<1024x32xf32>
    %mul3A_1298 = vector.broadcast %slice3A_1296 : vector<1024x1xf32> to vector<1024x32xf32>
    %mul3A_1299 = arith.mulf %mul3A_1298, %slice3A_1297 : vector<1024x32xf32>
    %add3A_1300 = arith.addf %add3A_1295, %mul3A_1299 : vector<1024x32xf32>
    %slice3A_1301 = vector.extract_strided_slice %convert_element_type3A_1266 {offsets = [0, 7], sizes = [1024, 1], strides = [1, 1]} : vector<1024x8xf32> to vector<1024x1xf32>
    %slice3A_1302 = vector.extract_strided_slice %convert_element_type3A_343 {offsets = [0, 0], sizes = [1024, 32], strides = [1, 1]} : vector<1024x64xf32> to vector<1024x32xf32>
    %mul3A_1303 = vector.broadcast %slice3A_1301 : vector<1024x1xf32> to vector<1024x32xf32>
    %mul3A_1304 = arith.mulf %mul3A_1303, %slice3A_1302 : vector<1024x32xf32>
    %add3A_1305 = arith.addf %add3A_1300, %mul3A_1304 : vector<1024x32xf32>
    %slice3A_1306 = vector.extract_strided_slice %div3A_1252 {offsets = [0, 8], sizes = [1024, 8], strides = [1, 1]} : vector<1024x16xf32> to vector<1024x8xf32>
    %reduce_max3A_1307 = arith.constant dense<0xFF800000> : vector<1024xf32>
    %reduce_max3A_1308 = vector.multi_reduction <maximumf>, %slice3A_1306, %reduce_max3A_1307 [1] : vector<1024x8xf32> to vector<1024xf32>
    %broadcast_in_dim3A_1309 = vector.shape_cast %reduce_max3A_1308 : vector<1024xf32> to vector<1024x1xf32>
    %sub3A_1310 = vector.broadcast %broadcast_in_dim3A_1309 : vector<1024x1xf32> to vector<1024x8xf32>
    %sub3A_1311 = arith.subf %slice3A_1306, %sub3A_1310 : vector<1024x8xf32>
    %exp3A_1312 = math.exp %sub3A_1311 : vector<1024x8xf32>
    %reduce_sum3A_1313 = arith.constant dense<0.000000e+00> : vector<1024xf32>
    %reduce_sum3A_1314 = vector.multi_reduction <add>, %exp3A_1312, %reduce_sum3A_1313 [1] : vector<1024x8xf32> to vector<1024xf32>
    %broadcast_in_dim3A_1315 = vector.shape_cast %reduce_sum3A_1314 : vector<1024xf32> to vector<1024x1xf32>
    %div3A_1316 = vector.broadcast %broadcast_in_dim3A_1315 : vector<1024x1xf32> to vector<1024x8xf32>
    %div3A_1317 = arith.divf %exp3A_1312, %div3A_1316 : vector<1024x8xf32>
    %convert_element_type3A_1318 = arith.truncf %div3A_1317 : vector<1024x8xf32> to vector<1024x8xbf16>
    %convert_element_type3A_1319 = arith.extf %convert_element_type3A_1318 : vector<1024x8xbf16> to vector<1024x8xf32>
    %slice3A_1320 = vector.extract_strided_slice %convert_element_type3A_1319 {offsets = [0, 0], sizes = [1024, 1], strides = [1, 1]} : vector<1024x8xf32> to vector<1024x1xf32>
    %slice3A_1321 = vector.extract_strided_slice %convert_element_type3A_42 {offsets = [0, 32], sizes = [1024, 32], strides = [1, 1]} : vector<1024x64xf32> to vector<1024x32xf32>
    %mul3A_1322 = vector.broadcast %slice3A_1320 : vector<1024x1xf32> to vector<1024x32xf32>
    %mul3A_1323 = arith.mulf %mul3A_1322, %slice3A_1321 : vector<1024x32xf32>
    %slice3A_1324 = vector.extract_strided_slice %convert_element_type3A_1319 {offsets = [0, 1], sizes = [1024, 1], strides = [1, 1]} : vector<1024x8xf32> to vector<1024x1xf32>
    %slice3A_1325 = vector.extract_strided_slice %convert_element_type3A_85 {offsets = [0, 32], sizes = [1024, 32], strides = [1, 1]} : vector<1024x64xf32> to vector<1024x32xf32>
    %mul3A_1326 = vector.broadcast %slice3A_1324 : vector<1024x1xf32> to vector<1024x32xf32>
    %mul3A_1327 = arith.mulf %mul3A_1326, %slice3A_1325 : vector<1024x32xf32>
    %add3A_1328 = arith.addf %mul3A_1323, %mul3A_1327 : vector<1024x32xf32>
    %slice3A_1329 = vector.extract_strided_slice %convert_element_type3A_1319 {offsets = [0, 2], sizes = [1024, 1], strides = [1, 1]} : vector<1024x8xf32> to vector<1024x1xf32>
    %slice3A_1330 = vector.extract_strided_slice %convert_element_type3A_128 {offsets = [0, 32], sizes = [1024, 32], strides = [1, 1]} : vector<1024x64xf32> to vector<1024x32xf32>
    %mul3A_1331 = vector.broadcast %slice3A_1329 : vector<1024x1xf32> to vector<1024x32xf32>
    %mul3A_1332 = arith.mulf %mul3A_1331, %slice3A_1330 : vector<1024x32xf32>
    %add3A_1333 = arith.addf %add3A_1328, %mul3A_1332 : vector<1024x32xf32>
    %slice3A_1334 = vector.extract_strided_slice %convert_element_type3A_1319 {offsets = [0, 3], sizes = [1024, 1], strides = [1, 1]} : vector<1024x8xf32> to vector<1024x1xf32>
    %slice3A_1335 = vector.extract_strided_slice %convert_element_type3A_171 {offsets = [0, 32], sizes = [1024, 32], strides = [1, 1]} : vector<1024x64xf32> to vector<1024x32xf32>
    %mul3A_1336 = vector.broadcast %slice3A_1334 : vector<1024x1xf32> to vector<1024x32xf32>
    %mul3A_1337 = arith.mulf %mul3A_1336, %slice3A_1335 : vector<1024x32xf32>
    %add3A_1338 = arith.addf %add3A_1333, %mul3A_1337 : vector<1024x32xf32>
    %slice3A_1339 = vector.extract_strided_slice %convert_element_type3A_1319 {offsets = [0, 4], sizes = [1024, 1], strides = [1, 1]} : vector<1024x8xf32> to vector<1024x1xf32>
    %slice3A_1340 = vector.extract_strided_slice %convert_element_type3A_214 {offsets = [0, 32], sizes = [1024, 32], strides = [1, 1]} : vector<1024x64xf32> to vector<1024x32xf32>
    %mul3A_1341 = vector.broadcast %slice3A_1339 : vector<1024x1xf32> to vector<1024x32xf32>
    %mul3A_1342 = arith.mulf %mul3A_1341, %slice3A_1340 : vector<1024x32xf32>
    %add3A_1343 = arith.addf %add3A_1338, %mul3A_1342 : vector<1024x32xf32>
    %slice3A_1344 = vector.extract_strided_slice %convert_element_type3A_1319 {offsets = [0, 5], sizes = [1024, 1], strides = [1, 1]} : vector<1024x8xf32> to vector<1024x1xf32>
    %slice3A_1345 = vector.extract_strided_slice %convert_element_type3A_257 {offsets = [0, 32], sizes = [1024, 32], strides = [1, 1]} : vector<1024x64xf32> to vector<1024x32xf32>
    %mul3A_1346 = vector.broadcast %slice3A_1344 : vector<1024x1xf32> to vector<1024x32xf32>
    %mul3A_1347 = arith.mulf %mul3A_1346, %slice3A_1345 : vector<1024x32xf32>
    %add3A_1348 = arith.addf %add3A_1343, %mul3A_1347 : vector<1024x32xf32>
    %slice3A_1349 = vector.extract_strided_slice %convert_element_type3A_1319 {offsets = [0, 6], sizes = [1024, 1], strides = [1, 1]} : vector<1024x8xf32> to vector<1024x1xf32>
    %slice3A_1350 = vector.extract_strided_slice %convert_element_type3A_300 {offsets = [0, 32], sizes = [1024, 32], strides = [1, 1]} : vector<1024x64xf32> to vector<1024x32xf32>
    %mul3A_1351 = vector.broadcast %slice3A_1349 : vector<1024x1xf32> to vector<1024x32xf32>
    %mul3A_1352 = arith.mulf %mul3A_1351, %slice3A_1350 : vector<1024x32xf32>
    %add3A_1353 = arith.addf %add3A_1348, %mul3A_1352 : vector<1024x32xf32>
    %slice3A_1354 = vector.extract_strided_slice %convert_element_type3A_1319 {offsets = [0, 7], sizes = [1024, 1], strides = [1, 1]} : vector<1024x8xf32> to vector<1024x1xf32>
    %slice3A_1355 = vector.extract_strided_slice %convert_element_type3A_343 {offsets = [0, 32], sizes = [1024, 32], strides = [1, 1]} : vector<1024x64xf32> to vector<1024x32xf32>
    %mul3A_1356 = vector.broadcast %slice3A_1354 : vector<1024x1xf32> to vector<1024x32xf32>
    %mul3A_1357 = arith.mulf %mul3A_1356, %slice3A_1355 : vector<1024x32xf32>
    %add3A_1358 = arith.addf %add3A_1353, %mul3A_1357 : vector<1024x32xf32>
    %concatenate3A_1359 = tpu.concatenate %add3A_1305, %add3A_1358 in 1 : vector<1024x32xf32>, vector<1024x32xf32> -> vector<1024x64xf32>
    %dot_general3A_1360 = arith.constant dense<0.000000e+00> : vector<1024x64xf32>
    %dot_general3A_1361 = tpu.matmul %concatenate3A_1359, %get3A_484, %dot_general3A_1360 {dimension_numbers = #tpu.dot_dimension_numbers<[1], [0], [0], [1], [0, 0, 1, 1], [], []>, transpose_lhs_hint = false} : vector<1024x64xf32>, vector<64x64xf32>, vector<1024x64xf32> -> vector<1024x64xf32>
    %add3A_1362 = vector.broadcast %get3A_487 : vector<1x64xf32> to vector<1024x64xf32>
    %add3A_1363 = arith.addf %dot_general3A_1361, %add3A_1362 : vector<1024x64xf32>
    %add3A_1364 = arith.addf %add3A_1363, %get3A_174 : vector<1024x64xf32>
    %reduce_sum3A_1365 = arith.constant dense<0.000000e+00> : vector<1024xf32>
    %reduce_sum3A_1366 = vector.multi_reduction <add>, %add3A_1364, %reduce_sum3A_1365 [1] : vector<1024x64xf32> to vector<1024xf32>
    %broadcast_in_dim3A_1367 = vector.shape_cast %reduce_sum3A_1366 : vector<1024xf32> to vector<1024x1xf32>
    %div3A_1368 = arith.constant 6.400000e+01 : f32
    %div3A_1369 = vector.broadcast %div3A_1368 : f32 to vector<1024x1xf32>
    %div3A_1370 = arith.divf %broadcast_in_dim3A_1367, %div3A_1369 : vector<1024x1xf32>
    %sub3A_1371 = vector.broadcast %div3A_1370 : vector<1024x1xf32> to vector<1024x64xf32>
    %sub3A_1372 = arith.subf %add3A_1364, %sub3A_1371 : vector<1024x64xf32>
    %integer_pow3A_1373 = arith.mulf %sub3A_1372, %sub3A_1372 : vector<1024x64xf32>
    %reduce_sum3A_1374 = arith.constant dense<0.000000e+00> : vector<1024xf32>
    %reduce_sum3A_1375 = vector.multi_reduction <add>, %integer_pow3A_1373, %reduce_sum3A_1374 [1] : vector<1024x64xf32> to vector<1024xf32>
    %broadcast_in_dim3A_1376 = vector.shape_cast %reduce_sum3A_1375 : vector<1024xf32> to vector<1024x1xf32>
    %div3A_1377 = arith.constant 6.400000e+01 : f32
    %div3A_1378 = vector.broadcast %div3A_1377 : f32 to vector<1024x1xf32>
    %div3A_1379 = arith.divf %broadcast_in_dim3A_1376, %div3A_1378 : vector<1024x1xf32>
    %sub3A_1380 = vector.broadcast %div3A_1370 : vector<1024x1xf32> to vector<1024x64xf32>
    %sub3A_1381 = arith.subf %add3A_1364, %sub3A_1380 : vector<1024x64xf32>
    %add3A_1382 = arith.constant 9.99999974E-6 : f32
    %add3A_1383 = vector.broadcast %add3A_1382 : f32 to vector<1024x1xf32>
    %add3A_1384 = arith.addf %div3A_1379, %add3A_1383 : vector<1024x1xf32>
    %sqrt3A_1385 = math.sqrt %add3A_1384 : vector<1024x1xf32>
    %div3A_1386 = vector.broadcast %sqrt3A_1385 : vector<1024x1xf32> to vector<1024x64xf32>
    %div3A_1387 = arith.divf %sub3A_1381, %div3A_1386 : vector<1024x64xf32>
    %mul3A_1388 = vector.broadcast %get3A_490 : vector<1x64xf32> to vector<1024x64xf32>
    %mul3A_1389 = arith.mulf %div3A_1387, %mul3A_1388 : vector<1024x64xf32>
    %add3A_1390 = vector.broadcast %get3A_493 : vector<1x64xf32> to vector<1024x64xf32>
    %add3A_1391 = arith.addf %mul3A_1389, %add3A_1390 : vector<1024x64xf32>
    %dot_general3A_1392 = arith.constant dense<0.000000e+00> : vector<1024x64xf32>
    %dot_general3A_1393 = tpu.matmul %add3A_1391, %get3A_496, %dot_general3A_1392 {dimension_numbers = #tpu.dot_dimension_numbers<[1], [0], [0], [1], [0, 0, 1, 1], [], []>, transpose_lhs_hint = false} : vector<1024x64xf32>, vector<64x64xf32>, vector<1024x64xf32> -> vector<1024x64xf32>
    %add3A_1394 = vector.broadcast %get3A_499 : vector<1x64xf32> to vector<1024x64xf32>
    %add3A_1395 = arith.addf %dot_general3A_1393, %add3A_1394 : vector<1024x64xf32>
    %mul3A_1396 = arith.constant 5.000000e-01 : f32
    %mul3A_1397 = vector.broadcast %mul3A_1396 : f32 to vector<1024x64xf32>
    %mul3A_1398 = arith.mulf %mul3A_1397, %add3A_1395 : vector<1024x64xf32>
    %div3A_1399 = arith.constant 1.41421354 : f32
    %div3A_1400 = vector.broadcast %div3A_1399 : f32 to vector<1024x64xf32>
    %div3A_1401 = arith.divf %add3A_1395, %div3A_1400 : vector<1024x64xf32>
    %erf3A_1402 = math.erf %div3A_1401 : vector<1024x64xf32>
    %add3A_1403 = arith.constant 1.000000e+00 : f32
    %add3A_1404 = vector.broadcast %add3A_1403 : f32 to vector<1024x64xf32>
    %add3A_1405 = arith.addf %add3A_1404, %erf3A_1402 : vector<1024x64xf32>
    %mul3A_1406 = arith.mulf %mul3A_1398, %add3A_1405 : vector<1024x64xf32>
    %dot_general3A_1407 = arith.constant dense<0.000000e+00> : vector<1024x64xf32>
    %dot_general3A_1408 = tpu.matmul %mul3A_1406, %get3A_502, %dot_general3A_1407 {dimension_numbers = #tpu.dot_dimension_numbers<[1], [0], [0], [1], [0, 0, 1, 1], [], []>, transpose_lhs_hint = false} : vector<1024x64xf32>, vector<64x64xf32>, vector<1024x64xf32> -> vector<1024x64xf32>
    %add3A_1409 = vector.broadcast %get3A_505 : vector<1x64xf32> to vector<1024x64xf32>
    %add3A_1410 = arith.addf %dot_general3A_1408, %add3A_1409 : vector<1024x64xf32>
    %add3A_1411 = arith.addf %add3A_1410, %add3A_1364 : vector<1024x64xf32>
    %dot_general3A_1412 = arith.constant dense<0.000000e+00> : vector<1024x64xf32>
    %dot_general3A_1413 = tpu.matmul %add3A_1411, %get3A_508, %dot_general3A_1412 {dimension_numbers = #tpu.dot_dimension_numbers<[1], [0], [0], [1], [0, 0, 1, 1], [], []>, transpose_lhs_hint = false} : vector<1024x64xf32>, vector<64x64xf32>, vector<1024x64xf32> -> vector<1024x64xf32>
    %add3A_1414 = vector.broadcast %get3A_511 : vector<1x64xf32> to vector<1024x64xf32>
    %add3A_1415 = arith.addf %dot_general3A_1413, %add3A_1414 : vector<1024x64xf32>
    %swap3A_1416 = arith.constant 4 : index
    %swap3A_1417 = arith.constant 0 : index
    %swap3A_1418 = arith.constant 0 : index
    %swap3A_1419 = vector.load %arg15[%swap3A_1416, %swap3A_1417, %swap3A_1418] : memref<8x1024x64xf32, #tpu.memory_space<vmem>>, vector<1x1024x64xf32>
    %swap3A_1420 = vector.shape_cast %swap3A_1419 : vector<1x1024x64xf32> to vector<1024x64xf32>
    %swap3A_1421 = vector.shape_cast %add3A_1415 : vector<1024x64xf32> to vector<1x1024x64xf32>
    tpu.vector_store %arg15[%swap3A_1416, %swap3A_1417, %swap3A_1418], %swap3A_1421 {strides = array<i32>} : memref<8x1024x64xf32, #tpu.memory_space<vmem>>, vector<1x1024x64xf32>,
    %mul3A_1422 = arith.mulf %convert_element_type3A_251, %convert_element_type3A_39 : vector<1024x64xf32>
    %mul3A_1423 = arith.mulf %convert_element_type3A_251, %convert_element_type3A_82 : vector<1024x64xf32>
    %mul3A_1424 = arith.mulf %convert_element_type3A_251, %convert_element_type3A_125 : vector<1024x64xf32>
    %mul3A_1425 = arith.mulf %convert_element_type3A_251, %convert_element_type3A_168 : vector<1024x64xf32>
    %mul3A_1426 = arith.mulf %convert_element_type3A_251, %convert_element_type3A_211 : vector<1024x64xf32>
    %mul3A_1427 = arith.mulf %convert_element_type3A_251, %convert_element_type3A_254 : vector<1024x64xf32>
    %mul3A_1428 = arith.mulf %convert_element_type3A_251, %convert_element_type3A_297 : vector<1024x64xf32>
    %mul3A_1429 = arith.mulf %convert_element_type3A_251, %convert_element_type3A_340 : vector<1024x64xf32>
    %concatenate3A_1430 = tpu.concatenate %mul3A_1422, %mul3A_1423, %mul3A_1424, %mul3A_1425, %mul3A_1426, %mul3A_1427, %mul3A_1428, %mul3A_1429 in 1 : vector<1024x64xf32>, vector<1024x64xf32>, vector<1024x64xf32>, vector<1024x64xf32>, vector<1024x64xf32>, vector<1024x64xf32>, vector<1024x64xf32>, vector<1024x64xf32> -> vector<1024x512xf32>
    %dot_general3A_1431 = arith.constant dense<0.000000e+00> : vector<1024x16xf32>
    %dot_general3A_1432 = tpu.matmul %concatenate3A_1430, %select_n3A_481, %dot_general3A_1431 {dimension_numbers = #tpu.dot_dimension_numbers<[1], [0], [0], [1], [0, 0, 1, 1], [], []>, precision = #tpu.contract_precision<fp32>, transpose_lhs_hint = false} : vector<1024x512xf32>, vector<512x16xf32>, vector<1024x16xf32> -> vector<1024x16xf32>
    %div3A_1433 = arith.constant 5.65685415 : f32
    %div3A_1434 = vector.broadcast %div3A_1433 : f32 to vector<1024x16xf32>
    %div3A_1435 = arith.divf %dot_general3A_1432, %div3A_1434 : vector<1024x16xf32>
    %slice3A_1436 = vector.extract_strided_slice %div3A_1435 {offsets = [0, 0], sizes = [1024, 8], strides = [1, 1]} : vector<1024x16xf32> to vector<1024x8xf32>
    %reduce_max3A_1437 = arith.constant dense<0xFF800000> : vector<1024xf32>
    %reduce_max3A_1438 = vector.multi_reduction <maximumf>, %slice3A_1436, %reduce_max3A_1437 [1] : vector<1024x8xf32> to vector<1024xf32>
    %broadcast_in_dim3A_1439 = vector.shape_cast %reduce_max3A_1438 : vector<1024xf32> to vector<1024x1xf32>
    %sub3A_1440 = vector.broadcast %broadcast_in_dim3A_1439 : vector<1024x1xf32> to vector<1024x8xf32>
    %sub3A_1441 = arith.subf %slice3A_1436, %sub3A_1440 : vector<1024x8xf32>
    %exp3A_1442 = math.exp %sub3A_1441 : vector<1024x8xf32>
    %reduce_sum3A_1443 = arith.constant dense<0.000000e+00> : vector<1024xf32>
    %reduce_sum3A_1444 = vector.multi_reduction <add>, %exp3A_1442, %reduce_sum3A_1443 [1] : vector<1024x8xf32> to vector<1024xf32>
    %broadcast_in_dim3A_1445 = vector.shape_cast %reduce_sum3A_1444 : vector<1024xf32> to vector<1024x1xf32>
    %div3A_1446 = vector.broadcast %broadcast_in_dim3A_1445 : vector<1024x1xf32> to vector<1024x8xf32>
    %div3A_1447 = arith.divf %exp3A_1442, %div3A_1446 : vector<1024x8xf32>
    %convert_element_type3A_1448 = arith.truncf %div3A_1447 : vector<1024x8xf32> to vector<1024x8xbf16>
    %convert_element_type3A_1449 = arith.extf %convert_element_type3A_1448 : vector<1024x8xbf16> to vector<1024x8xf32>
    %slice3A_1450 = vector.extract_strided_slice %convert_element_type3A_1449 {offsets = [0, 0], sizes = [1024, 1], strides = [1, 1]} : vector<1024x8xf32> to vector<1024x1xf32>
    %slice3A_1451 = vector.extract_strided_slice %convert_element_type3A_42 {offsets = [0, 0], sizes = [1024, 32], strides = [1, 1]} : vector<1024x64xf32> to vector<1024x32xf32>
    %mul3A_1452 = vector.broadcast %slice3A_1450 : vector<1024x1xf32> to vector<1024x32xf32>
    %mul3A_1453 = arith.mulf %mul3A_1452, %slice3A_1451 : vector<1024x32xf32>
    %slice3A_1454 = vector.extract_strided_slice %convert_element_type3A_1449 {offsets = [0, 1], sizes = [1024, 1], strides = [1, 1]} : vector<1024x8xf32> to vector<1024x1xf32>
    %slice3A_1455 = vector.extract_strided_slice %convert_element_type3A_85 {offsets = [0, 0], sizes = [1024, 32], strides = [1, 1]} : vector<1024x64xf32> to vector<1024x32xf32>
    %mul3A_1456 = vector.broadcast %slice3A_1454 : vector<1024x1xf32> to vector<1024x32xf32>
    %mul3A_1457 = arith.mulf %mul3A_1456, %slice3A_1455 : vector<1024x32xf32>
    %add3A_1458 = arith.addf %mul3A_1453, %mul3A_1457 : vector<1024x32xf32>
    %slice3A_1459 = vector.extract_strided_slice %convert_element_type3A_1449 {offsets = [0, 2], sizes = [1024, 1], strides = [1, 1]} : vector<1024x8xf32> to vector<1024x1xf32>
    %slice3A_1460 = vector.extract_strided_slice %convert_element_type3A_128 {offsets = [0, 0], sizes = [1024, 32], strides = [1, 1]} : vector<1024x64xf32> to vector<1024x32xf32>
    %mul3A_1461 = vector.broadcast %slice3A_1459 : vector<1024x1xf32> to vector<1024x32xf32>
    %mul3A_1462 = arith.mulf %mul3A_1461, %slice3A_1460 : vector<1024x32xf32>
    %add3A_1463 = arith.addf %add3A_1458, %mul3A_1462 : vector<1024x32xf32>
    %slice3A_1464 = vector.extract_strided_slice %convert_element_type3A_1449 {offsets = [0, 3], sizes = [1024, 1], strides = [1, 1]} : vector<1024x8xf32> to vector<1024x1xf32>
    %slice3A_1465 = vector.extract_strided_slice %convert_element_type3A_171 {offsets = [0, 0], sizes = [1024, 32], strides = [1, 1]} : vector<1024x64xf32> to vector<1024x32xf32>
    %mul3A_1466 = vector.broadcast %slice3A_1464 : vector<1024x1xf32> to vector<1024x32xf32>
    %mul3A_1467 = arith.mulf %mul3A_1466, %slice3A_1465 : vector<1024x32xf32>
    %add3A_1468 = arith.addf %add3A_1463, %mul3A_1467 : vector<1024x32xf32>
    %slice3A_1469 = vector.extract_strided_slice %convert_element_type3A_1449 {offsets = [0, 4], sizes = [1024, 1], strides = [1, 1]} : vector<1024x8xf32> to vector<1024x1xf32>
    %slice3A_1470 = vector.extract_strided_slice %convert_element_type3A_214 {offsets = [0, 0], sizes = [1024, 32], strides = [1, 1]} : vector<1024x64xf32> to vector<1024x32xf32>
    %mul3A_1471 = vector.broadcast %slice3A_1469 : vector<1024x1xf32> to vector<1024x32xf32>
    %mul3A_1472 = arith.mulf %mul3A_1471, %slice3A_1470 : vector<1024x32xf32>
    %add3A_1473 = arith.addf %add3A_1468, %mul3A_1472 : vector<1024x32xf32>
    %slice3A_1474 = vector.extract_strided_slice %convert_element_type3A_1449 {offsets = [0, 5], sizes = [1024, 1], strides = [1, 1]} : vector<1024x8xf32> to vector<1024x1xf32>
    %slice3A_1475 = vector.extract_strided_slice %convert_element_type3A_257 {offsets = [0, 0], sizes = [1024, 32], strides = [1, 1]} : vector<1024x64xf32> to vector<1024x32xf32>
    %mul3A_1476 = vector.broadcast %slice3A_1474 : vector<1024x1xf32> to vector<1024x32xf32>
    %mul3A_1477 = arith.mulf %mul3A_1476, %slice3A_1475 : vector<1024x32xf32>
    %add3A_1478 = arith.addf %add3A_1473, %mul3A_1477 : vector<1024x32xf32>
    %slice3A_1479 = vector.extract_strided_slice %convert_element_type3A_1449 {offsets = [0, 6], sizes = [1024, 1], strides = [1, 1]} : vector<1024x8xf32> to vector<1024x1xf32>
    %slice3A_1480 = vector.extract_strided_slice %convert_element_type3A_300 {offsets = [0, 0], sizes = [1024, 32], strides = [1, 1]} : vector<1024x64xf32> to vector<1024x32xf32>
    %mul3A_1481 = vector.broadcast %slice3A_1479 : vector<1024x1xf32> to vector<1024x32xf32>
    %mul3A_1482 = arith.mulf %mul3A_1481, %slice3A_1480 : vector<1024x32xf32>
    %add3A_1483 = arith.addf %add3A_1478, %mul3A_1482 : vector<1024x32xf32>
    %slice3A_1484 = vector.extract_strided_slice %convert_element_type3A_1449 {offsets = [0, 7], sizes = [1024, 1], strides = [1, 1]} : vector<1024x8xf32> to vector<1024x1xf32>
    %slice3A_1485 = vector.extract_strided_slice %convert_element_type3A_343 {offsets = [0, 0], sizes = [1024, 32], strides = [1, 1]} : vector<1024x64xf32> to vector<1024x32xf32>
    %mul3A_1486 = vector.broadcast %slice3A_1484 : vector<1024x1xf32> to vector<1024x32xf32>
    %mul3A_1487 = arith.mulf %mul3A_1486, %slice3A_1485 : vector<1024x32xf32>
    %add3A_1488 = arith.addf %add3A_1483, %mul3A_1487 : vector<1024x32xf32>
    %slice3A_1489 = vector.extract_strided_slice %div3A_1435 {offsets = [0, 8], sizes = [1024, 8], strides = [1, 1]} : vector<1024x16xf32> to vector<1024x8xf32>
    %reduce_max3A_1490 = arith.constant dense<0xFF800000> : vector<1024xf32>
    %reduce_max3A_1491 = vector.multi_reduction <maximumf>, %slice3A_1489, %reduce_max3A_1490 [1] : vector<1024x8xf32> to vector<1024xf32>
    %broadcast_in_dim3A_1492 = vector.shape_cast %reduce_max3A_1491 : vector<1024xf32> to vector<1024x1xf32>
    %sub3A_1493 = vector.broadcast %broadcast_in_dim3A_1492 : vector<1024x1xf32> to vector<1024x8xf32>
    %sub3A_1494 = arith.subf %slice3A_1489, %sub3A_1493 : vector<1024x8xf32>
    %exp3A_1495 = math.exp %sub3A_1494 : vector<1024x8xf32>
    %reduce_sum3A_1496 = arith.constant dense<0.000000e+00> : vector<1024xf32>
    %reduce_sum3A_1497 = vector.multi_reduction <add>, %exp3A_1495, %reduce_sum3A_1496 [1] : vector<1024x8xf32> to vector<1024xf32>
    %broadcast_in_dim3A_1498 = vector.shape_cast %reduce_sum3A_1497 : vector<1024xf32> to vector<1024x1xf32>
    %div3A_1499 = vector.broadcast %broadcast_in_dim3A_1498 : vector<1024x1xf32> to vector<1024x8xf32>
    %div3A_1500 = arith.divf %exp3A_1495, %div3A_1499 : vector<1024x8xf32>
    %convert_element_type3A_1501 = arith.truncf %div3A_1500 : vector<1024x8xf32> to vector<1024x8xbf16>
    %convert_element_type3A_1502 = arith.extf %convert_element_type3A_1501 : vector<1024x8xbf16> to vector<1024x8xf32>
    %slice3A_1503 = vector.extract_strided_slice %convert_element_type3A_1502 {offsets = [0, 0], sizes = [1024, 1], strides = [1, 1]} : vector<1024x8xf32> to vector<1024x1xf32>
    %slice3A_1504 = vector.extract_strided_slice %convert_element_type3A_42 {offsets = [0, 32], sizes = [1024, 32], strides = [1, 1]} : vector<1024x64xf32> to vector<1024x32xf32>
    %mul3A_1505 = vector.broadcast %slice3A_1503 : vector<1024x1xf32> to vector<1024x32xf32>
    %mul3A_1506 = arith.mulf %mul3A_1505, %slice3A_1504 : vector<1024x32xf32>
    %slice3A_1507 = vector.extract_strided_slice %convert_element_type3A_1502 {offsets = [0, 1], sizes = [1024, 1], strides = [1, 1]} : vector<1024x8xf32> to vector<1024x1xf32>
    %slice3A_1508 = vector.extract_strided_slice %convert_element_type3A_85 {offsets = [0, 32], sizes = [1024, 32], strides = [1, 1]} : vector<1024x64xf32> to vector<1024x32xf32>
    %mul3A_1509 = vector.broadcast %slice3A_1507 : vector<1024x1xf32> to vector<1024x32xf32>
    %mul3A_1510 = arith.mulf %mul3A_1509, %slice3A_1508 : vector<1024x32xf32>
    %add3A_1511 = arith.addf %mul3A_1506, %mul3A_1510 : vector<1024x32xf32>
    %slice3A_1512 = vector.extract_strided_slice %convert_element_type3A_1502 {offsets = [0, 2], sizes = [1024, 1], strides = [1, 1]} : vector<1024x8xf32> to vector<1024x1xf32>
    %slice3A_1513 = vector.extract_strided_slice %convert_element_type3A_128 {offsets = [0, 32], sizes = [1024, 32], strides = [1, 1]} : vector<1024x64xf32> to vector<1024x32xf32>
    %mul3A_1514 = vector.broadcast %slice3A_1512 : vector<1024x1xf32> to vector<1024x32xf32>
    %mul3A_1515 = arith.mulf %mul3A_1514, %slice3A_1513 : vector<1024x32xf32>
    %add3A_1516 = arith.addf %add3A_1511, %mul3A_1515 : vector<1024x32xf32>
    %slice3A_1517 = vector.extract_strided_slice %convert_element_type3A_1502 {offsets = [0, 3], sizes = [1024, 1], strides = [1, 1]} : vector<1024x8xf32> to vector<1024x1xf32>
    %slice3A_1518 = vector.extract_strided_slice %convert_element_type3A_171 {offsets = [0, 32], sizes = [1024, 32], strides = [1, 1]} : vector<1024x64xf32> to vector<1024x32xf32>
    %mul3A_1519 = vector.broadcast %slice3A_1517 : vector<1024x1xf32> to vector<1024x32xf32>
    %mul3A_1520 = arith.mulf %mul3A_1519, %slice3A_1518 : vector<1024x32xf32>
    %add3A_1521 = arith.addf %add3A_1516, %mul3A_1520 : vector<1024x32xf32>
    %slice3A_1522 = vector.extract_strided_slice %convert_element_type3A_1502 {offsets = [0, 4], sizes = [1024, 1], strides = [1, 1]} : vector<1024x8xf32> to vector<1024x1xf32>
    %slice3A_1523 = vector.extract_strided_slice %convert_element_type3A_214 {offsets = [0, 32], sizes = [1024, 32], strides = [1, 1]} : vector<1024x64xf32> to vector<1024x32xf32>
    %mul3A_1524 = vector.broadcast %slice3A_1522 : vector<1024x1xf32> to vector<1024x32xf32>
    %mul3A_1525 = arith.mulf %mul3A_1524, %slice3A_1523 : vector<1024x32xf32>
    %add3A_1526 = arith.addf %add3A_1521, %mul3A_1525 : vector<1024x32xf32>
    %slice3A_1527 = vector.extract_strided_slice %convert_element_type3A_1502 {offsets = [0, 5], sizes = [1024, 1], strides = [1, 1]} : vector<1024x8xf32> to vector<1024x1xf32>
    %slice3A_1528 = vector.extract_strided_slice %convert_element_type3A_257 {offsets = [0, 32], sizes = [1024, 32], strides = [1, 1]} : vector<1024x64xf32> to vector<1024x32xf32>
    %mul3A_1529 = vector.broadcast %slice3A_1527 : vector<1024x1xf32> to vector<1024x32xf32>
    %mul3A_1530 = arith.mulf %mul3A_1529, %slice3A_1528 : vector<1024x32xf32>
    %add3A_1531 = arith.addf %add3A_1526, %mul3A_1530 : vector<1024x32xf32>
    %slice3A_1532 = vector.extract_strided_slice %convert_element_type3A_1502 {offsets = [0, 6], sizes = [1024, 1], strides = [1, 1]} : vector<1024x8xf32> to vector<1024x1xf32>
    %slice3A_1533 = vector.extract_strided_slice %convert_element_type3A_300 {offsets = [0, 32], sizes = [1024, 32], strides = [1, 1]} : vector<1024x64xf32> to vector<1024x32xf32>
    %mul3A_1534 = vector.broadcast %slice3A_1532 : vector<1024x1xf32> to vector<1024x32xf32>
    %mul3A_1535 = arith.mulf %mul3A_1534, %slice3A_1533 : vector<1024x32xf32>
    %add3A_1536 = arith.addf %add3A_1531, %mul3A_1535 : vector<1024x32xf32>
    %slice3A_1537 = vector.extract_strided_slice %convert_element_type3A_1502 {offsets = [0, 7], sizes = [1024, 1], strides = [1, 1]} : vector<1024x8xf32> to vector<1024x1xf32>
    %slice3A_1538 = vector.extract_strided_slice %convert_element_type3A_343 {offsets = [0, 32], sizes = [1024, 32], strides = [1, 1]} : vector<1024x64xf32> to vector<1024x32xf32>
    %mul3A_1539 = vector.broadcast %slice3A_1537 : vector<1024x1xf32> to vector<1024x32xf32>
    %mul3A_1540 = arith.mulf %mul3A_1539, %slice3A_1538 : vector<1024x32xf32>
    %add3A_1541 = arith.addf %add3A_1536, %mul3A_1540 : vector<1024x32xf32>
    %concatenate3A_1542 = tpu.concatenate %add3A_1488, %add3A_1541 in 1 : vector<1024x32xf32>, vector<1024x32xf32> -> vector<1024x64xf32>
    %dot_general3A_1543 = arith.constant dense<0.000000e+00> : vector<1024x64xf32>
    %dot_general3A_1544 = tpu.matmul %concatenate3A_1542, %get3A_484, %dot_general3A_1543 {dimension_numbers = #tpu.dot_dimension_numbers<[1], [0], [0], [1], [0, 0, 1, 1], [], []>, transpose_lhs_hint = false} : vector<1024x64xf32>, vector<64x64xf32>, vector<1024x64xf32> -> vector<1024x64xf32>
    %add3A_1545 = vector.broadcast %get3A_487 : vector<1x64xf32> to vector<1024x64xf32>
    %add3A_1546 = arith.addf %dot_general3A_1544, %add3A_1545 : vector<1024x64xf32>
    %add3A_1547 = arith.addf %add3A_1546, %get3A_217 : vector<1024x64xf32>
    %reduce_sum3A_1548 = arith.constant dense<0.000000e+00> : vector<1024xf32>
    %reduce_sum3A_1549 = vector.multi_reduction <add>, %add3A_1547, %reduce_sum3A_1548 [1] : vector<1024x64xf32> to vector<1024xf32>
    %broadcast_in_dim3A_1550 = vector.shape_cast %reduce_sum3A_1549 : vector<1024xf32> to vector<1024x1xf32>
    %div3A_1551 = arith.constant 6.400000e+01 : f32
    %div3A_1552 = vector.broadcast %div3A_1551 : f32 to vector<1024x1xf32>
    %div3A_1553 = arith.divf %broadcast_in_dim3A_1550, %div3A_1552 : vector<1024x1xf32>
    %sub3A_1554 = vector.broadcast %div3A_1553 : vector<1024x1xf32> to vector<1024x64xf32>
    %sub3A_1555 = arith.subf %add3A_1547, %sub3A_1554 : vector<1024x64xf32>
    %integer_pow3A_1556 = arith.mulf %sub3A_1555, %sub3A_1555 : vector<1024x64xf32>
    %reduce_sum3A_1557 = arith.constant dense<0.000000e+00> : vector<1024xf32>
    %reduce_sum3A_1558 = vector.multi_reduction <add>, %integer_pow3A_1556, %reduce_sum3A_1557 [1] : vector<1024x64xf32> to vector<1024xf32>
    %broadcast_in_dim3A_1559 = vector.shape_cast %reduce_sum3A_1558 : vector<1024xf32> to vector<1024x1xf32>
    %div3A_1560 = arith.constant 6.400000e+01 : f32
    %div3A_1561 = vector.broadcast %div3A_1560 : f32 to vector<1024x1xf32>
    %div3A_1562 = arith.divf %broadcast_in_dim3A_1559, %div3A_1561 : vector<1024x1xf32>
    %sub3A_1563 = vector.broadcast %div3A_1553 : vector<1024x1xf32> to vector<1024x64xf32>
    %sub3A_1564 = arith.subf %add3A_1547, %sub3A_1563 : vector<1024x64xf32>
    %add3A_1565 = arith.constant 9.99999974E-6 : f32
    %add3A_1566 = vector.broadcast %add3A_1565 : f32 to vector<1024x1xf32>
    %add3A_1567 = arith.addf %div3A_1562, %add3A_1566 : vector<1024x1xf32>
    %sqrt3A_1568 = math.sqrt %add3A_1567 : vector<1024x1xf32>
    %div3A_1569 = vector.broadcast %sqrt3A_1568 : vector<1024x1xf32> to vector<1024x64xf32>
    %div3A_1570 = arith.divf %sub3A_1564, %div3A_1569 : vector<1024x64xf32>
    %mul3A_1571 = vector.broadcast %get3A_490 : vector<1x64xf32> to vector<1024x64xf32>
    %mul3A_1572 = arith.mulf %div3A_1570, %mul3A_1571 : vector<1024x64xf32>
    %add3A_1573 = vector.broadcast %get3A_493 : vector<1x64xf32> to vector<1024x64xf32>
    %add3A_1574 = arith.addf %mul3A_1572, %add3A_1573 : vector<1024x64xf32>
    %dot_general3A_1575 = arith.constant dense<0.000000e+00> : vector<1024x64xf32>
    %dot_general3A_1576 = tpu.matmul %add3A_1574, %get3A_496, %dot_general3A_1575 {dimension_numbers = #tpu.dot_dimension_numbers<[1], [0], [0], [1], [0, 0, 1, 1], [], []>, transpose_lhs_hint = false} : vector<1024x64xf32>, vector<64x64xf32>, vector<1024x64xf32> -> vector<1024x64xf32>
    %add3A_1577 = vector.broadcast %get3A_499 : vector<1x64xf32> to vector<1024x64xf32>
    %add3A_1578 = arith.addf %dot_general3A_1576, %add3A_1577 : vector<1024x64xf32>
    %mul3A_1579 = arith.constant 5.000000e-01 : f32
    %mul3A_1580 = vector.broadcast %mul3A_1579 : f32 to vector<1024x64xf32>
    %mul3A_1581 = arith.mulf %mul3A_1580, %add3A_1578 : vector<1024x64xf32>
    %div3A_1582 = arith.constant 1.41421354 : f32
    %div3A_1583 = vector.broadcast %div3A_1582 : f32 to vector<1024x64xf32>
    %div3A_1584 = arith.divf %add3A_1578, %div3A_1583 : vector<1024x64xf32>
    %erf3A_1585 = math.erf %div3A_1584 : vector<1024x64xf32>
    %add3A_1586 = arith.constant 1.000000e+00 : f32
    %add3A_1587 = vector.broadcast %add3A_1586 : f32 to vector<1024x64xf32>
    %add3A_1588 = arith.addf %add3A_1587, %erf3A_1585 : vector<1024x64xf32>
    %mul3A_1589 = arith.mulf %mul3A_1581, %add3A_1588 : vector<1024x64xf32>
    %dot_general3A_1590 = arith.constant dense<0.000000e+00> : vector<1024x64xf32>
    %dot_general3A_1591 = tpu.matmul %mul3A_1589, %get3A_502, %dot_general3A_1590 {dimension_numbers = #tpu.dot_dimension_numbers<[1], [0], [0], [1], [0, 0, 1, 1], [], []>, transpose_lhs_hint = false} : vector<1024x64xf32>, vector<64x64xf32>, vector<1024x64xf32> -> vector<1024x64xf32>
    %add3A_1592 = vector.broadcast %get3A_505 : vector<1x64xf32> to vector<1024x64xf32>
    %add3A_1593 = arith.addf %dot_general3A_1591, %add3A_1592 : vector<1024x64xf32>
    %add3A_1594 = arith.addf %add3A_1593, %add3A_1547 : vector<1024x64xf32>
    %dot_general3A_1595 = arith.constant dense<0.000000e+00> : vector<1024x64xf32>
    %dot_general3A_1596 = tpu.matmul %add3A_1594, %get3A_508, %dot_general3A_1595 {dimension_numbers = #tpu.dot_dimension_numbers<[1], [0], [0], [1], [0, 0, 1, 1], [], []>, transpose_lhs_hint = false} : vector<1024x64xf32>, vector<64x64xf32>, vector<1024x64xf32> -> vector<1024x64xf32>
    %add3A_1597 = vector.broadcast %get3A_511 : vector<1x64xf32> to vector<1024x64xf32>
    %add3A_1598 = arith.addf %dot_general3A_1596, %add3A_1597 : vector<1024x64xf32>
    %swap3A_1599 = arith.constant 5 : index
    %swap3A_1600 = arith.constant 0 : index
    %swap3A_1601 = arith.constant 0 : index
    %swap3A_1602 = vector.load %arg15[%swap3A_1599, %swap3A_1600, %swap3A_1601] : memref<8x1024x64xf32, #tpu.memory_space<vmem>>, vector<1x1024x64xf32>
    %swap3A_1603 = vector.shape_cast %swap3A_1602 : vector<1x1024x64xf32> to vector<1024x64xf32>
    %swap3A_1604 = vector.shape_cast %add3A_1598 : vector<1024x64xf32> to vector<1x1024x64xf32>
    tpu.vector_store %arg15[%swap3A_1599, %swap3A_1600, %swap3A_1601], %swap3A_1604 {strides = array<i32>} : memref<8x1024x64xf32, #tpu.memory_space<vmem>>, vector<1x1024x64xf32>,
    %mul3A_1605 = arith.mulf %convert_element_type3A_294, %convert_element_type3A_39 : vector<1024x64xf32>
    %mul3A_1606 = arith.mulf %convert_element_type3A_294, %convert_element_type3A_82 : vector<1024x64xf32>
    %mul3A_1607 = arith.mulf %convert_element_type3A_294, %convert_element_type3A_125 : vector<1024x64xf32>
    %mul3A_1608 = arith.mulf %convert_element_type3A_294, %convert_element_type3A_168 : vector<1024x64xf32>
    %mul3A_1609 = arith.mulf %convert_element_type3A_294, %convert_element_type3A_211 : vector<1024x64xf32>
    %mul3A_1610 = arith.mulf %convert_element_type3A_294, %convert_element_type3A_254 : vector<1024x64xf32>
    %mul3A_1611 = arith.mulf %convert_element_type3A_294, %convert_element_type3A_297 : vector<1024x64xf32>
    %mul3A_1612 = arith.mulf %convert_element_type3A_294, %convert_element_type3A_340 : vector<1024x64xf32>
    %concatenate3A_1613 = tpu.concatenate %mul3A_1605, %mul3A_1606, %mul3A_1607, %mul3A_1608, %mul3A_1609, %mul3A_1610, %mul3A_1611, %mul3A_1612 in 1 : vector<1024x64xf32>, vector<1024x64xf32>, vector<1024x64xf32>, vector<1024x64xf32>, vector<1024x64xf32>, vector<1024x64xf32>, vector<1024x64xf32>, vector<1024x64xf32> -> vector<1024x512xf32>
    %dot_general3A_1614 = arith.constant dense<0.000000e+00> : vector<1024x16xf32>
    %dot_general3A_1615 = tpu.matmul %concatenate3A_1613, %select_n3A_481, %dot_general3A_1614 {dimension_numbers = #tpu.dot_dimension_numbers<[1], [0], [0], [1], [0, 0, 1, 1], [], []>, precision = #tpu.contract_precision<fp32>, transpose_lhs_hint = false} : vector<1024x512xf32>, vector<512x16xf32>, vector<1024x16xf32> -> vector<1024x16xf32>
    %div3A_1616 = arith.constant 5.65685415 : f32
    %div3A_1617 = vector.broadcast %div3A_1616 : f32 to vector<1024x16xf32>
    %div3A_1618 = arith.divf %dot_general3A_1615, %div3A_1617 : vector<1024x16xf32>
    %slice3A_1619 = vector.extract_strided_slice %div3A_1618 {offsets = [0, 0], sizes = [1024, 8], strides = [1, 1]} : vector<1024x16xf32> to vector<1024x8xf32>
    %reduce_max3A_1620 = arith.constant dense<0xFF800000> : vector<1024xf32>
    %reduce_max3A_1621 = vector.multi_reduction <maximumf>, %slice3A_1619, %reduce_max3A_1620 [1] : vector<1024x8xf32> to vector<1024xf32>
    %broadcast_in_dim3A_1622 = vector.shape_cast %reduce_max3A_1621 : vector<1024xf32> to vector<1024x1xf32>
    %sub3A_1623 = vector.broadcast %broadcast_in_dim3A_1622 : vector<1024x1xf32> to vector<1024x8xf32>
    %sub3A_1624 = arith.subf %slice3A_1619, %sub3A_1623 : vector<1024x8xf32>
    %exp3A_1625 = math.exp %sub3A_1624 : vector<1024x8xf32>
    %reduce_sum3A_1626 = arith.constant dense<0.000000e+00> : vector<1024xf32>
    %reduce_sum3A_1627 = vector.multi_reduction <add>, %exp3A_1625, %reduce_sum3A_1626 [1] : vector<1024x8xf32> to vector<1024xf32>
    %broadcast_in_dim3A_1628 = vector.shape_cast %reduce_sum3A_1627 : vector<1024xf32> to vector<1024x1xf32>
    %div3A_1629 = vector.broadcast %broadcast_in_dim3A_1628 : vector<1024x1xf32> to vector<1024x8xf32>
    %div3A_1630 = arith.divf %exp3A_1625, %div3A_1629 : vector<1024x8xf32>
    %convert_element_type3A_1631 = arith.truncf %div3A_1630 : vector<1024x8xf32> to vector<1024x8xbf16>
    %convert_element_type3A_1632 = arith.extf %convert_element_type3A_1631 : vector<1024x8xbf16> to vector<1024x8xf32>
    %slice3A_1633 = vector.extract_strided_slice %convert_element_type3A_1632 {offsets = [0, 0], sizes = [1024, 1], strides = [1, 1]} : vector<1024x8xf32> to vector<1024x1xf32>
    %slice3A_1634 = vector.extract_strided_slice %convert_element_type3A_42 {offsets = [0, 0], sizes = [1024, 32], strides = [1, 1]} : vector<1024x64xf32> to vector<1024x32xf32>
    %mul3A_1635 = vector.broadcast %slice3A_1633 : vector<1024x1xf32> to vector<1024x32xf32>
    %mul3A_1636 = arith.mulf %mul3A_1635, %slice3A_1634 : vector<1024x32xf32>
    %slice3A_1637 = vector.extract_strided_slice %convert_element_type3A_1632 {offsets = [0, 1], sizes = [1024, 1], strides = [1, 1]} : vector<1024x8xf32> to vector<1024x1xf32>
    %slice3A_1638 = vector.extract_strided_slice %convert_element_type3A_85 {offsets = [0, 0], sizes = [1024, 32], strides = [1, 1]} : vector<1024x64xf32> to vector<1024x32xf32>
    %mul3A_1639 = vector.broadcast %slice3A_1637 : vector<1024x1xf32> to vector<1024x32xf32>
    %mul3A_1640 = arith.mulf %mul3A_1639, %slice3A_1638 : vector<1024x32xf32>
    %add3A_1641 = arith.addf %mul3A_1636, %mul3A_1640 : vector<1024x32xf32>
    %slice3A_1642 = vector.extract_strided_slice %convert_element_type3A_1632 {offsets = [0, 2], sizes = [1024, 1], strides = [1, 1]} : vector<1024x8xf32> to vector<1024x1xf32>
    %slice3A_1643 = vector.extract_strided_slice %convert_element_type3A_128 {offsets = [0, 0], sizes = [1024, 32], strides = [1, 1]} : vector<1024x64xf32> to vector<1024x32xf32>
    %mul3A_1644 = vector.broadcast %slice3A_1642 : vector<1024x1xf32> to vector<1024x32xf32>
    %mul3A_1645 = arith.mulf %mul3A_1644, %slice3A_1643 : vector<1024x32xf32>
    %add3A_1646 = arith.addf %add3A_1641, %mul3A_1645 : vector<1024x32xf32>
    %slice3A_1647 = vector.extract_strided_slice %convert_element_type3A_1632 {offsets = [0, 3], sizes = [1024, 1], strides = [1, 1]} : vector<1024x8xf32> to vector<1024x1xf32>
    %slice3A_1648 = vector.extract_strided_slice %convert_element_type3A_171 {offsets = [0, 0], sizes = [1024, 32], strides = [1, 1]} : vector<1024x64xf32> to vector<1024x32xf32>
    %mul3A_1649 = vector.broadcast %slice3A_1647 : vector<1024x1xf32> to vector<1024x32xf32>
    %mul3A_1650 = arith.mulf %mul3A_1649, %slice3A_1648 : vector<1024x32xf32>
    %add3A_1651 = arith.addf %add3A_1646, %mul3A_1650 : vector<1024x32xf32>
    %slice3A_1652 = vector.extract_strided_slice %convert_element_type3A_1632 {offsets = [0, 4], sizes = [1024, 1], strides = [1, 1]} : vector<1024x8xf32> to vector<1024x1xf32>
    %slice3A_1653 = vector.extract_strided_slice %convert_element_type3A_214 {offsets = [0, 0], sizes = [1024, 32], strides = [1, 1]} : vector<1024x64xf32> to vector<1024x32xf32>
    %mul3A_1654 = vector.broadcast %slice3A_1652 : vector<1024x1xf32> to vector<1024x32xf32>
    %mul3A_1655 = arith.mulf %mul3A_1654, %slice3A_1653 : vector<1024x32xf32>
    %add3A_1656 = arith.addf %add3A_1651, %mul3A_1655 : vector<1024x32xf32>
    %slice3A_1657 = vector.extract_strided_slice %convert_element_type3A_1632 {offsets = [0, 5], sizes = [1024, 1], strides = [1, 1]} : vector<1024x8xf32> to vector<1024x1xf32>
    %slice3A_1658 = vector.extract_strided_slice %convert_element_type3A_257 {offsets = [0, 0], sizes = [1024, 32], strides = [1, 1]} : vector<1024x64xf32> to vector<1024x32xf32>
    %mul3A_1659 = vector.broadcast %slice3A_1657 : vector<1024x1xf32> to vector<1024x32xf32>
    %mul3A_1660 = arith.mulf %mul3A_1659, %slice3A_1658 : vector<1024x32xf32>
    %add3A_1661 = arith.addf %add3A_1656, %mul3A_1660 : vector<1024x32xf32>
    %slice3A_1662 = vector.extract_strided_slice %convert_element_type3A_1632 {offsets = [0, 6], sizes = [1024, 1], strides = [1, 1]} : vector<1024x8xf32> to vector<1024x1xf32>
    %slice3A_1663 = vector.extract_strided_slice %convert_element_type3A_300 {offsets = [0, 0], sizes = [1024, 32], strides = [1, 1]} : vector<1024x64xf32> to vector<1024x32xf32>
    %mul3A_1664 = vector.broadcast %slice3A_1662 : vector<1024x1xf32> to vector<1024x32xf32>
    %mul3A_1665 = arith.mulf %mul3A_1664, %slice3A_1663 : vector<1024x32xf32>
    %add3A_1666 = arith.addf %add3A_1661, %mul3A_1665 : vector<1024x32xf32>
    %slice3A_1667 = vector.extract_strided_slice %convert_element_type3A_1632 {offsets = [0, 7], sizes = [1024, 1], strides = [1, 1]} : vector<1024x8xf32> to vector<1024x1xf32>
    %slice3A_1668 = vector.extract_strided_slice %convert_element_type3A_343 {offsets = [0, 0], sizes = [1024, 32], strides = [1, 1]} : vector<1024x64xf32> to vector<1024x32xf32>
    %mul3A_1669 = vector.broadcast %slice3A_1667 : vector<1024x1xf32> to vector<1024x32xf32>
    %mul3A_1670 = arith.mulf %mul3A_1669, %slice3A_1668 : vector<1024x32xf32>
    %add3A_1671 = arith.addf %add3A_1666, %mul3A_1670 : vector<1024x32xf32>
    %slice3A_1672 = vector.extract_strided_slice %div3A_1618 {offsets = [0, 8], sizes = [1024, 8], strides = [1, 1]} : vector<1024x16xf32> to vector<1024x8xf32>
    %reduce_max3A_1673 = arith.constant dense<0xFF800000> : vector<1024xf32>
    %reduce_max3A_1674 = vector.multi_reduction <maximumf>, %slice3A_1672, %reduce_max3A_1673 [1] : vector<1024x8xf32> to vector<1024xf32>
    %broadcast_in_dim3A_1675 = vector.shape_cast %reduce_max3A_1674 : vector<1024xf32> to vector<1024x1xf32>
    %sub3A_1676 = vector.broadcast %broadcast_in_dim3A_1675 : vector<1024x1xf32> to vector<1024x8xf32>
    %sub3A_1677 = arith.subf %slice3A_1672, %sub3A_1676 : vector<1024x8xf32>
    %exp3A_1678 = math.exp %sub3A_1677 : vector<1024x8xf32>
    %reduce_sum3A_1679 = arith.constant dense<0.000000e+00> : vector<1024xf32>
    %reduce_sum3A_1680 = vector.multi_reduction <add>, %exp3A_1678, %reduce_sum3A_1679 [1] : vector<1024x8xf32> to vector<1024xf32>
    %broadcast_in_dim3A_1681 = vector.shape_cast %reduce_sum3A_1680 : vector<1024xf32> to vector<1024x1xf32>
    %div3A_1682 = vector.broadcast %broadcast_in_dim3A_1681 : vector<1024x1xf32> to vector<1024x8xf32>
    %div3A_1683 = arith.divf %exp3A_1678, %div3A_1682 : vector<1024x8xf32>
    %convert_element_type3A_1684 = arith.truncf %div3A_1683 : vector<1024x8xf32> to vector<1024x8xbf16>
    %convert_element_type3A_1685 = arith.extf %convert_element_type3A_1684 : vector<1024x8xbf16> to vector<1024x8xf32>
    %slice3A_1686 = vector.extract_strided_slice %convert_element_type3A_1685 {offsets = [0, 0], sizes = [1024, 1], strides = [1, 1]} : vector<1024x8xf32> to vector<1024x1xf32>
    %slice3A_1687 = vector.extract_strided_slice %convert_element_type3A_42 {offsets = [0, 32], sizes = [1024, 32], strides = [1, 1]} : vector<1024x64xf32> to vector<1024x32xf32>
    %mul3A_1688 = vector.broadcast %slice3A_1686 : vector<1024x1xf32> to vector<1024x32xf32>
    %mul3A_1689 = arith.mulf %mul3A_1688, %slice3A_1687 : vector<1024x32xf32>
    %slice3A_1690 = vector.extract_strided_slice %convert_element_type3A_1685 {offsets = [0, 1], sizes = [1024, 1], strides = [1, 1]} : vector<1024x8xf32> to vector<1024x1xf32>
    %slice3A_1691 = vector.extract_strided_slice %convert_element_type3A_85 {offsets = [0, 32], sizes = [1024, 32], strides = [1, 1]} : vector<1024x64xf32> to vector<1024x32xf32>
    %mul3A_1692 = vector.broadcast %slice3A_1690 : vector<1024x1xf32> to vector<1024x32xf32>
    %mul3A_1693 = arith.mulf %mul3A_1692, %slice3A_1691 : vector<1024x32xf32>
    %add3A_1694 = arith.addf %mul3A_1689, %mul3A_1693 : vector<1024x32xf32>
    %slice3A_1695 = vector.extract_strided_slice %convert_element_type3A_1685 {offsets = [0, 2], sizes = [1024, 1], strides = [1, 1]} : vector<1024x8xf32> to vector<1024x1xf32>
    %slice3A_1696 = vector.extract_strided_slice %convert_element_type3A_128 {offsets = [0, 32], sizes = [1024, 32], strides = [1, 1]} : vector<1024x64xf32> to vector<1024x32xf32>
    %mul3A_1697 = vector.broadcast %slice3A_1695 : vector<1024x1xf32> to vector<1024x32xf32>
    %mul3A_1698 = arith.mulf %mul3A_1697, %slice3A_1696 : vector<1024x32xf32>
    %add3A_1699 = arith.addf %add3A_1694, %mul3A_1698 : vector<1024x32xf32>
    %slice3A_1700 = vector.extract_strided_slice %convert_element_type3A_1685 {offsets = [0, 3], sizes = [1024, 1], strides = [1, 1]} : vector<1024x8xf32> to vector<1024x1xf32>
    %slice3A_1701 = vector.extract_strided_slice %convert_element_type3A_171 {offsets = [0, 32], sizes = [1024, 32], strides = [1, 1]} : vector<1024x64xf32> to vector<1024x32xf32>
    %mul3A_1702 = vector.broadcast %slice3A_1700 : vector<1024x1xf32> to vector<1024x32xf32>
    %mul3A_1703 = arith.mulf %mul3A_1702, %slice3A_1701 : vector<1024x32xf32>
    %add3A_1704 = arith.addf %add3A_1699, %mul3A_1703 : vector<1024x32xf32>
    %slice3A_1705 = vector.extract_strided_slice %convert_element_type3A_1685 {offsets = [0, 4], sizes = [1024, 1], strides = [1, 1]} : vector<1024x8xf32> to vector<1024x1xf32>
    %slice3A_1706 = vector.extract_strided_slice %convert_element_type3A_214 {offsets = [0, 32], sizes = [1024, 32], strides = [1, 1]} : vector<1024x64xf32> to vector<1024x32xf32>
    %mul3A_1707 = vector.broadcast %slice3A_1705 : vector<1024x1xf32> to vector<1024x32xf32>
    %mul3A_1708 = arith.mulf %mul3A_1707, %slice3A_1706 : vector<1024x32xf32>
    %add3A_1709 = arith.addf %add3A_1704, %mul3A_1708 : vector<1024x32xf32>
    %slice3A_1710 = vector.extract_strided_slice %convert_element_type3A_1685 {offsets = [0, 5], sizes = [1024, 1], strides = [1, 1]} : vector<1024x8xf32> to vector<1024x1xf32>
    %slice3A_1711 = vector.extract_strided_slice %convert_element_type3A_257 {offsets = [0, 32], sizes = [1024, 32], strides = [1, 1]} : vector<1024x64xf32> to vector<1024x32xf32>
    %mul3A_1712 = vector.broadcast %slice3A_1710 : vector<1024x1xf32> to vector<1024x32xf32>
    %mul3A_1713 = arith.mulf %mul3A_1712, %slice3A_1711 : vector<1024x32xf32>
    %add3A_1714 = arith.addf %add3A_1709, %mul3A_1713 : vector<1024x32xf32>
    %slice3A_1715 = vector.extract_strided_slice %convert_element_type3A_1685 {offsets = [0, 6], sizes = [1024, 1], strides = [1, 1]} : vector<1024x8xf32> to vector<1024x1xf32>
    %slice3A_1716 = vector.extract_strided_slice %convert_element_type3A_300 {offsets = [0, 32], sizes = [1024, 32], strides = [1, 1]} : vector<1024x64xf32> to vector<1024x32xf32>
    %mul3A_1717 = vector.broadcast %slice3A_1715 : vector<1024x1xf32> to vector<1024x32xf32>
    %mul3A_1718 = arith.mulf %mul3A_1717, %slice3A_1716 : vector<1024x32xf32>
    %add3A_1719 = arith.addf %add3A_1714, %mul3A_1718 : vector<1024x32xf32>
    %slice3A_1720 = vector.extract_strided_slice %convert_element_type3A_1685 {offsets = [0, 7], sizes = [1024, 1], strides = [1, 1]} : vector<1024x8xf32> to vector<1024x1xf32>
    %slice3A_1721 = vector.extract_strided_slice %convert_element_type3A_343 {offsets = [0, 32], sizes = [1024, 32], strides = [1, 1]} : vector<1024x64xf32> to vector<1024x32xf32>
    %mul3A_1722 = vector.broadcast %slice3A_1720 : vector<1024x1xf32> to vector<1024x32xf32>
    %mul3A_1723 = arith.mulf %mul3A_1722, %slice3A_1721 : vector<1024x32xf32>
    %add3A_1724 = arith.addf %add3A_1719, %mul3A_1723 : vector<1024x32xf32>
    %concatenate3A_1725 = tpu.concatenate %add3A_1671, %add3A_1724 in 1 : vector<1024x32xf32>, vector<1024x32xf32> -> vector<1024x64xf32>
    %dot_general3A_1726 = arith.constant dense<0.000000e+00> : vector<1024x64xf32>
    %dot_general3A_1727 = tpu.matmul %concatenate3A_1725, %get3A_484, %dot_general3A_1726 {dimension_numbers = #tpu.dot_dimension_numbers<[1], [0], [0], [1], [0, 0, 1, 1], [], []>, transpose_lhs_hint = false} : vector<1024x64xf32>, vector<64x64xf32>, vector<1024x64xf32> -> vector<1024x64xf32>
    %add3A_1728 = vector.broadcast %get3A_487 : vector<1x64xf32> to vector<1024x64xf32>
    %add3A_1729 = arith.addf %dot_general3A_1727, %add3A_1728 : vector<1024x64xf32>
    %add3A_1730 = arith.addf %add3A_1729, %get3A_260 : vector<1024x64xf32>
    %reduce_sum3A_1731 = arith.constant dense<0.000000e+00> : vector<1024xf32>
    %reduce_sum3A_1732 = vector.multi_reduction <add>, %add3A_1730, %reduce_sum3A_1731 [1] : vector<1024x64xf32> to vector<1024xf32>
    %broadcast_in_dim3A_1733 = vector.shape_cast %reduce_sum3A_1732 : vector<1024xf32> to vector<1024x1xf32>
    %div3A_1734 = arith.constant 6.400000e+01 : f32
    %div3A_1735 = vector.broadcast %div3A_1734 : f32 to vector<1024x1xf32>
    %div3A_1736 = arith.divf %broadcast_in_dim3A_1733, %div3A_1735 : vector<1024x1xf32>
    %sub3A_1737 = vector.broadcast %div3A_1736 : vector<1024x1xf32> to vector<1024x64xf32>
    %sub3A_1738 = arith.subf %add3A_1730, %sub3A_1737 : vector<1024x64xf32>
    %integer_pow3A_1739 = arith.mulf %sub3A_1738, %sub3A_1738 : vector<1024x64xf32>
    %reduce_sum3A_1740 = arith.constant dense<0.000000e+00> : vector<1024xf32>
    %reduce_sum3A_1741 = vector.multi_reduction <add>, %integer_pow3A_1739, %reduce_sum3A_1740 [1] : vector<1024x64xf32> to vector<1024xf32>
    %broadcast_in_dim3A_1742 = vector.shape_cast %reduce_sum3A_1741 : vector<1024xf32> to vector<1024x1xf32>
    %div3A_1743 = arith.constant 6.400000e+01 : f32
    %div3A_1744 = vector.broadcast %div3A_1743 : f32 to vector<1024x1xf32>
    %div3A_1745 = arith.divf %broadcast_in_dim3A_1742, %div3A_1744 : vector<1024x1xf32>
    %sub3A_1746 = vector.broadcast %div3A_1736 : vector<1024x1xf32> to vector<1024x64xf32>
    %sub3A_1747 = arith.subf %add3A_1730, %sub3A_1746 : vector<1024x64xf32>
    %add3A_1748 = arith.constant 9.99999974E-6 : f32
    %add3A_1749 = vector.broadcast %add3A_1748 : f32 to vector<1024x1xf32>
    %add3A_1750 = arith.addf %div3A_1745, %add3A_1749 : vector<1024x1xf32>
    %sqrt3A_1751 = math.sqrt %add3A_1750 : vector<1024x1xf32>
    %div3A_1752 = vector.broadcast %sqrt3A_1751 : vector<1024x1xf32> to vector<1024x64xf32>
    %div3A_1753 = arith.divf %sub3A_1747, %div3A_1752 : vector<1024x64xf32>
    %mul3A_1754 = vector.broadcast %get3A_490 : vector<1x64xf32> to vector<1024x64xf32>
    %mul3A_1755 = arith.mulf %div3A_1753, %mul3A_1754 : vector<1024x64xf32>
    %add3A_1756 = vector.broadcast %get3A_493 : vector<1x64xf32> to vector<1024x64xf32>
    %add3A_1757 = arith.addf %mul3A_1755, %add3A_1756 : vector<1024x64xf32>
    %dot_general3A_1758 = arith.constant dense<0.000000e+00> : vector<1024x64xf32>
    %dot_general3A_1759 = tpu.matmul %add3A_1757, %get3A_496, %dot_general3A_1758 {dimension_numbers = #tpu.dot_dimension_numbers<[1], [0], [0], [1], [0, 0, 1, 1], [], []>, transpose_lhs_hint = false} : vector<1024x64xf32>, vector<64x64xf32>, vector<1024x64xf32> -> vector<1024x64xf32>
    %add3A_1760 = vector.broadcast %get3A_499 : vector<1x64xf32> to vector<1024x64xf32>
    %add3A_1761 = arith.addf %dot_general3A_1759, %add3A_1760 : vector<1024x64xf32>
    %mul3A_1762 = arith.constant 5.000000e-01 : f32
    %mul3A_1763 = vector.broadcast %mul3A_1762 : f32 to vector<1024x64xf32>
    %mul3A_1764 = arith.mulf %mul3A_1763, %add3A_1761 : vector<1024x64xf32>
    %div3A_1765 = arith.constant 1.41421354 : f32
    %div3A_1766 = vector.broadcast %div3A_1765 : f32 to vector<1024x64xf32>
    %div3A_1767 = arith.divf %add3A_1761, %div3A_1766 : vector<1024x64xf32>
    %erf3A_1768 = math.erf %div3A_1767 : vector<1024x64xf32>
    %add3A_1769 = arith.constant 1.000000e+00 : f32
    %add3A_1770 = vector.broadcast %add3A_1769 : f32 to vector<1024x64xf32>
    %add3A_1771 = arith.addf %add3A_1770, %erf3A_1768 : vector<1024x64xf32>
    %mul3A_1772 = arith.mulf %mul3A_1764, %add3A_1771 : vector<1024x64xf32>
    %dot_general3A_1773 = arith.constant dense<0.000000e+00> : vector<1024x64xf32>
    %dot_general3A_1774 = tpu.matmul %mul3A_1772, %get3A_502, %dot_general3A_1773 {dimension_numbers = #tpu.dot_dimension_numbers<[1], [0], [0], [1], [0, 0, 1, 1], [], []>, transpose_lhs_hint = false} : vector<1024x64xf32>, vector<64x64xf32>, vector<1024x64xf32> -> vector<1024x64xf32>
    %add3A_1775 = vector.broadcast %get3A_505 : vector<1x64xf32> to vector<1024x64xf32>
    %add3A_1776 = arith.addf %dot_general3A_1774, %add3A_1775 : vector<1024x64xf32>
    %add3A_1777 = arith.addf %add3A_1776, %add3A_1730 : vector<1024x64xf32>
    %dot_general3A_1778 = arith.constant dense<0.000000e+00> : vector<1024x64xf32>
    %dot_general3A_1779 = tpu.matmul %add3A_1777, %get3A_508, %dot_general3A_1778 {dimension_numbers = #tpu.dot_dimension_numbers<[1], [0], [0], [1], [0, 0, 1, 1], [], []>, transpose_lhs_hint = false} : vector<1024x64xf32>, vector<64x64xf32>, vector<1024x64xf32> -> vector<1024x64xf32>
    %add3A_1780 = vector.broadcast %get3A_511 : vector<1x64xf32> to vector<1024x64xf32>
    %add3A_1781 = arith.addf %dot_general3A_1779, %add3A_1780 : vector<1024x64xf32>
    %swap3A_1782 = arith.constant 6 : index
    %swap3A_1783 = arith.constant 0 : index
    %swap3A_1784 = arith.constant 0 : index
    %swap3A_1785 = vector.load %arg15[%swap3A_1782, %swap3A_1783, %swap3A_1784] : memref<8x1024x64xf32, #tpu.memory_space<vmem>>, vector<1x1024x64xf32>
    %swap3A_1786 = vector.shape_cast %swap3A_1785 : vector<1x1024x64xf32> to vector<1024x64xf32>
    %swap3A_1787 = vector.shape_cast %add3A_1781 : vector<1024x64xf32> to vector<1x1024x64xf32>
    tpu.vector_store %arg15[%swap3A_1782, %swap3A_1783, %swap3A_1784], %swap3A_1787 {strides = array<i32>} : memref<8x1024x64xf32, #tpu.memory_space<vmem>>, vector<1x1024x64xf32>,
    %mul3A_1788 = arith.mulf %convert_element_type3A_337, %convert_element_type3A_39 : vector<1024x64xf32>
    %mul3A_1789 = arith.mulf %convert_element_type3A_337, %convert_element_type3A_82 : vector<1024x64xf32>
    %mul3A_1790 = arith.mulf %convert_element_type3A_337, %convert_element_type3A_125 : vector<1024x64xf32>
    %mul3A_1791 = arith.mulf %convert_element_type3A_337, %convert_element_type3A_168 : vector<1024x64xf32>
    %mul3A_1792 = arith.mulf %convert_element_type3A_337, %convert_element_type3A_211 : vector<1024x64xf32>
    %mul3A_1793 = arith.mulf %convert_element_type3A_337, %convert_element_type3A_254 : vector<1024x64xf32>
    %mul3A_1794 = arith.mulf %convert_element_type3A_337, %convert_element_type3A_297 : vector<1024x64xf32>
    %mul3A_1795 = arith.mulf %convert_element_type3A_337, %convert_element_type3A_340 : vector<1024x64xf32>
    %concatenate3A_1796 = tpu.concatenate %mul3A_1788, %mul3A_1789, %mul3A_1790, %mul3A_1791, %mul3A_1792, %mul3A_1793, %mul3A_1794, %mul3A_1795 in 1 : vector<1024x64xf32>, vector<1024x64xf32>, vector<1024x64xf32>, vector<1024x64xf32>, vector<1024x64xf32>, vector<1024x64xf32>, vector<1024x64xf32>, vector<1024x64xf32> -> vector<1024x512xf32>
    %dot_general3A_1797 = arith.constant dense<0.000000e+00> : vector<1024x16xf32>
    %dot_general3A_1798 = tpu.matmul %concatenate3A_1796, %select_n3A_481, %dot_general3A_1797 {dimension_numbers = #tpu.dot_dimension_numbers<[1], [0], [0], [1], [0, 0, 1, 1], [], []>, precision = #tpu.contract_precision<fp32>, transpose_lhs_hint = false} : vector<1024x512xf32>, vector<512x16xf32>, vector<1024x16xf32> -> vector<1024x16xf32>
    %div3A_1799 = arith.constant 5.65685415 : f32
    %div3A_1800 = vector.broadcast %div3A_1799 : f32 to vector<1024x16xf32>
    %div3A_1801 = arith.divf %dot_general3A_1798, %div3A_1800 : vector<1024x16xf32>
    %slice3A_1802 = vector.extract_strided_slice %div3A_1801 {offsets = [0, 0], sizes = [1024, 8], strides = [1, 1]} : vector<1024x16xf32> to vector<1024x8xf32>
    %reduce_max3A_1803 = arith.constant dense<0xFF800000> : vector<1024xf32>
    %reduce_max3A_1804 = vector.multi_reduction <maximumf>, %slice3A_1802, %reduce_max3A_1803 [1] : vector<1024x8xf32> to vector<1024xf32>
    %broadcast_in_dim3A_1805 = vector.shape_cast %reduce_max3A_1804 : vector<1024xf32> to vector<1024x1xf32>
    %sub3A_1806 = vector.broadcast %broadcast_in_dim3A_1805 : vector<1024x1xf32> to vector<1024x8xf32>
    %sub3A_1807 = arith.subf %slice3A_1802, %sub3A_1806 : vector<1024x8xf32>
    %exp3A_1808 = math.exp %sub3A_1807 : vector<1024x8xf32>
    %reduce_sum3A_1809 = arith.constant dense<0.000000e+00> : vector<1024xf32>
    %reduce_sum3A_1810 = vector.multi_reduction <add>, %exp3A_1808, %reduce_sum3A_1809 [1] : vector<1024x8xf32> to vector<1024xf32>
    %broadcast_in_dim3A_1811 = vector.shape_cast %reduce_sum3A_1810 : vector<1024xf32> to vector<1024x1xf32>
    %div3A_1812 = vector.broadcast %broadcast_in_dim3A_1811 : vector<1024x1xf32> to vector<1024x8xf32>
    %div3A_1813 = arith.divf %exp3A_1808, %div3A_1812 : vector<1024x8xf32>
    %convert_element_type3A_1814 = arith.truncf %div3A_1813 : vector<1024x8xf32> to vector<1024x8xbf16>
    %convert_element_type3A_1815 = arith.extf %convert_element_type3A_1814 : vector<1024x8xbf16> to vector<1024x8xf32>
    %slice3A_1816 = vector.extract_strided_slice %convert_element_type3A_1815 {offsets = [0, 0], sizes = [1024, 1], strides = [1, 1]} : vector<1024x8xf32> to vector<1024x1xf32>
    %slice3A_1817 = vector.extract_strided_slice %convert_element_type3A_42 {offsets = [0, 0], sizes = [1024, 32], strides = [1, 1]} : vector<1024x64xf32> to vector<1024x32xf32>
    %mul3A_1818 = vector.broadcast %slice3A_1816 : vector<1024x1xf32> to vector<1024x32xf32>
    %mul3A_1819 = arith.mulf %mul3A_1818, %slice3A_1817 : vector<1024x32xf32>
    %slice3A_1820 = vector.extract_strided_slice %convert_element_type3A_1815 {offsets = [0, 1], sizes = [1024, 1], strides = [1, 1]} : vector<1024x8xf32> to vector<1024x1xf32>
    %slice3A_1821 = vector.extract_strided_slice %convert_element_type3A_85 {offsets = [0, 0], sizes = [1024, 32], strides = [1, 1]} : vector<1024x64xf32> to vector<1024x32xf32>
    %mul3A_1822 = vector.broadcast %slice3A_1820 : vector<1024x1xf32> to vector<1024x32xf32>
    %mul3A_1823 = arith.mulf %mul3A_1822, %slice3A_1821 : vector<1024x32xf32>
    %add3A_1824 = arith.addf %mul3A_1819, %mul3A_1823 : vector<1024x32xf32>
    %slice3A_1825 = vector.extract_strided_slice %convert_element_type3A_1815 {offsets = [0, 2], sizes = [1024, 1], strides = [1, 1]} : vector<1024x8xf32> to vector<1024x1xf32>
    %slice3A_1826 = vector.extract_strided_slice %convert_element_type3A_128 {offsets = [0, 0], sizes = [1024, 32], strides = [1, 1]} : vector<1024x64xf32> to vector<1024x32xf32>
    %mul3A_1827 = vector.broadcast %slice3A_1825 : vector<1024x1xf32> to vector<1024x32xf32>
    %mul3A_1828 = arith.mulf %mul3A_1827, %slice3A_1826 : vector<1024x32xf32>
    %add3A_1829 = arith.addf %add3A_1824, %mul3A_1828 : vector<1024x32xf32>
    %slice3A_1830 = vector.extract_strided_slice %convert_element_type3A_1815 {offsets = [0, 3], sizes = [1024, 1], strides = [1, 1]} : vector<1024x8xf32> to vector<1024x1xf32>
    %slice3A_1831 = vector.extract_strided_slice %convert_element_type3A_171 {offsets = [0, 0], sizes = [1024, 32], strides = [1, 1]} : vector<1024x64xf32> to vector<1024x32xf32>
    %mul3A_1832 = vector.broadcast %slice3A_1830 : vector<1024x1xf32> to vector<1024x32xf32>
    %mul3A_1833 = arith.mulf %mul3A_1832, %slice3A_1831 : vector<1024x32xf32>
    %add3A_1834 = arith.addf %add3A_1829, %mul3A_1833 : vector<1024x32xf32>
    %slice3A_1835 = vector.extract_strided_slice %convert_element_type3A_1815 {offsets = [0, 4], sizes = [1024, 1], strides = [1, 1]} : vector<1024x8xf32> to vector<1024x1xf32>
    %slice3A_1836 = vector.extract_strided_slice %convert_element_type3A_214 {offsets = [0, 0], sizes = [1024, 32], strides = [1, 1]} : vector<1024x64xf32> to vector<1024x32xf32>
    %mul3A_1837 = vector.broadcast %slice3A_1835 : vector<1024x1xf32> to vector<1024x32xf32>
    %mul3A_1838 = arith.mulf %mul3A_1837, %slice3A_1836 : vector<1024x32xf32>
    %add3A_1839 = arith.addf %add3A_1834, %mul3A_1838 : vector<1024x32xf32>
    %slice3A_1840 = vector.extract_strided_slice %convert_element_type3A_1815 {offsets = [0, 5], sizes = [1024, 1], strides = [1, 1]} : vector<1024x8xf32> to vector<1024x1xf32>
    %slice3A_1841 = vector.extract_strided_slice %convert_element_type3A_257 {offsets = [0, 0], sizes = [1024, 32], strides = [1, 1]} : vector<1024x64xf32> to vector<1024x32xf32>
    %mul3A_1842 = vector.broadcast %slice3A_1840 : vector<1024x1xf32> to vector<1024x32xf32>
    %mul3A_1843 = arith.mulf %mul3A_1842, %slice3A_1841 : vector<1024x32xf32>
    %add3A_1844 = arith.addf %add3A_1839, %mul3A_1843 : vector<1024x32xf32>
    %slice3A_1845 = vector.extract_strided_slice %convert_element_type3A_1815 {offsets = [0, 6], sizes = [1024, 1], strides = [1, 1]} : vector<1024x8xf32> to vector<1024x1xf32>
    %slice3A_1846 = vector.extract_strided_slice %convert_element_type3A_300 {offsets = [0, 0], sizes = [1024, 32], strides = [1, 1]} : vector<1024x64xf32> to vector<1024x32xf32>
    %mul3A_1847 = vector.broadcast %slice3A_1845 : vector<1024x1xf32> to vector<1024x32xf32>
    %mul3A_1848 = arith.mulf %mul3A_1847, %slice3A_1846 : vector<1024x32xf32>
    %add3A_1849 = arith.addf %add3A_1844, %mul3A_1848 : vector<1024x32xf32>
    %slice3A_1850 = vector.extract_strided_slice %convert_element_type3A_1815 {offsets = [0, 7], sizes = [1024, 1], strides = [1, 1]} : vector<1024x8xf32> to vector<1024x1xf32>
    %slice3A_1851 = vector.extract_strided_slice %convert_element_type3A_343 {offsets = [0, 0], sizes = [1024, 32], strides = [1, 1]} : vector<1024x64xf32> to vector<1024x32xf32>
    %mul3A_1852 = vector.broadcast %slice3A_1850 : vector<1024x1xf32> to vector<1024x32xf32>
    %mul3A_1853 = arith.mulf %mul3A_1852, %slice3A_1851 : vector<1024x32xf32>
    %add3A_1854 = arith.addf %add3A_1849, %mul3A_1853 : vector<1024x32xf32>
    %slice3A_1855 = vector.extract_strided_slice %div3A_1801 {offsets = [0, 8], sizes = [1024, 8], strides = [1, 1]} : vector<1024x16xf32> to vector<1024x8xf32>
    %reduce_max3A_1856 = arith.constant dense<0xFF800000> : vector<1024xf32>
    %reduce_max3A_1857 = vector.multi_reduction <maximumf>, %slice3A_1855, %reduce_max3A_1856 [1] : vector<1024x8xf32> to vector<1024xf32>
    %broadcast_in_dim3A_1858 = vector.shape_cast %reduce_max3A_1857 : vector<1024xf32> to vector<1024x1xf32>
    %sub3A_1859 = vector.broadcast %broadcast_in_dim3A_1858 : vector<1024x1xf32> to vector<1024x8xf32>
    %sub3A_1860 = arith.subf %slice3A_1855, %sub3A_1859 : vector<1024x8xf32>
    %exp3A_1861 = math.exp %sub3A_1860 : vector<1024x8xf32>
    %reduce_sum3A_1862 = arith.constant dense<0.000000e+00> : vector<1024xf32>
    %reduce_sum3A_1863 = vector.multi_reduction <add>, %exp3A_1861, %reduce_sum3A_1862 [1] : vector<1024x8xf32> to vector<1024xf32>
    %broadcast_in_dim3A_1864 = vector.shape_cast %reduce_sum3A_1863 : vector<1024xf32> to vector<1024x1xf32>
    %div3A_1865 = vector.broadcast %broadcast_in_dim3A_1864 : vector<1024x1xf32> to vector<1024x8xf32>
    %div3A_1866 = arith.divf %exp3A_1861, %div3A_1865 : vector<1024x8xf32>
    %convert_element_type3A_1867 = arith.truncf %div3A_1866 : vector<1024x8xf32> to vector<1024x8xbf16>
    %convert_element_type3A_1868 = arith.extf %convert_element_type3A_1867 : vector<1024x8xbf16> to vector<1024x8xf32>
    %slice3A_1869 = vector.extract_strided_slice %convert_element_type3A_1868 {offsets = [0, 0], sizes = [1024, 1], strides = [1, 1]} : vector<1024x8xf32> to vector<1024x1xf32>
    %slice3A_1870 = vector.extract_strided_slice %convert_element_type3A_42 {offsets = [0, 32], sizes = [1024, 32], strides = [1, 1]} : vector<1024x64xf32> to vector<1024x32xf32>
    %mul3A_1871 = vector.broadcast %slice3A_1869 : vector<1024x1xf32> to vector<1024x32xf32>
    %mul3A_1872 = arith.mulf %mul3A_1871, %slice3A_1870 : vector<1024x32xf32>
    %slice3A_1873 = vector.extract_strided_slice %convert_element_type3A_1868 {offsets = [0, 1], sizes = [1024, 1], strides = [1, 1]} : vector<1024x8xf32> to vector<1024x1xf32>
    %slice3A_1874 = vector.extract_strided_slice %convert_element_type3A_85 {offsets = [0, 32], sizes = [1024, 32], strides = [1, 1]} : vector<1024x64xf32> to vector<1024x32xf32>
    %mul3A_1875 = vector.broadcast %slice3A_1873 : vector<1024x1xf32> to vector<1024x32xf32>
    %mul3A_1876 = arith.mulf %mul3A_1875, %slice3A_1874 : vector<1024x32xf32>
    %add3A_1877 = arith.addf %mul3A_1872, %mul3A_1876 : vector<1024x32xf32>
    %slice3A_1878 = vector.extract_strided_slice %convert_element_type3A_1868 {offsets = [0, 2], sizes = [1024, 1], strides = [1, 1]} : vector<1024x8xf32> to vector<1024x1xf32>
    %slice3A_1879 = vector.extract_strided_slice %convert_element_type3A_128 {offsets = [0, 32], sizes = [1024, 32], strides = [1, 1]} : vector<1024x64xf32> to vector<1024x32xf32>
    %mul3A_1880 = vector.broadcast %slice3A_1878 : vector<1024x1xf32> to vector<1024x32xf32>
    %mul3A_1881 = arith.mulf %mul3A_1880, %slice3A_1879 : vector<1024x32xf32>
    %add3A_1882 = arith.addf %add3A_1877, %mul3A_1881 : vector<1024x32xf32>
    %slice3A_1883 = vector.extract_strided_slice %convert_element_type3A_1868 {offsets = [0, 3], sizes = [1024, 1], strides = [1, 1]} : vector<1024x8xf32> to vector<1024x1xf32>
    %slice3A_1884 = vector.extract_strided_slice %convert_element_type3A_171 {offsets = [0, 32], sizes = [1024, 32], strides = [1, 1]} : vector<1024x64xf32> to vector<1024x32xf32>
    %mul3A_1885 = vector.broadcast %slice3A_1883 : vector<1024x1xf32> to vector<1024x32xf32>
    %mul3A_1886 = arith.mulf %mul3A_1885, %slice3A_1884 : vector<1024x32xf32>
    %add3A_1887 = arith.addf %add3A_1882, %mul3A_1886 : vector<1024x32xf32>
    %slice3A_1888 = vector.extract_strided_slice %convert_element_type3A_1868 {offsets = [0, 4], sizes = [1024, 1], strides = [1, 1]} : vector<1024x8xf32> to vector<1024x1xf32>
    %slice3A_1889 = vector.extract_strided_slice %convert_element_type3A_214 {offsets = [0, 32], sizes = [1024, 32], strides = [1, 1]} : vector<1024x64xf32> to vector<1024x32xf32>
    %mul3A_1890 = vector.broadcast %slice3A_1888 : vector<1024x1xf32> to vector<1024x32xf32>
    %mul3A_1891 = arith.mulf %mul3A_1890, %slice3A_1889 : vector<1024x32xf32>
    %add3A_1892 = arith.addf %add3A_1887, %mul3A_1891 : vector<1024x32xf32>
    %slice3A_1893 = vector.extract_strided_slice %convert_element_type3A_1868 {offsets = [0, 5], sizes = [1024, 1], strides = [1, 1]} : vector<1024x8xf32> to vector<1024x1xf32>
    %slice3A_1894 = vector.extract_strided_slice %convert_element_type3A_257 {offsets = [0, 32], sizes = [1024, 32], strides = [1, 1]} : vector<1024x64xf32> to vector<1024x32xf32>
    %mul3A_1895 = vector.broadcast %slice3A_1893 : vector<1024x1xf32> to vector<1024x32xf32>
    %mul3A_1896 = arith.mulf %mul3A_1895, %slice3A_1894 : vector<1024x32xf32>
    %add3A_1897 = arith.addf %add3A_1892, %mul3A_1896 : vector<1024x32xf32>
    %slice3A_1898 = vector.extract_strided_slice %convert_element_type3A_1868 {offsets = [0, 6], sizes = [1024, 1], strides = [1, 1]} : vector<1024x8xf32> to vector<1024x1xf32>
    %slice3A_1899 = vector.extract_strided_slice %convert_element_type3A_300 {offsets = [0, 32], sizes = [1024, 32], strides = [1, 1]} : vector<1024x64xf32> to vector<1024x32xf32>
    %mul3A_1900 = vector.broadcast %slice3A_1898 : vector<1024x1xf32> to vector<1024x32xf32>
    %mul3A_1901 = arith.mulf %mul3A_1900, %slice3A_1899 : vector<1024x32xf32>
    %add3A_1902 = arith.addf %add3A_1897, %mul3A_1901 : vector<1024x32xf32>
    %slice3A_1903 = vector.extract_strided_slice %convert_element_type3A_1868 {offsets = [0, 7], sizes = [1024, 1], strides = [1, 1]} : vector<1024x8xf32> to vector<1024x1xf32>
    %slice3A_1904 = vector.extract_strided_slice %convert_element_type3A_343 {offsets = [0, 32], sizes = [1024, 32], strides = [1, 1]} : vector<1024x64xf32> to vector<1024x32xf32>
    %mul3A_1905 = vector.broadcast %slice3A_1903 : vector<1024x1xf32> to vector<1024x32xf32>
    %mul3A_1906 = arith.mulf %mul3A_1905, %slice3A_1904 : vector<1024x32xf32>
    %add3A_1907 = arith.addf %add3A_1902, %mul3A_1906 : vector<1024x32xf32>
    %concatenate3A_1908 = tpu.concatenate %add3A_1854, %add3A_1907 in 1 : vector<1024x32xf32>, vector<1024x32xf32> -> vector<1024x64xf32>
    %dot_general3A_1909 = arith.constant dense<0.000000e+00> : vector<1024x64xf32>
    %dot_general3A_1910 = tpu.matmul %concatenate3A_1908, %get3A_484, %dot_general3A_1909 {dimension_numbers = #tpu.dot_dimension_numbers<[1], [0], [0], [1], [0, 0, 1, 1], [], []>, transpose_lhs_hint = false} : vector<1024x64xf32>, vector<64x64xf32>, vector<1024x64xf32> -> vector<1024x64xf32>
    %add3A_1911 = vector.broadcast %get3A_487 : vector<1x64xf32> to vector<1024x64xf32>
    %add3A_1912 = arith.addf %dot_general3A_1910, %add3A_1911 : vector<1024x64xf32>
    %add3A_1913 = arith.addf %add3A_1912, %get3A_303 : vector<1024x64xf32>
    %reduce_sum3A_1914 = arith.constant dense<0.000000e+00> : vector<1024xf32>
    %reduce_sum3A_1915 = vector.multi_reduction <add>, %add3A_1913, %reduce_sum3A_1914 [1] : vector<1024x64xf32> to vector<1024xf32>
    %broadcast_in_dim3A_1916 = vector.shape_cast %reduce_sum3A_1915 : vector<1024xf32> to vector<1024x1xf32>
    %div3A_1917 = arith.constant 6.400000e+01 : f32
    %div3A_1918 = vector.broadcast %div3A_1917 : f32 to vector<1024x1xf32>
    %div3A_1919 = arith.divf %broadcast_in_dim3A_1916, %div3A_1918 : vector<1024x1xf32>
    %sub3A_1920 = vector.broadcast %div3A_1919 : vector<1024x1xf32> to vector<1024x64xf32>
    %sub3A_1921 = arith.subf %add3A_1913, %sub3A_1920 : vector<1024x64xf32>
    %integer_pow3A_1922 = arith.mulf %sub3A_1921, %sub3A_1921 : vector<1024x64xf32>
    %reduce_sum3A_1923 = arith.constant dense<0.000000e+00> : vector<1024xf32>
    %reduce_sum3A_1924 = vector.multi_reduction <add>, %integer_pow3A_1922, %reduce_sum3A_1923 [1] : vector<1024x64xf32> to vector<1024xf32>
    %broadcast_in_dim3A_1925 = vector.shape_cast %reduce_sum3A_1924 : vector<1024xf32> to vector<1024x1xf32>
    %div3A_1926 = arith.constant 6.400000e+01 : f32
    %div3A_1927 = vector.broadcast %div3A_1926 : f32 to vector<1024x1xf32>
    %div3A_1928 = arith.divf %broadcast_in_dim3A_1925, %div3A_1927 : vector<1024x1xf32>
    %sub3A_1929 = vector.broadcast %div3A_1919 : vector<1024x1xf32> to vector<1024x64xf32>
    %sub3A_1930 = arith.subf %add3A_1913, %sub3A_1929 : vector<1024x64xf32>
    %add3A_1931 = arith.constant 9.99999974E-6 : f32
    %add3A_1932 = vector.broadcast %add3A_1931 : f32 to vector<1024x1xf32>
    %add3A_1933 = arith.addf %div3A_1928, %add3A_1932 : vector<1024x1xf32>
    %sqrt3A_1934 = math.sqrt %add3A_1933 : vector<1024x1xf32>
    %div3A_1935 = vector.broadcast %sqrt3A_1934 : vector<1024x1xf32> to vector<1024x64xf32>
    %div3A_1936 = arith.divf %sub3A_1930, %div3A_1935 : vector<1024x64xf32>
    %mul3A_1937 = vector.broadcast %get3A_490 : vector<1x64xf32> to vector<1024x64xf32>
    %mul3A_1938 = arith.mulf %div3A_1936, %mul3A_1937 : vector<1024x64xf32>
    %add3A_1939 = vector.broadcast %get3A_493 : vector<1x64xf32> to vector<1024x64xf32>
    %add3A_1940 = arith.addf %mul3A_1938, %add3A_1939 : vector<1024x64xf32>
    %dot_general3A_1941 = arith.constant dense<0.000000e+00> : vector<1024x64xf32>
    %dot_general3A_1942 = tpu.matmul %add3A_1940, %get3A_496, %dot_general3A_1941 {dimension_numbers = #tpu.dot_dimension_numbers<[1], [0], [0], [1], [0, 0, 1, 1], [], []>, transpose_lhs_hint = false} : vector<1024x64xf32>, vector<64x64xf32>, vector<1024x64xf32> -> vector<1024x64xf32>
    %add3A_1943 = vector.broadcast %get3A_499 : vector<1x64xf32> to vector<1024x64xf32>
    %add3A_1944 = arith.addf %dot_general3A_1942, %add3A_1943 : vector<1024x64xf32>
    %mul3A_1945 = arith.constant 5.000000e-01 : f32
    %mul3A_1946 = vector.broadcast %mul3A_1945 : f32 to vector<1024x64xf32>
    %mul3A_1947 = arith.mulf %mul3A_1946, %add3A_1944 : vector<1024x64xf32>
    %div3A_1948 = arith.constant 1.41421354 : f32
    %div3A_1949 = vector.broadcast %div3A_1948 : f32 to vector<1024x64xf32>
    %div3A_1950 = arith.divf %add3A_1944, %div3A_1949 : vector<1024x64xf32>
    %erf3A_1951 = math.erf %div3A_1950 : vector<1024x64xf32>
    %add3A_1952 = arith.constant 1.000000e+00 : f32
    %add3A_1953 = vector.broadcast %add3A_1952 : f32 to vector<1024x64xf32>
    %add3A_1954 = arith.addf %add3A_1953, %erf3A_1951 : vector<1024x64xf32>
    %mul3A_1955 = arith.mulf %mul3A_1947, %add3A_1954 : vector<1024x64xf32>
    %dot_general3A_1956 = arith.constant dense<0.000000e+00> : vector<1024x64xf32>
    %dot_general3A_1957 = tpu.matmul %mul3A_1955, %get3A_502, %dot_general3A_1956 {dimension_numbers = #tpu.dot_dimension_numbers<[1], [0], [0], [1], [0, 0, 1, 1], [], []>, transpose_lhs_hint = false} : vector<1024x64xf32>, vector<64x64xf32>, vector<1024x64xf32> -> vector<1024x64xf32>
    %add3A_1958 = vector.broadcast %get3A_505 : vector<1x64xf32> to vector<1024x64xf32>
    %add3A_1959 = arith.addf %dot_general3A_1957, %add3A_1958 : vector<1024x64xf32>
    %add3A_1960 = arith.addf %add3A_1959, %add3A_1913 : vector<1024x64xf32>
    %dot_general3A_1961 = arith.constant dense<0.000000e+00> : vector<1024x64xf32>
    %dot_general3A_1962 = tpu.matmul %add3A_1960, %get3A_508, %dot_general3A_1961 {dimension_numbers = #tpu.dot_dimension_numbers<[1], [0], [0], [1], [0, 0, 1, 1], [], []>, transpose_lhs_hint = false} : vector<1024x64xf32>, vector<64x64xf32>, vector<1024x64xf32> -> vector<1024x64xf32>
    %add3A_1963 = vector.broadcast %get3A_511 : vector<1x64xf32> to vector<1024x64xf32>
    %add3A_1964 = arith.addf %dot_general3A_1962, %add3A_1963 : vector<1024x64xf32>
    %swap3A_1965 = arith.constant 7 : index
    %swap3A_1966 = arith.constant 0 : index
    %swap3A_1967 = arith.constant 0 : index
    %swap3A_1968 = vector.load %arg15[%swap3A_1965, %swap3A_1966, %swap3A_1967] : memref<8x1024x64xf32, #tpu.memory_space<vmem>>, vector<1x1024x64xf32>
    %swap3A_1969 = vector.shape_cast %swap3A_1968 : vector<1x1024x64xf32> to vector<1024x64xf32>
    %swap3A_1970 = vector.shape_cast %add3A_1964 : vector<1024x64xf32> to vector<1x1024x64xf32>
    tpu.vector_store %arg15[%swap3A_1965, %swap3A_1966, %swap3A_1967], %swap3A_1970 {strides = array<i32>} : memref<8x1024x64xf32, #tpu.memory_space<vmem>>, vector<1x1024x64xf32>,
    return
  }
}

</mosaic_0001>

<sc_bundles>
// kernel: kernel.5.cloned.1.call-start
scs
__scs_entry_jumppad:
0x0: {  	(pc) =	sbr.rel $0x88, $3  }
0x1: {  	(tag) =	ssettag $0x0;
	lr =	simm.s32 $0x1  }
0x2: {  	[smem:$0x3F90] =	sst lr;
	_ =	strace $0xD0000000  }
0x3: {  	_ = 	snop  }
0x4: {  	_ = 	snop  }
0x5: {  	_ = 	snop  }
0x6: {  	_ = 	snop  }
0x7: {  	_ = 	snop  }
__scs_overlays_trampoline_lowered:
0x8: {  	[smem:$0x3F9F] =	sst s0  }
0x9: {  	[smem:$0x3FA0] =	sst s1  }
0xa: {  	[smem:$0x3FA1] =	sst s2  }
0xb: {  	[smem:$0x3FA2] =	sst s3  }
0xc: {  	[smem:$0x3FA3] =	sst s4  }
0xd: {  	[smem:$0x3FA4] =	sst s5  }
0xe: {  	[smem:$0x3FA5] =	sst s6  }
0xf: {  	[smem:$0x3FA6] =	sst s7  }
0x10: {  	[smem:$0x3FA7] =	sst s8  }
0x11: {  	[smem:$0x3FA8] =	sst s9;
	s0 =	simm.s32 @!p0 $0x0  }
0x12: {  	s1 =	sld [smem:$0x3F8E];
	s0 =	simm.s32 @p0 $0x1  }
0x13: {  	[smem:$0x3FA9] =	sst s0;
	s0 =	simm.s32 @!p1 $0x0  }
0x14: {  	s2 =	sld [smem:$0x3F8D];
	s0 =	simm.s32 @p1 $0x1  }
0x15: {  	[smem:$0x3FAA] =	sst s0;
	s0 =	simm.s32 @!p2 $0x0  }
0x16: {  	s3 =	sld [smem:$0x3FDB];
	s0 =	simm.s32 @p2 $0x1  }
0x17: {  	s4 =	simm.s32 $0x1BF5;
	[smem:$0x3FAC] =	sst s0  }
0x18: {  	s0 =	sld [smem:$0x3F8F];
	_ =	swait.ge [sflag:s4], $0x0  }
0x19: {  	s7 =	sld [smem:$0x3F90]  }
0x1a: {  	s8 =	sadd.s32 $0xFFFFE003, lr  }
0x1b: {  	s9 =	sadd.s32 $0xFFFFFEF7, lr;
	s5 =	simm.s32 $0xFFFFFFFF;
	p2 =	slt.u32 s8, $0xFFFFF086  }
0x1c: {  	p1 =	slt.u32 s9, $0xF7A;
	s5 =	simm.s32 @!p2 $0x0  }
0x1d: {  	s5 =	simm.s32 @p1 $0x1;
	p0 =	seq.s32 s7, s2  }
0x1e: {  	s7 =	smul.u32 @!p0 $0xF7A, s2;
	p2 =	seq.s32 @!p0 s5, $0x0  }
0x1f: {  	s9 =	smul.u32 $0xF7A, s1;
	s8 =	simm.s32 @!p0 $0x1BF5;
	p2 =	por !p2, p0  }
0x20: {  	[sflag:s8] =	ssyncset.s32 @!p0 $0xFFFFF086;
	s6 =	sadd.s32 @!p0 s3, s7;
	s7 =	simm.s32 @!p0 $0x108  }
0x21: {  	s3 =	sadd.s32 s3, s9;
	s6 =	sadd.s32 @!p0 $0x88, s6;
	s7 =	simm.s32 @p2 $0x1082  }
0x22: {  	[simem:s7], [sflag:s8] =	dma.local @!p0 [hbm:s6], $0xF7A  }
0x23: {  	s9 =	sor.u32 $0xD0000000, s2;
	s6 =	simm.s32 $0x108;
	_ =	swait.ge @!p0 [sflag:s8], $0x0  }
0x24: {  	s3 =	sadd.s32 $0x88, s3;
	s6 =	simm.s32 @!p1 $0x1082;
	[sflag:s4] =	ssyncset.s32 $0xFFFFF086  }
0x25: {  	[simem:s6], [sflag:s4] =	dma.local [hbm:s3], $0xF7A  }
0x26: {  	[smem:$0x3F90] =	sst s1;
	(tag) =	ssettag s2;
	_ =	strace s9  }
0x27: {  	s1 =	sld [smem:$0x3FA0]  }
0x28: {  	s2 =	sld [smem:$0x3FA1]  }
0x29: {  	s4 =	sld [smem:$0x3FA3]  }
0x2a: {  	p0 =	seq.s32 s5, $0x0;
	s5 =	sld [smem:$0x3FA4]  }
0x2b: {  	s6 =	sld [smem:$0x3FA5]  }
0x2c: {  	s7 =	sld [smem:$0x3FA6]  }
0x2d: {  	s3 =	simm.s32 $0x108;
	s8 =	sld [smem:$0x3FA7]  }
0x2e: {  	s3 =	simm.s32 @!p0 $0x1082;
	s9 =	sld [smem:$0x3FA8]  }
0x2f: {  	lr =	sadd.s32 s0, s3;
	s0 =	sld [smem:$0x3F9F]  }
0x30: {  	s3 =	sld [smem:$0x3FA2]  }
0x31: {  	[smem:$0x3FAB] =	sst s10  }
0x32: {  	s10 =	sld [smem:$0x3FA9];
	_ =	sdelay $0x3  }
0x33: {  	p0 =	seq.s32 s10, $0x1;
	s10 =	sld [smem:$0x3FAB];
	_ =	sdelay $0x3  }
0x34: {  	[smem:$0x3FAB] =	sst s10  }
0x35: {  	s10 =	sld [smem:$0x3FAA];
	_ =	sdelay $0x3  }
0x36: {  	p1 =	seq.s32 s10, $0x1;
	s10 =	sld [smem:$0x3FAB];
	_ =	sdelay $0x3  }
0x37: {  	[smem:$0x3FAB] =	sst s10  }
0x38: {  	s10 =	sld [smem:$0x3FAC]  }
0x39: {  	_ = 	snop;
	(pc) =	sbr.ind lr, $3  }
0x3a: {  	_ = 	snop  }
0x3b: {  	_ = 	snop  }
0x3c: {  	p2 =	seq.s32 s10, $0x1;
	s10 =	sld [smem:$0x3FAB]  }
0x3d: {  	_ =	shalt  }
0x3e: {  	_ =	shalt  }
0x3f: {  	_ =	shalt  }
0x40: {  	_ =	shalt  }
0x41: {  	_ =	shalt  }
0x42: {  	_ =	shalt  }
0x43: {  	_ =	shalt  }
0x44: {  	_ =	shalt  }
0x45: {  	_ =	shalt  }
0x46: {  	_ =	shalt  }
0x47: {  	_ =	shalt  }
0x48: {  	_ =	shalt  }
0x49: {  	_ =	shalt  }
0x4a: {  	_ =	shalt  }
0x4b: {  	_ =	shalt  }
0x4c: {  	_ =	shalt  }
0x4d: {  	_ =	shalt  }
0x4e: {  	_ =	shalt  }
0x4f: {  	_ =	shalt  }
0x50: {  	_ =	shalt  }
0x51: {  	_ =	shalt  }
0x52: {  	_ =	shalt  }
0x53: {  	_ =	shalt  }
0x54: {  	_ =	shalt  }
0x55: {  	_ =	shalt  }
0x56: {  	_ =	shalt  }
0x57: {  	_ =	shalt  }
0x58: {  	_ =	shalt  }
0x59: {  	_ =	shalt  }
0x5a: {  	_ =	shalt  }
0x5b: {  	_ =	shalt  }
0x5c: {  	_ =	shalt  }
0x5d: {  	_ =	shalt  }
0x5e: {  	_ =	shalt  }
0x5f: {  	_ =	shalt  }
0x60: {  	_ =	shalt  }
0x61: {  	_ =	shalt  }
0x62: {  	_ =	shalt  }
0x63: {  	_ =	shalt  }
0x64: {  	_ =	shalt  }
0x65: {  	_ =	shalt  }
0x66: {  	_ =	shalt  }
0x67: {  	_ =	shalt  }
0x68: {  	_ =	shalt  }
0x69: {  	_ =	shalt  }
0x6a: {  	_ =	shalt  }
0x6b: {  	_ =	shalt  }
0x6c: {  	_ =	shalt  }
0x6d: {  	_ =	shalt  }
0x6e: {  	_ =	shalt  }
0x6f: {  	_ =	shalt  }
0x70: {  	_ =	shalt  }
0x71: {  	_ =	shalt  }
0x72: {  	_ =	shalt  }
0x73: {  	_ =	shalt  }
0x74: {  	_ =	shalt  }
0x75: {  	_ =	shalt  }
0x76: {  	_ =	shalt  }
0x77: {  	_ =	shalt  }
0x78: {  	_ =	shalt  }
0x79: {  	_ =	shalt  }
0x7a: {  	_ =	shalt  }
0x7b: {  	_ =	shalt  }
0x7c: {  	_ =	shalt  }
0x7d: {  	_ =	shalt  }
0x7e: {  	_ =	shalt  }
0x7f: {  	_ =	shalt  }
0x80: {  	_ =	shalt  }
0x81: {  	_ =	shalt  }
0x82: {  	_ =	shalt  }
0x83: {  	_ =	shalt  }
0x84: {  	_ =	shalt  }
0x85: {  	_ =	shalt  }
0x86: {  	_ =	shalt  }
0x87: {  	_ =	shalt  }
.Lfunc_end0:
.L_simem_size_0:
called_computation_lowered:
.L_overlay_start_0:
0x88: {  	s2 =	sld [smem:$0x3FD9]  }
0x89: {  	s3 =	sld [smem:$0x3FFE];
	_ =	sdelay $0x1  }
0x8a: {  	s1 =	srdreg.scid  }
0x8b: {  	s0 =	sand.u32 $0x1, s1  }
0x8c: {  	s17 =	sshll.u32 s0, $0xA;
	s2 =	sadd.s32 s3, s2  }
0x8d: {  	s2 =	sadd.s32 s2, s17  }
0x8e: {  	[smem:$0x3FB7] =	sst s2  }
0x8f: {  	_ = 	snop  }
0x90: {  	s2 =	sld [smem:$0x3FD0];
	(tm) =	ssettm $0x1  }
0x91: {  	s18 =	sld [smem:$0x3FFB];
	_ =	sdelay $0x3  }
0x92: {  	_ =	strace s18  }
0x93: {  	s3 =	sld [smem:$0x3FFC];
	_ =	sdelay $0x3  }
0x94: {  	_ =	strace s3  }
0x95: {  	s3 =	sld [smem:$0x3FFD];
	_ =	sdelay $0x3  }
0x96: {  	_ =	strace s3  }
0x97: {  	_ =	strace $0x8FFFFFFF  }
0x98: {  	s19 =	sld [smem:$0x3FDB];
	_ =	sdelay $0x1  }
0x99: {  	s4 =	simm.s32 $_scs_section_size  }
0x9a: {  	s5 =	simm.s32 $_size__tile_overlayer_lowered;
	s6 =	simm.s32 $_tile_overlayer_lowered  }
0x9b: {  	s22 =	simm.s32 $0x1BFF;
	s21 =	sshll.u32 s6, $0x1;
	s3 =	sadd.s32 s4, s19  }
0x9c: {  	s7 =	simm.s32 $0x0;
	s20 =	sshll.u32 s5, $0x1;
	s5 =	sadd.s32 s21, s3  }
0x9d: {  	[timem:s7], [sflag:s22] =	dma.local [hbm:s5], s20  }
0x9e: {  	_ =	swait.ge [sflag:s22], s20  }
0x9f: {  	s4 =	ssub.s32 $0x0, s20;
	[sflag:s22] =	ssyncset.done $0x0  }
0xa0: {  	[sflag:s22] =	ssyncadd.s32 s4;
	_ =	sdelay $0x1  }
0xa1: {  	s23 =	simm.s32 $0x1B8B  }
0xa2: {  	_ =	swait.ge [sflag:s23], $0x1  }
0xa3: {  	[sflag:s23] =	ssyncset.done $0x0  }
0xa4: {  	s25 =	simm.s32 $0x1B8E;
	s24 =	sld [smem:$0x3FFE];
	[sflag:s23] =	ssyncadd.s32 $0xFFFFFFFF  }
0xa5: {  	s26 =	simm.s32 $execute0_lowered;
	[smem:$0x3FD2] =	sst s25  }
0xa6: {  	s5 =	sshll.u32 s26, $0x1;
	_ =	strace $0x80000046;
	[dreg:$0x1] =	wrdreg $0xFFFFFFFF  }
0xa7: {  	s28 =	simm.s32 $_size_execute0_lowered;
	s3 =	sadd.s32 s3, s5;
	[dreg:$0x0] =	wrdreg $0x0  }
0xa8: {  	s5 =	sshll.u32 s28, $0x1;
	[dreg:$0x2] =	wrdreg s3  }
0xa9: {  	[dreg:$0x3] =	wrdreg s5  }
0xaa: {  	[dreg:$0x4] =	wrdreg $0xC0  }
0xab: {  	_ =	task [dreg:s7], $0x5FFFF  }
0xac: {  	[dreg:$0x1] =	wrdreg $0xFFFFFFFF  }
0xad: {  	[dreg:$0x0] =	wrdreg $0x60  }
0xae: {  	[dreg:$0x2] =	wrdreg s24  }
0xaf: {  	[dreg:$0x3] =	wrdreg s2  }
0xb0: {  	[dreg:$0x4] =	wrdreg $0x9  }
0xb1: {  	_ =	task.clear_ibuf [dreg:s7], $0x5FFFF;
	_ =	strace $0x90000046  }
0xb2: {  	s29 =	simm.s32 $0x9;
	_ =	strace $0x80000048  }
0xb3: {  	_ =	swait.ge [sflag:s29], $0x1  }
0xb4: {  	[sflag:s29] =	ssyncadd.s32 $0xFFFFFFFF  }
0xb5: {  	_ =	strace $0x90000048  }
0xb6: {  	_ =	sfence  }
0xb7: {  	s30 =	sld [smem:$0x0];
	_ =	sdelay $0x2  }
0xb8: {  	s31 =	sshll.u32 s1, $0xD;
	s1 =	sshrl.u32 s1, $0x2  }
0xb9: {  	s3 =	sand.u32 $0x4000, s31;
	s1 =	sadd.s32 s1, s30  }
0xba: {  	s0 =	sor.u32 s3, s0;
	s1 =	sshll.u32 s1, $0x11  }
0xbb: {  	s0 =	sor.u32 s1, s0  }
0xbc: {  	s0 =	sadd.s32 $0x8F2B, s0  }
0xbd: {  	[sflag:s0] =	ssyncadd.remote.s32 $0x1  }
0xbe: {  	_ =	sfence.sel $0xFFFF  }
0xbf: {  	[dreg:$0x0] =	wrdreg $0xFFFFFFFF;
	(pc) =	sbr.abs _section_cstart, $3  }
0xc0: {  	[dreg:$0x1] =	wrdreg $0xFFFFFFFF  }
0xc1: {  	_ =	task.clear_ibuf [dreg:s7], $0x2FFFF;
	_ =	strace $0x9FFFFFFF  }
0xc2: {  	(tm) =	ssettm $0x7FFFFFFF  }
0xc3: {  	_ =	shalt  }
tec
execute0_lowered:
.L_overlay_start_1:
0x0: {  	(tag) =	ssettag $0x1  }
0x1: {  	s4 =	rddreg [dreg:$0x0]  }
0x2: {  	s8 =	rddreg [dreg:$0x1]  }
0x3: {  	s0 =	rddreg [dreg:$0x2]  }
0x4: {  	s3 =	srdreg.scid;
	s1 =	stileid.u32  }
0x5: {  	s2 =	simm.s32 $0x0;
	s5 =	sand.u32 $0x1, s3;
	s28 =	sshll.u32 s1, $0x1  }
0x6: {  	[smem:$0x7FF] =	sst s2;
	s3 =	sadd.s32 $0x202A00, s4;
	s6 =	sor.u32 s5, s28  }
0x7: {  	s30 =	sshll.u32 s1, $0x2;
	_ =	strace $0x80000047;
	s7 =	sshll.u32 s6, $0x5  }
0x8: {  	s29 =	ssub.s32 $0x2, s5;
	s11 =	sand.u32 $0x38, s30;
	s4 =	sadd.s32 s7, s4  }
0x9: {  	s9 =	sshrl.u32 s29, $0x1;
	s5 =	sadd.s32 $0x2A00, s4;
	s4 =	simm.s32 $0x2  }
0xa: {  	[tilespmem:s2], [sflag:$0x2] =	stream.linear.gather [hbm4b:s5+s2], $0x100, $0x38;
	[tilespmem:$0x4100] =	vst v63  }
0xb: {  	s10 =	sshll.u32 s6, $0xE;
	s6 =	simm.s32 $0x100;
	_ =	swait.ge [sflag:s4], $0x100  }
0xc: {  	s8 =	sadd.s32 s8, s11;
	s9 =	ssub.s32 s29, s9;
	[sflag:s4] =	ssyncset.done $0x0  }
0xd: {  	s7 =	simm.s32 $0x1;
	s31 =	smax.u32 s9, $0x1;
	[sflag:s4] =	ssyncadd.s32 $0xFFFFFF00  }
0xe: {  	[tilespmem:s6], [sflag:$0x1] =	stream.indirect.gather [hbm4b:s3+s6], $0x40, s2, s6, $0xb8;
	[tilespmem:$0x4100] =	vst v63  }
0xf: {  	s10 =	sand.u32 $0xC000, s10;
	p0 =	sne.s32 s31, $0x1;
	_ =	swait.ge [sflag:s7], $0x4000  }
.Ltmp0:
0x10: {  	s8 =	sadd.s32 s10, s8;
	[sflag:s7] =	ssyncset.done $0x0;
	(pc) =	sbr.rel @!p0 .LBB2_2-.Ltmp0, $4  }
0x11: {  	s9 =	simm.s32 $0x40;
	s10 =	simm.s32 $0x200;
	[sflag:s7] =	ssyncadd.s32 $0xFFFFC000  }
0x12: {  	[hbm4b:s8+s9] =	stream.strided.scatter [tilespmem:s6], [sflag:$0x2], $0x4000, s10, s9, $0x38;
	[tilespmem:$0x4100] =	vst v63  }
0x13: {  	_ =	swait.ge [sflag:s4], $0x4000  }
0x14: {  	s11 =	sadd.s32 $0xFFFFFFFF, s31;
	[sflag:s4] =	ssyncset.done $0x0  }
.LBB2_1:
0x15: {  	p0 =	sne.s32 s11, $0x1;
	s11 =	sadd.s32 $0xFFFFFFFF, s11;
	[sflag:s4] =	ssyncadd.s32 $0xFFFFC000  }
0x16: {  	[tilespmem:s2], [sflag:$0x2] =	stream.linear.gather [hbm4b:s5+s2], $0x100, $0x38;
	[tilespmem:$0x4100] =	vst v63  }
0x17: {  	_ =	swait.ge [sflag:s4], $0x100  }
0x18: {  	[sflag:s4] =	ssyncset.done $0x0  }
0x19: {  	[sflag:s4] =	ssyncadd.s32 $0xFFFFFF00  }
0x1a: {  	[tilespmem:s6], [sflag:$0x1] =	stream.indirect.gather [hbm4b:s3+s6], $0x40, s2, s6, $0xb8;
	[tilespmem:$0x4100] =	vst v63  }
0x1b: {  	_ =	swait.ge [sflag:s7], $0x4000  }
.Ltmp1:
0x1c: {  	[sflag:s7] =	ssyncset.done $0x0;
	(pc) =	sbr.rel @p0 .LBB2_1-.Ltmp1, $4  }
0x1d: {  	[sflag:s7] =	ssyncadd.s32 $0xFFFFC000  }
0x1e: {  	[hbm4b:s8+s9] =	stream.strided.scatter [tilespmem:s6], [sflag:$0x2], $0x4000, s10, s9, $0x38;
	[tilespmem:$0x4100] =	vst v63  }
0x1f: {  	_ =	swait.ge [sflag:s4], $0x4000  }
0x20: {  	[sflag:s4] =	ssyncset.done $0x0  }
.LBB2_2:
0x21: {  	[sflag:s4] =	ssyncadd.s32 $0xFFFFC000  }
0x22: {  	_ =	sfence.sel $0x180000  }
0x23: {  	[bflag:$0x0] =	sbarrier.arrive $0xFFFF  }
0x24: {  	p0 =	sne.s32 s1, $0x0;
	_ =	strace $0x90000047  }
0x25: {  	s0 =	sadd.s32 @!p0 $0x100000, s0;
	[bflag:$0x2] =	sbarrier.arrive $0xFFFF  }
0x26: {  	[sflag:s0] =	ssyncadd.tile.s32 @!p0 $0x1;
	_ =	shalt  }
.Lfunc_end2:
_tile_overlayer_lowered:
.L_overlay_start_2:
0x27: {  	(tag) =	ssettag $0x2  }
0x28: {  	s0 =	rddreg [dreg:$0x0];
	s2 =	stileid.u32  }
0x29: {  	s1 =	rddreg [dreg:$0x1];
	p0 =	sne.s32 s2, $0x0  }
0x2a: {  	s3 =	rddreg [dreg:$0x2];
	[bflag:$0x3] =	sbarrier.arrive $0xFFFF;
	s2 =	simm.s32 @!p0 $0x1C02  }
0x2b: {  	[timem:s3], [sflag:s2] =	dma.local @!p0 [hbm:s0], s1  }
0x2c: {  	s0 =	simm.s32 @!p0 $0x2  }
0x2d: {  	_ =	swait.ge @!p0 [sflag:s0], s1  }
0x2e: {  	s1 =	ssub.s32 @!p0 $0x0, s1;
	[sflag:s0] =	ssyncset.done @!p0 $0x0  }
0x2f: {  	[sflag:s0] =	ssyncadd.s32 @!p0 s1  }
0x30: {  	[bflag:$0x3] =	sbarrier.arrive $0xFFFF  }
0x31: {  	_ =	shalt  }

</sc_bundles>
